<compile_context>
chip_gen: v7x
topology: tpu7x:2x2x1
jax: 0.10.2.dev20260603
libtpu: 0.0.44.dev20260713+nightly
codegen_flags: <defaults>
</compile_context>

<pallas_src>
import functools

import jax
import jax.numpy as jnp
from jax import lax
from jax.experimental import pallas as pl
from jax.experimental.pallas import tpu as pltpu
from jax.experimental.pallas import tpu_sc as plsc

N_NODES = 10000
N_EDGES = 320000
D = 128
HID = 256
OUT = 128
NUM_LAYERS = 3
NUM_GRAPHS = 64

NC = 2
NS = 16
NW = NC * NS
CHUNK = 128
NPAD = 10240
K0 = 144
K1 = 16
TOTAL_CHUNKS = NS * (K0 + K1)
EDGES_PAD = TOTAL_CHUNKS * CHUNK
ROWS_PER_TILE = NPAD // NS
NBUF = 2
PHASE = 16

BM = 2000
GRID = N_NODES // BM


def _sc_scatter_partials(m, src2d, dst2d):
    mesh = plsc.VectorSubcoreMesh(core_axis_name="c", subcore_axis_name="s")

    @functools.partial(
        pl.kernel,
        out_type=jax.ShapeDtypeStruct((NC, NPAD, D), jnp.float32),
        mesh=mesh,
        scratch_types=[
            pltpu.VMEM((PHASE, CHUNK), jnp.int32),
            pltpu.VMEM((PHASE, CHUNK), jnp.int32),
            [pltpu.VMEM((CHUNK, D), jnp.float32)] * NBUF,
            pltpu.VMEM_SHARED((NPAD, D), jnp.float32),
            [pltpu.SemaphoreType.DMA] * NBUF,
        ],
    )
    def k(m_hbm, src_hbm, dst_hbm, out_hbm, src_v, dst_v, bufs,
          agg_sh, sems):
        c = lax.axis_index("c")
        s = lax.axis_index("s")
        my_chunks = jnp.where(c == 0, K0, K1)
        my_base = jnp.where(c == 0, s * K0, NS * K0 + s * K1)

        zv = jnp.zeros((16,), jnp.float32)

        def zfill(t, carry):
            bufs[0][t // (D // 16), pl.ds((t % (D // 16)) * 16, 16)] = zv
            return carry
        lax.fori_loop(0, CHUNK * D // 16, zfill, 0)

        def zero_body(i, carry):
            pltpu.sync_copy(
                bufs[0],
                agg_sh.at[pl.ds(s * ROWS_PER_TILE + i * CHUNK, CHUNK)])
            return carry
        lax.fori_loop(0, ROWS_PER_TILE // CHUNK, zero_body, 0)
        plsc.subcore_barrier()

        def phase_body(phase, pcarry):
            base = my_base + phase * PHASE
            pltpu.sync_copy(src_hbm.at[pl.ds(base, PHASE)], src_v)
            pltpu.sync_copy(dst_hbm.at[pl.ds(base, PHASE)], dst_v)
            for b in range(NBUF):
                pltpu.async_copy(m_hbm.at[src_v.at[b]], bufs[b], sems[b])

            def body(j, carry):
                for b in range(NBUF):
                    i = j * NBUF + b
                    pltpu.make_async_copy(
                        m_hbm.at[src_v.at[i]], bufs[b], sems[b]).wait()
                    pltpu.sync_copy(bufs[b], agg_sh.at[dst_v.at[i]],
                                    add=True)

                    @pl.when(i + NBUF < PHASE)
                    def _():
                        pltpu.async_copy(
                            m_hbm.at[src_v.at[i + NBUF]], bufs[b],
                            sems[b])
                return carry
            lax.fori_loop(0, PHASE // NBUF, body, 0)
            return pcarry
        lax.fori_loop(0, my_chunks // PHASE, phase_body, 0)

        plsc.subcore_barrier()
        pltpu.sync_copy(
            agg_sh.at[pl.ds(s * ROWS_PER_TILE, ROWS_PER_TILE)],
            out_hbm.at[c, pl.ds(s * ROWS_PER_TILE, ROWS_PER_TILE)])

    return k(m, src2d, dst2d)


def _pre_body(x_ref, w0_ref, whh_ref, bhh_ref, m_ref, gh_ref):
    xb = x_ref[...]
    m_ref[...] = jnp.dot(xb, w0_ref[...], preferred_element_type=jnp.float32)
    gh_ref[...] = (
        jnp.dot(xb, whh_ref[...], preferred_element_type=jnp.float32)
        + bhh_ref[...])


def _gru(p0, p1, h, gh, wih, bih):
    agg = p0 + p1
    gi = jnp.dot(agg, wih, preferred_element_type=jnp.float32) + bih
    r = jax.nn.sigmoid(gi[:, :D] + gh[:, :D])
    z = jax.nn.sigmoid(gi[:, D:2 * D] + gh[:, D:2 * D])
    n = jnp.tanh(gi[:, 2 * D:] + r * gh[:, 2 * D:])
    return (1.0 - z) * n + z * h


def _layer_body(p0_ref, p1_ref, h_ref, gh_ref, wih_ref, bih_ref, wn_ref,
                whh_ref, bhh_ref, hn_ref, m_ref, ghn_ref):
    hn = _gru(p0_ref[...], p1_ref[...], h_ref[...], gh_ref[...],
              wih_ref[...], bih_ref[...])
    hn_ref[...] = hn
    m_ref[...] = jnp.dot(hn, wn_ref[...], preferred_element_type=jnp.float32)
    ghn_ref[...] = (
        jnp.dot(hn, whh_ref[...], preferred_element_type=jnp.float32)
        + bhh_ref[...])


def _final_body(p0_ref, p1_ref, h_ref, gh_ref, wih_ref, bih_ref, batch_ref,
                w1_ref, b1_ref, w2_ref, b2_ref, out_ref, pooled_ref):
    i = pl.program_id(0)

    @pl.when(i == 0)
    def _():
        pooled_ref[...] = jnp.zeros_like(pooled_ref)

    hn = _gru(p0_ref[...], p1_ref[...], h_ref[...], gh_ref[...],
              wih_ref[...], bih_ref[...])
    seg = batch_ref[...].reshape(1, BM)
    gids = lax.broadcasted_iota(jnp.int32, (NUM_GRAPHS, BM), 0)
    onehot = (gids == seg).astype(jnp.float32)
    pooled_ref[...] += jnp.dot(onehot, hn,
                               preferred_element_type=jnp.float32)

    @pl.when(i == GRID - 1)
    def _():
        hm = jax.nn.relu(
            jnp.dot(pooled_ref[...], w1_ref[...],
                    preferred_element_type=jnp.float32) + b1_ref[...])
        out_ref[...] = (
            jnp.dot(hm, w2_ref[...], preferred_element_type=jnp.float32)
            + b2_ref[...])


def _row_spec(width):
    return pl.BlockSpec((BM, width), lambda i: (i, 0))


def _full_spec(rows, cols):
    return pl.BlockSpec((rows, cols), lambda i: (0, 0))


def _pre_call(x, w0, whh_t, bhh2):
    return pl.pallas_call(
        _pre_body,
        grid=(GRID,),
        in_specs=[_row_spec(D), _full_spec(D, D), _full_spec(D, 3 * D),
                  _full_spec(1, 3 * D)],
        out_specs=[_row_spec(D), _row_spec(3 * D)],
        out_shape=[jax.ShapeDtypeStruct((N_NODES, D), jnp.float32),
                   jax.ShapeDtypeStruct((N_NODES, 3 * D), jnp.float32)],
    )(x, w0, whh_t, bhh2)


def _layer_call(p0, p1, h, gh, wih_t, bih2, wn, whh_t, bhh2):
    return pl.pallas_call(
        _layer_body,
        grid=(GRID,),
        in_specs=[_row_spec(D), _row_spec(D), _row_spec(D), _row_spec(3 * D),
                  _full_spec(D, 3 * D), _full_spec(1, 3 * D),
                  _full_spec(D, D), _full_spec(D, 3 * D),
                  _full_spec(1, 3 * D)],
        out_specs=[_row_spec(D), _row_spec(D), _row_spec(3 * D)],
        out_shape=[jax.ShapeDtypeStruct((N_NODES, D), jnp.float32),
                   jax.ShapeDtypeStruct((N_NODES, D), jnp.float32),
                   jax.ShapeDtypeStruct((N_NODES, 3 * D), jnp.float32)],
    )(p0, p1, h, gh, wih_t, bih2, wn, whh_t, bhh2)


def _final_call(p0, p1, h, gh, wih_t, bih2, batch3, w1, b12, w2, b22):
    return pl.pallas_call(
        _final_body,
        grid=(GRID,),
        in_specs=[_row_spec(D), _row_spec(D), _row_spec(D), _row_spec(3 * D),
                  _full_spec(D, 3 * D), _full_spec(1, 3 * D),
                  pl.BlockSpec((1, 1, BM), lambda i: (i, 0, 0)),
                  _full_spec(D, HID), _full_spec(1, HID),
                  _full_spec(HID, OUT), _full_spec(1, OUT)],
        out_specs=pl.BlockSpec((NUM_GRAPHS, OUT), lambda i: (0, 0)),
        out_shape=jax.ShapeDtypeStruct((NUM_GRAPHS, OUT), jnp.float32),
        scratch_shapes=[pltpu.VMEM((NUM_GRAPHS, D), jnp.float32)],
    )(p0, p1, h, gh, wih_t, bih2, batch3, w1, b12, w2, b22)


def kernel(x, edge_index, batch, W, W_ih, W_hh, b_ih, b_hh, W1, b1, W2, b2):
    src = edge_index[0]
    dst = edge_index[1]
    pad = EDGES_PAD - N_EDGES
    src2d = jnp.concatenate(
        [src, jnp.zeros((pad,), jnp.int32)]).reshape(TOTAL_CHUNKS, CHUNK)
    dst2d = jnp.concatenate(
        [dst, jnp.full((pad,), N_NODES, jnp.int32)]).reshape(
            TOTAL_CHUNKS, CHUNK)
    batch3 = batch.reshape(GRID, 1, BM)

    wih_t = W_ih.T
    whh_t = W_hh.T
    bih2 = b_ih.reshape(1, 3 * D)
    bhh2 = b_hh.reshape(1, 3 * D)
    b12 = b1.reshape(1, HID)
    b22 = b2.reshape(1, OUT)

    h = x
    m, gh = _pre_call(x, W[0], whh_t, bhh2)
    for i in range(NUM_LAYERS):
        parts = _sc_scatter_partials(m, src2d, dst2d)
        p0 = parts[0]
        p1 = parts[1]
        if i < NUM_LAYERS - 1:
            h, m, gh = _layer_call(p0, p1, h, gh, wih_t, bih2, W[i + 1],
                                   whh_t, bhh2)
        else:
            out = _final_call(p0, p1, h, gh, wih_t, bih2, batch3,
                              W1, b12, W2, b22)
    return out

# --- scband reference (transcript-rebuilt; emitter-appended) ---
"""Pipeline reference for scband-gated-gcn-83511344103766 (READ-ONLY COPY).

The authoritative reference and input builder live on the scoring server;
editing this copy changes nothing except your own understanding.
"""

import jax, jax.numpy as jnp
import numpy as np

N_NODES = 10000
N_EDGES = 320000
D = 128          # in_channels == GatedGraphConv out_channels
HID = 256        # MLP hidden
OUT = 128        # MLP out
NUM_LAYERS = 3   # GatedGraphConv propagation steps
NUM_GRAPHS = 64


def setup_inputs(seed: int = 0) -> dict:
    key = jax.random.key(seed)
    ks = jax.random.split(key, 12)
    x = jax.random.normal(ks[0], (N_NODES, D), dtype=jnp.float32)
    edge_index = jax.random.randint(ks[1], (2, N_EDGES), 0, N_NODES, dtype=jnp.int32)
    batch = jnp.sort(jax.random.randint(ks[2], (N_NODES,), 0, NUM_GRAPHS, dtype=jnp.int32))
    s = 0.05
    # GatedGraphConv params: per-layer linear weight + shared GRUCell
    W = jax.random.normal(ks[3], (NUM_LAYERS, D, D), dtype=jnp.float32) * s
    W_ih = jax.random.normal(ks[4], (3 * D, D), dtype=jnp.float32) * s
    W_hh = jax.random.normal(ks[5], (3 * D, D), dtype=jnp.float32) * s
    b_ih = jax.random.normal(ks[6], (3 * D,), dtype=jnp.float32) * s
    b_hh = jax.random.normal(ks[7], (3 * D,), dtype=jnp.float32) * s
    # MLP params: [D -> HID -> OUT], norm=None, plain last layer
    W1 = jax.random.normal(ks[8], (D, HID), dtype=jnp.float32) * s
    b1 = jax.random.normal(ks[9], (HID,), dtype=jnp.float32) * s
    W2 = jax.random.normal(ks[10], (HID, OUT), dtype=jnp.float32) * s
    b2 = jax.random.normal(ks[11], (OUT,), dtype=jnp.float32) * s
    return {"x": x, "edge_index": edge_index, "batch": batch,
            "W": W, "W_ih": W_ih, "W_hh": W_hh, "b_ih": b_ih, "b_hh": b_hh,
            "W1": W1, "b1": b1, "W2": W2, "b2": b2}


def _gru_cell(m, h, W_ih, W_hh, b_ih, b_hh):
    gi = m @ W_ih.T + b_ih
    gh = h @ W_hh.T + b_hh
    i_r, i_z, i_n = jnp.split(gi, 3, axis=-1)
    h_r, h_z, h_n = jnp.split(gh, 3, axis=-1)
    r = jax.nn.sigmoid(i_r + h_r)
    z = jax.nn.sigmoid(i_z + h_z)
    n = jnp.tanh(i_n + r * h_n)
    return (1.0 - z) * n + z * h


def reference(x, edge_index, batch, W, W_ih, W_hh, b_ih, b_hh, W1, b1, W2, b2):
    src = edge_index[0]
    dst = edge_index[1]
    h = x  # in_channels == out_channels -> no zero padding needed
    for i in range(NUM_LAYERS):
        m = h @ W[i]
        # message passing: scatter-add messages from src nodes into dst nodes
        agg = jax.ops.segment_sum(m[src], dst, num_segments=N_NODES)
        h = _gru_cell(agg, h, W_ih, W_hh, b_ih, b_hh)
    # global_add_pool over graphs
    pooled = jax.ops.segment_sum(h, batch, num_segments=NUM_GRAPHS)
    # MLP: Linear -> ReLU -> (dropout=0, eval) -> Linear
    hm = jax.nn.relu(pooled @ W1 + b1)
    out = hm @ W2 + b2
    return out

if __name__ == "__main__":
    import jax
    _d = setup_inputs()
    print(jax.jit(kernel)(*tuple(_d.values())))

</pallas_src>

<mosaic_0001>
#map = affine_map<(d0, d1) -> (0, 0)>
#map1 = affine_map<(d0, d1) -> (0, 0, 0)>
module attributes {stable_mosaic.version = 14 : i64} {
  func.func @k(%arg0: i32, %arg1: i32, %arg2: memref<10000x128xf32, #tpu.memory_space<hbm>>, %arg3: memref<2560x128xi32, #tpu.memory_space<hbm>>, %arg4: memref<2560x128xi32, #tpu.memory_space<hbm>>, %arg5: memref<2x10240x128xf32, #tpu.memory_space<hbm>>, %arg6: memref<16x128xi32, #tpu.memory_space<vmem>>, %arg7: memref<16x128xi32, #tpu.memory_space<vmem>>, %arg8: memref<128x128xf32, #tpu.memory_space<vmem>>, %arg9: memref<128x128xf32, #tpu.memory_space<vmem>>, %arg10: memref<10240x128xf32, #tpu.memory_space<vmem_shared>>, %arg11: memref<!tpu.dma_semaphore, #tpu.memory_space<semaphore_mem>>, %arg12: memref<!tpu.dma_semaphore, #tpu.memory_space<semaphore_mem>>) attributes {dimension_semantics = [#tpu.dimension_semantics<core_parallel>, #tpu.dimension_semantics<subcore_parallel>], iteration_bounds = array<i64: 2, 16>, scalar_prefetch = 0 : i64, scratch_operands = 7 : i64, tpu.core_type = #tpu.core_type<sc_vector_subcore>, window_params = [{transform_indices = #map}, {transform_indices = #map}, {transform_indices = #map}, {transform_indices = #map1}]} {
    %eq3A = arith.constant 0 : i32
    %eq3A_0 = arith.cmpi eq, %arg0, %eq3A : i32
    %jit3A = arith.constant 144 : i32
    %jit3A_1 = arith.constant 16 : i32
    %select_n3A = arith.select %eq3A_0, %jit3A, %jit3A_1 : i32
    %eq3A_2 = arith.constant 0 : i32
    %eq3A_3 = arith.cmpi eq, %arg0, %eq3A_2 : i32
    %mul3A = arith.constant 144 : i32
    %mul3A_4 = arith.muli %arg1, %mul3A : i32
    %mul3A_5 = arith.constant 16 : i32
    %mul3A_6 = arith.muli %arg1, %mul3A_5 : i32
    %add3A = arith.constant 2304 : i32
    %add3A_7 = arith.addi %add3A, %mul3A_6 : i32
    %select_n3A_8 = arith.select %eq3A_3, %mul3A_4, %add3A_7 : i32
    %broadcast_in_dim3A = arith.constant 0.000000e+00 : f32
    %broadcast_in_dim3A_9 = vector.broadcast %broadcast_in_dim3A : f32 to vector<16xf32>
    %scan3A = arith.constant 0 : i32
    %scan3A_10 = arith.constant 0 : i32
    %scan3A_11 = arith.constant 1024 : i32
    %scan3A_12 = arith.addi %scan3A_10, %scan3A_11 : i32
    %scan3A_13 = arith.constant 1 : i32
    scf.for %scan3A_53 = %scan3A_10 to %scan3A_12 step %scan3A_13  : i32 {
      %jit3A_54 = arith.constant 8 : i32
      %div3A_55 = arith.divsi %scan3A_53, %jit3A_54 : i32
      %sign3A_56 = arith.constant 0 : i32
      %sign3A_57 = arith.cmpi sgt, %scan3A_53, %sign3A_56 : i32
      %sign3A_58 = arith.extui %sign3A_57 : i1 to i32
      %sign3A_59 = arith.constant 0 : i32
      %sign3A_60 = arith.cmpi slt, %scan3A_53, %sign3A_59 : i32
      %sign3A_61 = arith.extui %sign3A_60 : i1 to i32
      %sign3A_62 = arith.subi %sign3A_58, %sign3A_61 : i32
      %sign3A_63 = arith.constant 0 : i32
      %sign3A_64 = arith.cmpi sgt, %jit3A_54, %sign3A_63 : i32
      %sign3A_65 = arith.extui %sign3A_64 : i1 to i32
      %sign3A_66 = arith.constant 0 : i32
      %sign3A_67 = arith.cmpi slt, %jit3A_54, %sign3A_66 : i32
      %sign3A_68 = arith.extui %sign3A_67 : i1 to i32
      %sign3A_69 = arith.subi %sign3A_65, %sign3A_68 : i32
      %ne3A_70 = arith.cmpi ne, %sign3A_62, %sign3A_69 : i32
      %rem3A_71 = arith.remsi %scan3A_53, %jit3A_54 : i32
      %ne3A_72 = arith.constant 0 : i32
      %ne3A_73 = arith.cmpi ne, %rem3A_71, %ne3A_72 : i32
      %and3A_74 = arith.andi %ne3A_70, %ne3A_73 : i1
      %sub3A_75 = arith.constant 1 : i32
      %sub3A_76 = arith.subi %div3A_55, %sub3A_75 : i32
      %select_n3A_77 = arith.select %and3A_74, %sub3A_76, %div3A_55 : i32
      %jit3A_78 = arith.constant 8 : i32
      %eq3A_79 = arith.constant 0 : i32
      %eq3A_80 = arith.cmpi eq, %jit3A_78, %eq3A_79 : i32
      %jit3A_81 = arith.constant 1 : i32
      %select_n3A_82 = arith.select %eq3A_80, %jit3A_81, %jit3A_78 : i32
      %rem3A_83 = arith.remsi %scan3A_53, %select_n3A_82 : i32
      %ne3A_84 = arith.constant 0 : i32
      %ne3A_85 = arith.cmpi ne, %rem3A_83, %ne3A_84 : i32
      %lt3A = arith.constant 0 : i32
      %lt3A_86 = arith.cmpi slt, %rem3A_83, %lt3A : i32
      %lt3A_87 = arith.constant 0 : i32
      %lt3A_88 = arith.cmpi slt, %select_n3A_82, %lt3A_87 : i32
      %ne3A_89 = arith.xori %lt3A_86, %lt3A_88 : i1
      %and3A_90 = arith.andi %ne3A_89, %ne3A_85 : i1
      %add3A_91 = arith.addi %rem3A_83, %select_n3A_82 : i32
      %select_n3A_92 = arith.select %and3A_90, %add3A_91, %rem3A_83 : i32
      %mul3A_93 = arith.constant 16 : i32
      %mul3A_94 = arith.muli %select_n3A_92, %mul3A_93 : i32
      %swap3A = arith.index_cast %select_n3A_77 : i32 to index
      %swap3A_95 = arith.index_cast %mul3A_94 : i32 to index
      %swap3A_96 = tpu.vector_load %arg8[%swap3A, %swap3A_95] {strides = array<i32>} : memref<128x128xf32, #tpu.memory_space<vmem>>, vector<1x16xf32>,
      %swap3A_97 = vector.shape_cast %swap3A_96 : vector<1x16xf32> to vector<16xf32>
      %swap3A_98 = vector.shape_cast %broadcast_in_dim3A_9 : vector<16xf32> to vector<1x16xf32>
      tpu.vector_store %arg8[%swap3A, %swap3A_95], %swap3A_98 {strides = array<i32>} : memref<128x128xf32, #tpu.memory_space<vmem>>, vector<1x16xf32>,
    }
    %scan3A_14 = arith.constant 1024 : i32
    %scan3A_15 = arith.constant 0 : i32
    %scan3A_16 = arith.constant 0 : i32
    %scan3A_17 = arith.constant 5 : i32
    %scan3A_18 = arith.addi %scan3A_16, %scan3A_17 : i32
    %scan3A_19 = arith.constant 1 : i32
    scf.for %scan3A_53 = %scan3A_16 to %scan3A_18 step %scan3A_19  : i32 {
      %mul3A_54 = arith.constant 640 : i32
      %mul3A_55 = arith.muli %arg1, %mul3A_54 : i32
      %mul3A_56 = arith.constant 128 : i32
      %mul3A_57 = arith.muli %scan3A_53, %mul3A_56 : i32
      %add3A_58 = arith.addi %mul3A_55, %mul3A_57 : i32
      "tpu.region"() ({
        %run_scoped3A = tpu.sem_alloc : memref<!tpu.dma_semaphore, #tpu.memory_space<semaphore_mem>>
        %dma_start3A = arith.constant 0 : i32
        %dma_start3A_59 = tpu.memref_slice %arg10[%add3A_58, %dma_start3A] : memref<10240x128xf32, #tpu.memory_space<vmem_shared>> -> memref<128x128xf32, #tpu.memory_space<vmem_shared>>
        %dma_start3A_60 = arith.constant 0 : i32
        %dma_start3A_61 = tpu.memref_slice %arg10[%add3A_58, %dma_start3A_60] : memref<10240x128xf32, #tpu.memory_space<vmem_shared>> -> memref<128x128xf32, #tpu.memory_space<vmem_shared>>
        tpu.enqueue_dma source(%arg8 : memref<128x128xf32, #tpu.memory_space<vmem>>) target(%dma_start3A_61 : memref<128x128xf32, #tpu.memory_space<vmem_shared>>) target_semaphore(%run_scoped3A : memref<!tpu.dma_semaphore, #tpu.memory_space<semaphore_mem>>)
        %dma_wait3A = arith.constant 0 : i32
        %dma_wait3A_62 = tpu.memref_slice %arg10[%add3A_58, %dma_wait3A] : memref<10240x128xf32, #tpu.memory_space<vmem_shared>> -> memref<128x128xf32, #tpu.memory_space<vmem_shared>>
        %dma_wait3A_63 = arith.constant 0 : i32
        %dma_wait3A_64 = tpu.memref_slice %arg10[%add3A_58, %dma_wait3A_63] : memref<10240x128xf32, #tpu.memory_space<vmem_shared>> -> memref<128x128xf32, #tpu.memory_space<vmem_shared>>
        tpu.wait_dma2 semaphore(%run_scoped3A : memref<!tpu.dma_semaphore, #tpu.memory_space<semaphore_mem>>) src(%arg8 : memref<128x128xf32, #tpu.memory_space<vmem>>) dst(%dma_wait3A_64 : memref<128x128xf32, #tpu.memory_space<vmem_shared>>)
        tpu.yield
      }) : () -> ()
    }
    %scan3A_20 = arith.constant 5 : i32
    %barrier3A = arith.constant 0 : index
    tpu.barrier barrier_id(%barrier3A)
    %jit3A_21 = arith.constant 16 : i32
    %div3A = arith.divsi %select_n3A, %jit3A_21 : i32
    %sign3A = arith.constant 0 : i32
    %sign3A_22 = arith.cmpi sgt, %select_n3A, %sign3A : i32
    %sign3A_23 = arith.extui %sign3A_22 : i1 to i32
    %sign3A_24 = arith.constant 0 : i32
    %sign3A_25 = arith.cmpi slt, %select_n3A, %sign3A_24 : i32
    %sign3A_26 = arith.extui %sign3A_25 : i1 to i32
    %sign3A_27 = arith.subi %sign3A_23, %sign3A_26 : i32
    %sign3A_28 = arith.constant 0 : i32
    %sign3A_29 = arith.cmpi sgt, %jit3A_21, %sign3A_28 : i32
    %sign3A_30 = arith.extui %sign3A_29 : i1 to i32
    %sign3A_31 = arith.constant 0 : i32
    %sign3A_32 = arith.cmpi slt, %jit3A_21, %sign3A_31 : i32
    %sign3A_33 = arith.extui %sign3A_32 : i1 to i32
    %sign3A_34 = arith.subi %sign3A_30, %sign3A_33 : i32
    %ne3A = arith.cmpi ne, %sign3A_27, %sign3A_34 : i32
    %rem3A = arith.remsi %select_n3A, %jit3A_21 : i32
    %ne3A_35 = arith.constant 0 : i32
    %ne3A_36 = arith.cmpi ne, %rem3A, %ne3A_35 : i32
    %and3A = arith.andi %ne3A, %ne3A_36 : i1
    %sub3A = arith.constant 1 : i32
    %sub3A_37 = arith.subi %div3A, %sub3A : i32
    %select_n3A_38 = arith.select %and3A, %sub3A_37, %div3A : i32
    %while3A = arith.constant 0 : i32
    %while3A_39 = arith.constant 0 : i32
    %while3A_40 = arith.subi %select_n3A_38, %while3A_39 : i32
    %while3A_41 = arith.addi %while3A_39, %while3A_40 : i32
    %while3A_42 = arith.constant 1 : i32
    %while3A_43 = arith.divsi %while3A_40, %while3A_42 : i32
    %while3A_44 = arith.muli %while3A_43, %while3A_42 : i32
    %while3A_45 = arith.addi %while3A_39, %while3A_44 : i32
    %while3A_46 = arith.constant 1 : i32
    scf.for %while3A_53 = %while3A_39 to %while3A_45 step %while3A_46  : i32 {
      %mul3A_54 = arith.constant 16 : i32
      %mul3A_55 = arith.muli %while3A_53, %mul3A_54 : i32
      %add3A_56 = arith.addi %select_n3A_8, %mul3A_55 : i32
      "tpu.region"() ({
        %run_scoped3A = tpu.sem_alloc : memref<!tpu.dma_semaphore, #tpu.memory_space<semaphore_mem>>
        %dma_start3A_76 = arith.constant 0 : i32
        %dma_start3A_77 = tpu.memref_slice %arg3[%add3A_56, %dma_start3A_76] : memref<2560x128xi32, #tpu.memory_space<hbm>> -> memref<16x128xi32, #tpu.memory_space<hbm>>
        %dma_start3A_78 = arith.constant 0 : i32
        %dma_start3A_79 = tpu.memref_slice %arg3[%add3A_56, %dma_start3A_78] : memref<2560x128xi32, #tpu.memory_space<hbm>> -> memref<16x128xi32, #tpu.memory_space<hbm>>
        tpu.enqueue_dma source(%dma_start3A_79 : memref<16x128xi32, #tpu.memory_space<hbm>>) target(%arg6 : memref<16x128xi32, #tpu.memory_space<vmem>>) target_semaphore(%run_scoped3A : memref<!tpu.dma_semaphore, #tpu.memory_space<semaphore_mem>>)
        %dma_wait3A = arith.constant 0 : i32
        %dma_wait3A_80 = tpu.memref_slice %arg3[%add3A_56, %dma_wait3A] : memref<2560x128xi32, #tpu.memory_space<hbm>> -> memref<16x128xi32, #tpu.memory_space<hbm>>
        %dma_wait3A_81 = arith.constant 0 : i32
        %dma_wait3A_82 = tpu.memref_slice %arg3[%add3A_56, %dma_wait3A_81] : memref<2560x128xi32, #tpu.memory_space<hbm>> -> memref<16x128xi32, #tpu.memory_space<hbm>>
        tpu.wait_dma2 semaphore(%run_scoped3A : memref<!tpu.dma_semaphore, #tpu.memory_space<semaphore_mem>>) src(%dma_wait3A_82 : memref<16x128xi32, #tpu.memory_space<hbm>>) dst(%arg6 : memref<16x128xi32, #tpu.memory_space<vmem>>)
        tpu.yield
      }) : () -> ()
      "tpu.region"() ({
        %run_scoped3A = tpu.sem_alloc : memref<!tpu.dma_semaphore, #tpu.memory_space<semaphore_mem>>
        %dma_start3A_76 = arith.constant 0 : i32
        %dma_start3A_77 = tpu.memref_slice %arg4[%add3A_56, %dma_start3A_76] : memref<2560x128xi32, #tpu.memory_space<hbm>> -> memref<16x128xi32, #tpu.memory_space<hbm>>
        %dma_start3A_78 = arith.constant 0 : i32
        %dma_start3A_79 = tpu.memref_slice %arg4[%add3A_56, %dma_start3A_78] : memref<2560x128xi32, #tpu.memory_space<hbm>> -> memref<16x128xi32, #tpu.memory_space<hbm>>
        tpu.enqueue_dma source(%dma_start3A_79 : memref<16x128xi32, #tpu.memory_space<hbm>>) target(%arg7 : memref<16x128xi32, #tpu.memory_space<vmem>>) target_semaphore(%run_scoped3A : memref<!tpu.dma_semaphore, #tpu.memory_space<semaphore_mem>>)
        %dma_wait3A = arith.constant 0 : i32
        %dma_wait3A_80 = tpu.memref_slice %arg4[%add3A_56, %dma_wait3A] : memref<2560x128xi32, #tpu.memory_space<hbm>> -> memref<16x128xi32, #tpu.memory_space<hbm>>
        %dma_wait3A_81 = arith.constant 0 : i32
        %dma_wait3A_82 = tpu.memref_slice %arg4[%add3A_56, %dma_wait3A_81] : memref<2560x128xi32, #tpu.memory_space<hbm>> -> memref<16x128xi32, #tpu.memory_space<hbm>>
        tpu.wait_dma2 semaphore(%run_scoped3A : memref<!tpu.dma_semaphore, #tpu.memory_space<semaphore_mem>>) src(%dma_wait3A_82 : memref<16x128xi32, #tpu.memory_space<hbm>>) dst(%arg7 : memref<16x128xi32, #tpu.memory_space<vmem>>)
        tpu.yield
      }) : () -> ()
      %dma_start3A = arith.constant 0 : i32
      %dma_start3A_57 = arith.constant 0 : i32
      %dma_start3A_58 = tpu.memref_slice %arg6[%dma_start3A, %dma_start3A_57] : memref<16x128xi32, #tpu.memory_space<vmem>> -> memref<1x128xi32, #tpu.memory_space<vmem>>
      %dma_start3A_59 = tpu.memref_squeeze %dma_start3A_58 : memref<1x128xi32, #tpu.memory_space<vmem>> -> memref<128xi32, #tpu.memory_space<vmem>>
      %dma_start3A_60 = arith.constant 0 : i32
      %dma_start3A_61 = arith.constant 0 : i32
      %dma_start3A_62 = tpu.memref_slice %arg2[%dma_start3A_60, %dma_start3A_61] : memref<10000x128xf32, #tpu.memory_space<hbm>> -> memref<10000x128xf32, #tpu.memory_space<hbm>>
      tpu.enqueue_indirect_dma source(%dma_start3A_62 : memref<10000x128xf32, #tpu.memory_space<hbm>>) target(%arg8 : memref<128x128xf32, #tpu.memory_space<vmem>>) offsets(%dma_start3A_59 : memref<128xi32, #tpu.memory_space<vmem>>) semaphore(%arg11 : memref<!tpu.dma_semaphore, #tpu.memory_space<semaphore_mem>>)
      %dma_start3A_63 = arith.constant 1 : i32
      %dma_start3A_64 = arith.constant 0 : i32
      %dma_start3A_65 = tpu.memref_slice %arg6[%dma_start3A_63, %dma_start3A_64] : memref<16x128xi32, #tpu.memory_space<vmem>> -> memref<1x128xi32, #tpu.memory_space<vmem>>
      %dma_start3A_66 = tpu.memref_squeeze %dma_start3A_65 : memref<1x128xi32, #tpu.memory_space<vmem>> -> memref<128xi32, #tpu.memory_space<vmem>>
      %dma_start3A_67 = arith.constant 0 : i32
      %dma_start3A_68 = arith.constant 0 : i32
      %dma_start3A_69 = tpu.memref_slice %arg2[%dma_start3A_67, %dma_start3A_68] : memref<10000x128xf32, #tpu.memory_space<hbm>> -> memref<10000x128xf32, #tpu.memory_space<hbm>>
      tpu.enqueue_indirect_dma source(%dma_start3A_69 : memref<10000x128xf32, #tpu.memory_space<hbm>>) target(%arg9 : memref<128x128xf32, #tpu.memory_space<vmem>>) offsets(%dma_start3A_66 : memref<128xi32, #tpu.memory_space<vmem>>) semaphore(%arg12 : memref<!tpu.dma_semaphore, #tpu.memory_space<semaphore_mem>>)
      %scan3A_70 = arith.constant 0 : i32
      %scan3A_71 = arith.constant 0 : i32
      %scan3A_72 = arith.constant 8 : i32
      %scan3A_73 = arith.addi %scan3A_71, %scan3A_72 : i32
      %scan3A_74 = arith.constant 1 : i32
      scf.for %scan3A_76 = %scan3A_71 to %scan3A_73 step %scan3A_74  : i32 {
        %mul3A_77 = arith.constant 2 : i32
        %mul3A_78 = arith.muli %scan3A_76, %mul3A_77 : i32
        %add3A_79 = arith.constant 0 : i32
        %add3A_80 = arith.addi %mul3A_78, %add3A_79 : i32
        %dma_wait3A = arith.constant 0 : i32
        %dma_wait3A_81 = tpu.memref_slice %arg6[%add3A_80, %dma_wait3A] : memref<16x128xi32, #tpu.memory_space<vmem>> -> memref<1x128xi32, #tpu.memory_space<vmem>>
        %dma_wait3A_82 = tpu.memref_squeeze %dma_wait3A_81 : memref<1x128xi32, #tpu.memory_space<vmem>> -> memref<128xi32, #tpu.memory_space<vmem>>
        %dma_wait3A_83 = arith.constant 0 : i32
        %dma_wait3A_84 = arith.constant 0 : i32
        %dma_wait3A_85 = tpu.memref_slice %arg2[%dma_wait3A_83, %dma_wait3A_84] : memref<10000x128xf32, #tpu.memory_space<hbm>> -> memref<10000x128xf32, #tpu.memory_space<hbm>>
        tpu.wait_indirect_dma semaphore(%arg11 : memref<!tpu.dma_semaphore, #tpu.memory_space<semaphore_mem>>) src(%dma_wait3A_85 : memref<10000x128xf32, #tpu.memory_space<hbm>>) dst(%arg8 : memref<128x128xf32, #tpu.memory_space<vmem>>)
        "tpu.region"() ({
          %run_scoped3A = tpu.sem_alloc : memref<!tpu.dma_semaphore, #tpu.memory_space<semaphore_mem>>
          %dma_start3A_107 = arith.constant 0 : i32
          %dma_start3A_108 = tpu.memref_slice %arg7[%add3A_80, %dma_start3A_107] : memref<16x128xi32, #tpu.memory_space<vmem>> -> memref<1x128xi32, #tpu.memory_space<vmem>>
          %dma_start3A_109 = tpu.memref_squeeze %dma_start3A_108 : memref<1x128xi32, #tpu.memory_space<vmem>> -> memref<128xi32, #tpu.memory_space<vmem>>
          %dma_start3A_110 = arith.constant 0 : i32
          %dma_start3A_111 = arith.constant 0 : i32
          %dma_start3A_112 = tpu.memref_slice %arg10[%dma_start3A_110, %dma_start3A_111] : memref<10240x128xf32, #tpu.memory_space<vmem_shared>> -> memref<10240x128xf32, #tpu.memory_space<vmem_shared>>
          tpu.enqueue_indirect_dma source(%arg8 : memref<128x128xf32, #tpu.memory_space<vmem>>) target(%dma_start3A_112 : memref<10240x128xf32, #tpu.memory_space<vmem_shared>>) offsets(%dma_start3A_109 : memref<128xi32, #tpu.memory_space<vmem>>) semaphore(%run_scoped3A : memref<!tpu.dma_semaphore, #tpu.memory_space<semaphore_mem>>) {add = true}
          %dma_wait3A_113 = arith.constant 0 : i32
          %dma_wait3A_114 = tpu.memref_slice %arg7[%add3A_80, %dma_wait3A_113] : memref<16x128xi32, #tpu.memory_space<vmem>> -> memref<1x128xi32, #tpu.memory_space<vmem>>
          %dma_wait3A_115 = tpu.memref_squeeze %dma_wait3A_114 : memref<1x128xi32, #tpu.memory_space<vmem>> -> memref<128xi32, #tpu.memory_space<vmem>>
          %dma_wait3A_116 = arith.constant 0 : i32
          %dma_wait3A_117 = arith.constant 0 : i32
          %dma_wait3A_118 = tpu.memref_slice %arg10[%dma_wait3A_116, %dma_wait3A_117] : memref<10240x128xf32, #tpu.memory_space<vmem_shared>> -> memref<10240x128xf32, #tpu.memory_space<vmem_shared>>
          tpu.wait_indirect_dma semaphore(%run_scoped3A : memref<!tpu.dma_semaphore, #tpu.memory_space<semaphore_mem>>) src(%arg8 : memref<128x128xf32, #tpu.memory_space<vmem>>) dst(%dma_wait3A_118 : memref<10240x128xf32, #tpu.memory_space<vmem_shared>>)
          tpu.yield
        }) : () -> ()
        %add3A_86 = arith.constant 2 : i32
        %add3A_87 = arith.addi %add3A_80, %add3A_86 : i32
        %lt3A = arith.constant 16 : i32
        %lt3A_88 = arith.cmpi slt, %add3A_87, %lt3A : i32
        %convert_element_type3A = arith.extui %lt3A_88 : i1 to i32
        %cond3A = arith.constant 0 : i32
        %cond3A_89 = arith.cmpi ne, %convert_element_type3A, %cond3A : i32
        scf.if %cond3A_89 {
          %add3A_107 = arith.constant 2 : i32
          %add3A_108 = arith.addi %add3A_80, %add3A_107 : i32
          %dma_start3A_109 = arith.constant 0 : i32
          %dma_start3A_110 = tpu.memref_slice %arg6[%add3A_108, %dma_start3A_109] : memref<16x128xi32, #tpu.memory_space<vmem>> -> memref<1x128xi32, #tpu.memory_space<vmem>>
          %dma_start3A_111 = tpu.memref_squeeze %dma_start3A_110 : memref<1x128xi32, #tpu.memory_space<vmem>> -> memref<128xi32, #tpu.memory_space<vmem>>
          %dma_start3A_112 = arith.constant 0 : i32
          %dma_start3A_113 = arith.constant 0 : i32
          %dma_start3A_114 = tpu.memref_slice %arg2[%dma_start3A_112, %dma_start3A_113] : memref<10000x128xf32, #tpu.memory_space<hbm>> -> memref<10000x128xf32, #tpu.memory_space<hbm>>
          tpu.enqueue_indirect_dma source(%dma_start3A_114 : memref<10000x128xf32, #tpu.memory_space<hbm>>) target(%arg8 : memref<128x128xf32, #tpu.memory_space<vmem>>) offsets(%dma_start3A_111 : memref<128xi32, #tpu.memory_space<vmem>>) semaphore(%arg11 : memref<!tpu.dma_semaphore, #tpu.memory_space<semaphore_mem>>)
        } else {
        }
        %mul3A_90 = arith.constant 2 : i32
        %mul3A_91 = arith.muli %scan3A_76, %mul3A_90 : i32
        %add3A_92 = arith.constant 1 : i32
        %add3A_93 = arith.addi %mul3A_91, %add3A_92 : i32
        %dma_wait3A_94 = arith.constant 0 : i32
        %dma_wait3A_95 = tpu.memref_slice %arg6[%add3A_93, %dma_wait3A_94] : memref<16x128xi32, #tpu.memory_space<vmem>> -> memref<1x128xi32, #tpu.memory_space<vmem>>
        %dma_wait3A_96 = tpu.memref_squeeze %dma_wait3A_95 : memref<1x128xi32, #tpu.memory_space<vmem>> -> memref<128xi32, #tpu.memory_space<vmem>>
        %dma_wait3A_97 = arith.constant 0 : i32
        %dma_wait3A_98 = arith.constant 0 : i32
        %dma_wait3A_99 = tpu.memref_slice %arg2[%dma_wait3A_97, %dma_wait3A_98] : memref<10000x128xf32, #tpu.memory_space<hbm>> -> memref<10000x128xf32, #tpu.memory_space<hbm>>
        tpu.wait_indirect_dma semaphore(%arg12 : memref<!tpu.dma_semaphore, #tpu.memory_space<semaphore_mem>>) src(%dma_wait3A_99 : memref<10000x128xf32, #tpu.memory_space<hbm>>) dst(%arg9 : memref<128x128xf32, #tpu.memory_space<vmem>>)
        "tpu.region"() ({
          %run_scoped3A = tpu.sem_alloc : memref<!tpu.dma_semaphore, #tpu.memory_space<semaphore_mem>>
          %dma_start3A_107 = arith.constant 0 : i32
          %dma_start3A_108 = tpu.memref_slice %arg7[%add3A_93, %dma_start3A_107] : memref<16x128xi32, #tpu.memory_space<vmem>> -> memref<1x128xi32, #tpu.memory_space<vmem>>
          %dma_start3A_109 = tpu.memref_squeeze %dma_start3A_108 : memref<1x128xi32, #tpu.memory_space<vmem>> -> memref<128xi32, #tpu.memory_space<vmem>>
          %dma_start3A_110 = arith.constant 0 : i32
          %dma_start3A_111 = arith.constant 0 : i32
          %dma_start3A_112 = tpu.memref_slice %arg10[%dma_start3A_110, %dma_start3A_111] : memref<10240x128xf32, #tpu.memory_space<vmem_shared>> -> memref<10240x128xf32, #tpu.memory_space<vmem_shared>>
          tpu.enqueue_indirect_dma source(%arg9 : memref<128x128xf32, #tpu.memory_space<vmem>>) target(%dma_start3A_112 : memref<10240x128xf32, #tpu.memory_space<vmem_shared>>) offsets(%dma_start3A_109 : memref<128xi32, #tpu.memory_space<vmem>>) semaphore(%run_scoped3A : memref<!tpu.dma_semaphore, #tpu.memory_space<semaphore_mem>>) {add = true}
          %dma_wait3A_113 = arith.constant 0 : i32
          %dma_wait3A_114 = tpu.memref_slice %arg7[%add3A_93, %dma_wait3A_113] : memref<16x128xi32, #tpu.memory_space<vmem>> -> memref<1x128xi32, #tpu.memory_space<vmem>>
          %dma_wait3A_115 = tpu.memref_squeeze %dma_wait3A_114 : memref<1x128xi32, #tpu.memory_space<vmem>> -> memref<128xi32, #tpu.memory_space<vmem>>
          %dma_wait3A_116 = arith.constant 0 : i32
          %dma_wait3A_117 = arith.constant 0 : i32
          %dma_wait3A_118 = tpu.memref_slice %arg10[%dma_wait3A_116, %dma_wait3A_117] : memref<10240x128xf32, #tpu.memory_space<vmem_shared>> -> memref<10240x128xf32, #tpu.memory_space<vmem_shared>>
          tpu.wait_indirect_dma semaphore(%run_scoped3A : memref<!tpu.dma_semaphore, #tpu.memory_space<semaphore_mem>>) src(%arg9 : memref<128x128xf32, #tpu.memory_space<vmem>>) dst(%dma_wait3A_118 : memref<10240x128xf32, #tpu.memory_space<vmem_shared>>)
          tpu.yield
        }) : () -> ()
        %add3A_100 = arith.constant 2 : i32
        %add3A_101 = arith.addi %add3A_93, %add3A_100 : i32
        %lt3A_102 = arith.constant 16 : i32
        %lt3A_103 = arith.cmpi slt, %add3A_101, %lt3A_102 : i32
        %convert_element_type3A_104 = arith.extui %lt3A_103 : i1 to i32
        %cond3A_105 = arith.constant 0 : i32
        %cond3A_106 = arith.cmpi ne, %convert_element_type3A_104, %cond3A_105 : i32
        scf.if %cond3A_106 {
          %add3A_107 = arith.constant 2 : i32
          %add3A_108 = arith.addi %add3A_93, %add3A_107 : i32
          %dma_start3A_109 = arith.constant 0 : i32
          %dma_start3A_110 = tpu.memref_slice %arg6[%add3A_108, %dma_start3A_109] : memref<16x128xi32, #tpu.memory_space<vmem>> -> memref<1x128xi32, #tpu.memory_space<vmem>>
          %dma_start3A_111 = tpu.memref_squeeze %dma_start3A_110 : memref<1x128xi32, #tpu.memory_space<vmem>> -> memref<128xi32, #tpu.memory_space<vmem>>
          %dma_start3A_112 = arith.constant 0 : i32
          %dma_start3A_113 = arith.constant 0 : i32
          %dma_start3A_114 = tpu.memref_slice %arg2[%dma_start3A_112, %dma_start3A_113] : memref<10000x128xf32, #tpu.memory_space<hbm>> -> memref<10000x128xf32, #tpu.memory_space<hbm>>
          tpu.enqueue_indirect_dma source(%dma_start3A_114 : memref<10000x128xf32, #tpu.memory_space<hbm>>) target(%arg9 : memref<128x128xf32, #tpu.memory_space<vmem>>) offsets(%dma_start3A_111 : memref<128xi32, #tpu.memory_space<vmem>>) semaphore(%arg12 : memref<!tpu.dma_semaphore, #tpu.memory_space<semaphore_mem>>)
        } else {
        }
      }
      %scan3A_75 = arith.constant 8 : i32
    }
    %while3A_47 = arith.constant 1 : i32
    scf.for %while3A_53 = %while3A_45 to %while3A_41 step %while3A_47  : i32 {
      %mul3A_54 = arith.constant 16 : i32
      %mul3A_55 = arith.muli %while3A_53, %mul3A_54 : i32
      %add3A_56 = arith.addi %select_n3A_8, %mul3A_55 : i32
      "tpu.region"() ({
        %run_scoped3A = tpu.sem_alloc : memref<!tpu.dma_semaphore, #tpu.memory_space<semaphore_mem>>
        %dma_start3A_76 = arith.constant 0 : i32
        %dma_start3A_77 = tpu.memref_slice %arg3[%add3A_56, %dma_start3A_76] : memref<2560x128xi32, #tpu.memory_space<hbm>> -> memref<16x128xi32, #tpu.memory_space<hbm>>
        %dma_start3A_78 = arith.constant 0 : i32
        %dma_start3A_79 = tpu.memref_slice %arg3[%add3A_56, %dma_start3A_78] : memref<2560x128xi32, #tpu.memory_space<hbm>> -> memref<16x128xi32, #tpu.memory_space<hbm>>
        tpu.enqueue_dma source(%dma_start3A_79 : memref<16x128xi32, #tpu.memory_space<hbm>>) target(%arg6 : memref<16x128xi32, #tpu.memory_space<vmem>>) target_semaphore(%run_scoped3A : memref<!tpu.dma_semaphore, #tpu.memory_space<semaphore_mem>>)
        %dma_wait3A = arith.constant 0 : i32
        %dma_wait3A_80 = tpu.memref_slice %arg3[%add3A_56, %dma_wait3A] : memref<2560x128xi32, #tpu.memory_space<hbm>> -> memref<16x128xi32, #tpu.memory_space<hbm>>
        %dma_wait3A_81 = arith.constant 0 : i32
        %dma_wait3A_82 = tpu.memref_slice %arg3[%add3A_56, %dma_wait3A_81] : memref<2560x128xi32, #tpu.memory_space<hbm>> -> memref<16x128xi32, #tpu.memory_space<hbm>>
        tpu.wait_dma2 semaphore(%run_scoped3A : memref<!tpu.dma_semaphore, #tpu.memory_space<semaphore_mem>>) src(%dma_wait3A_82 : memref<16x128xi32, #tpu.memory_space<hbm>>) dst(%arg6 : memref<16x128xi32, #tpu.memory_space<vmem>>)
        tpu.yield
      }) : () -> ()
      "tpu.region"() ({
        %run_scoped3A = tpu.sem_alloc : memref<!tpu.dma_semaphore, #tpu.memory_space<semaphore_mem>>
        %dma_start3A_76 = arith.constant 0 : i32
        %dma_start3A_77 = tpu.memref_slice %arg4[%add3A_56, %dma_start3A_76] : memref<2560x128xi32, #tpu.memory_space<hbm>> -> memref<16x128xi32, #tpu.memory_space<hbm>>
        %dma_start3A_78 = arith.constant 0 : i32
        %dma_start3A_79 = tpu.memref_slice %arg4[%add3A_56, %dma_start3A_78] : memref<2560x128xi32, #tpu.memory_space<hbm>> -> memref<16x128xi32, #tpu.memory_space<hbm>>
        tpu.enqueue_dma source(%dma_start3A_79 : memref<16x128xi32, #tpu.memory_space<hbm>>) target(%arg7 : memref<16x128xi32, #tpu.memory_space<vmem>>) target_semaphore(%run_scoped3A : memref<!tpu.dma_semaphore, #tpu.memory_space<semaphore_mem>>)
        %dma_wait3A = arith.constant 0 : i32
        %dma_wait3A_80 = tpu.memref_slice %arg4[%add3A_56, %dma_wait3A] : memref<2560x128xi32, #tpu.memory_space<hbm>> -> memref<16x128xi32, #tpu.memory_space<hbm>>
        %dma_wait3A_81 = arith.constant 0 : i32
        %dma_wait3A_82 = tpu.memref_slice %arg4[%add3A_56, %dma_wait3A_81] : memref<2560x128xi32, #tpu.memory_space<hbm>> -> memref<16x128xi32, #tpu.memory_space<hbm>>
        tpu.wait_dma2 semaphore(%run_scoped3A : memref<!tpu.dma_semaphore, #tpu.memory_space<semaphore_mem>>) src(%dma_wait3A_82 : memref<16x128xi32, #tpu.memory_space<hbm>>) dst(%arg7 : memref<16x128xi32, #tpu.memory_space<vmem>>)
        tpu.yield
      }) : () -> ()
      %dma_start3A = arith.constant 0 : i32
      %dma_start3A_57 = arith.constant 0 : i32
      %dma_start3A_58 = tpu.memref_slice %arg6[%dma_start3A, %dma_start3A_57] : memref<16x128xi32, #tpu.memory_space<vmem>> -> memref<1x128xi32, #tpu.memory_space<vmem>>
      %dma_start3A_59 = tpu.memref_squeeze %dma_start3A_58 : memref<1x128xi32, #tpu.memory_space<vmem>> -> memref<128xi32, #tpu.memory_space<vmem>>
      %dma_start3A_60 = arith.constant 0 : i32
      %dma_start3A_61 = arith.constant 0 : i32
      %dma_start3A_62 = tpu.memref_slice %arg2[%dma_start3A_60, %dma_start3A_61] : memref<10000x128xf32, #tpu.memory_space<hbm>> -> memref<10000x128xf32, #tpu.memory_space<hbm>>
      tpu.enqueue_indirect_dma source(%dma_start3A_62 : memref<10000x128xf32, #tpu.memory_space<hbm>>) target(%arg8 : memref<128x128xf32, #tpu.memory_space<vmem>>) offsets(%dma_start3A_59 : memref<128xi32, #tpu.memory_space<vmem>>) semaphore(%arg11 : memref<!tpu.dma_semaphore, #tpu.memory_space<semaphore_mem>>)
      %dma_start3A_63 = arith.constant 1 : i32
      %dma_start3A_64 = arith.constant 0 : i32
      %dma_start3A_65 = tpu.memref_slice %arg6[%dma_start3A_63, %dma_start3A_64] : memref<16x128xi32, #tpu.memory_space<vmem>> -> memref<1x128xi32, #tpu.memory_space<vmem>>
      %dma_start3A_66 = tpu.memref_squeeze %dma_start3A_65 : memref<1x128xi32, #tpu.memory_space<vmem>> -> memref<128xi32, #tpu.memory_space<vmem>>
      %dma_start3A_67 = arith.constant 0 : i32
      %dma_start3A_68 = arith.constant 0 : i32
      %dma_start3A_69 = tpu.memref_slice %arg2[%dma_start3A_67, %dma_start3A_68] : memref<10000x128xf32, #tpu.memory_space<hbm>> -> memref<10000x128xf32, #tpu.memory_space<hbm>>
      tpu.enqueue_indirect_dma source(%dma_start3A_69 : memref<10000x128xf32, #tpu.memory_space<hbm>>) target(%arg9 : memref<128x128xf32, #tpu.memory_space<vmem>>) offsets(%dma_start3A_66 : memref<128xi32, #tpu.memory_space<vmem>>) semaphore(%arg12 : memref<!tpu.dma_semaphore, #tpu.memory_space<semaphore_mem>>)
      %scan3A_70 = arith.constant 0 : i32
      %scan3A_71 = arith.constant 0 : i32
      %scan3A_72 = arith.constant 8 : i32
      %scan3A_73 = arith.addi %scan3A_71, %scan3A_72 : i32
      %scan3A_74 = arith.constant 1 : i32
      scf.for %scan3A_76 = %scan3A_71 to %scan3A_73 step %scan3A_74  : i32 {
        %mul3A_77 = arith.constant 2 : i32
        %mul3A_78 = arith.muli %scan3A_76, %mul3A_77 : i32
        %add3A_79 = arith.constant 0 : i32
        %add3A_80 = arith.addi %mul3A_78, %add3A_79 : i32
        %dma_wait3A = arith.constant 0 : i32
        %dma_wait3A_81 = tpu.memref_slice %arg6[%add3A_80, %dma_wait3A] : memref<16x128xi32, #tpu.memory_space<vmem>> -> memref<1x128xi32, #tpu.memory_space<vmem>>
        %dma_wait3A_82 = tpu.memref_squeeze %dma_wait3A_81 : memref<1x128xi32, #tpu.memory_space<vmem>> -> memref<128xi32, #tpu.memory_space<vmem>>
        %dma_wait3A_83 = arith.constant 0 : i32
        %dma_wait3A_84 = arith.constant 0 : i32
        %dma_wait3A_85 = tpu.memref_slice %arg2[%dma_wait3A_83, %dma_wait3A_84] : memref<10000x128xf32, #tpu.memory_space<hbm>> -> memref<10000x128xf32, #tpu.memory_space<hbm>>
        tpu.wait_indirect_dma semaphore(%arg11 : memref<!tpu.dma_semaphore, #tpu.memory_space<semaphore_mem>>) src(%dma_wait3A_85 : memref<10000x128xf32, #tpu.memory_space<hbm>>) dst(%arg8 : memref<128x128xf32, #tpu.memory_space<vmem>>)
        "tpu.region"() ({
          %run_scoped3A = tpu.sem_alloc : memref<!tpu.dma_semaphore, #tpu.memory_space<semaphore_mem>>
          %dma_start3A_107 = arith.constant 0 : i32
          %dma_start3A_108 = tpu.memref_slice %arg7[%add3A_80, %dma_start3A_107] : memref<16x128xi32, #tpu.memory_space<vmem>> -> memref<1x128xi32, #tpu.memory_space<vmem>>
          %dma_start3A_109 = tpu.memref_squeeze %dma_start3A_108 : memref<1x128xi32, #tpu.memory_space<vmem>> -> memref<128xi32, #tpu.memory_space<vmem>>
          %dma_start3A_110 = arith.constant 0 : i32
          %dma_start3A_111 = arith.constant 0 : i32
          %dma_start3A_112 = tpu.memref_slice %arg10[%dma_start3A_110, %dma_start3A_111] : memref<10240x128xf32, #tpu.memory_space<vmem_shared>> -> memref<10240x128xf32, #tpu.memory_space<vmem_shared>>
          tpu.enqueue_indirect_dma source(%arg8 : memref<128x128xf32, #tpu.memory_space<vmem>>) target(%dma_start3A_112 : memref<10240x128xf32, #tpu.memory_space<vmem_shared>>) offsets(%dma_start3A_109 : memref<128xi32, #tpu.memory_space<vmem>>) semaphore(%run_scoped3A : memref<!tpu.dma_semaphore, #tpu.memory_space<semaphore_mem>>) {add = true}
          %dma_wait3A_113 = arith.constant 0 : i32
          %dma_wait3A_114 = tpu.memref_slice %arg7[%add3A_80, %dma_wait3A_113] : memref<16x128xi32, #tpu.memory_space<vmem>> -> memref<1x128xi32, #tpu.memory_space<vmem>>
          %dma_wait3A_115 = tpu.memref_squeeze %dma_wait3A_114 : memref<1x128xi32, #tpu.memory_space<vmem>> -> memref<128xi32, #tpu.memory_space<vmem>>
          %dma_wait3A_116 = arith.constant 0 : i32
          %dma_wait3A_117 = arith.constant 0 : i32
          %dma_wait3A_118 = tpu.memref_slice %arg10[%dma_wait3A_116, %dma_wait3A_117] : memref<10240x128xf32, #tpu.memory_space<vmem_shared>> -> memref<10240x128xf32, #tpu.memory_space<vmem_shared>>
          tpu.wait_indirect_dma semaphore(%run_scoped3A : memref<!tpu.dma_semaphore, #tpu.memory_space<semaphore_mem>>) src(%arg8 : memref<128x128xf32, #tpu.memory_space<vmem>>) dst(%dma_wait3A_118 : memref<10240x128xf32, #tpu.memory_space<vmem_shared>>)
          tpu.yield
        }) : () -> ()
        %add3A_86 = arith.constant 2 : i32
        %add3A_87 = arith.addi %add3A_80, %add3A_86 : i32
        %lt3A = arith.constant 16 : i32
        %lt3A_88 = arith.cmpi slt, %add3A_87, %lt3A : i32
        %convert_element_type3A = arith.extui %lt3A_88 : i1 to i32
        %cond3A = arith.constant 0 : i32
        %cond3A_89 = arith.cmpi ne, %convert_element_type3A, %cond3A : i32
        scf.if %cond3A_89 {
          %add3A_107 = arith.constant 2 : i32
          %add3A_108 = arith.addi %add3A_80, %add3A_107 : i32
          %dma_start3A_109 = arith.constant 0 : i32
          %dma_start3A_110 = tpu.memref_slice %arg6[%add3A_108, %dma_start3A_109] : memref<16x128xi32, #tpu.memory_space<vmem>> -> memref<1x128xi32, #tpu.memory_space<vmem>>
          %dma_start3A_111 = tpu.memref_squeeze %dma_start3A_110 : memref<1x128xi32, #tpu.memory_space<vmem>> -> memref<128xi32, #tpu.memory_space<vmem>>
          %dma_start3A_112 = arith.constant 0 : i32
          %dma_start3A_113 = arith.constant 0 : i32
          %dma_start3A_114 = tpu.memref_slice %arg2[%dma_start3A_112, %dma_start3A_113] : memref<10000x128xf32, #tpu.memory_space<hbm>> -> memref<10000x128xf32, #tpu.memory_space<hbm>>
          tpu.enqueue_indirect_dma source(%dma_start3A_114 : memref<10000x128xf32, #tpu.memory_space<hbm>>) target(%arg8 : memref<128x128xf32, #tpu.memory_space<vmem>>) offsets(%dma_start3A_111 : memref<128xi32, #tpu.memory_space<vmem>>) semaphore(%arg11 : memref<!tpu.dma_semaphore, #tpu.memory_space<semaphore_mem>>)
        } else {
        }
        %mul3A_90 = arith.constant 2 : i32
        %mul3A_91 = arith.muli %scan3A_76, %mul3A_90 : i32
        %add3A_92 = arith.constant 1 : i32
        %add3A_93 = arith.addi %mul3A_91, %add3A_92 : i32
        %dma_wait3A_94 = arith.constant 0 : i32
        %dma_wait3A_95 = tpu.memref_slice %arg6[%add3A_93, %dma_wait3A_94] : memref<16x128xi32, #tpu.memory_space<vmem>> -> memref<1x128xi32, #tpu.memory_space<vmem>>
        %dma_wait3A_96 = tpu.memref_squeeze %dma_wait3A_95 : memref<1x128xi32, #tpu.memory_space<vmem>> -> memref<128xi32, #tpu.memory_space<vmem>>
        %dma_wait3A_97 = arith.constant 0 : i32
        %dma_wait3A_98 = arith.constant 0 : i32
        %dma_wait3A_99 = tpu.memref_slice %arg2[%dma_wait3A_97, %dma_wait3A_98] : memref<10000x128xf32, #tpu.memory_space<hbm>> -> memref<10000x128xf32, #tpu.memory_space<hbm>>
        tpu.wait_indirect_dma semaphore(%arg12 : memref<!tpu.dma_semaphore, #tpu.memory_space<semaphore_mem>>) src(%dma_wait3A_99 : memref<10000x128xf32, #tpu.memory_space<hbm>>) dst(%arg9 : memref<128x128xf32, #tpu.memory_space<vmem>>)
        "tpu.region"() ({
          %run_scoped3A = tpu.sem_alloc : memref<!tpu.dma_semaphore, #tpu.memory_space<semaphore_mem>>
          %dma_start3A_107 = arith.constant 0 : i32
          %dma_start3A_108 = tpu.memref_slice %arg7[%add3A_93, %dma_start3A_107] : memref<16x128xi32, #tpu.memory_space<vmem>> -> memref<1x128xi32, #tpu.memory_space<vmem>>
          %dma_start3A_109 = tpu.memref_squeeze %dma_start3A_108 : memref<1x128xi32, #tpu.memory_space<vmem>> -> memref<128xi32, #tpu.memory_space<vmem>>
          %dma_start3A_110 = arith.constant 0 : i32
          %dma_start3A_111 = arith.constant 0 : i32
          %dma_start3A_112 = tpu.memref_slice %arg10[%dma_start3A_110, %dma_start3A_111] : memref<10240x128xf32, #tpu.memory_space<vmem_shared>> -> memref<10240x128xf32, #tpu.memory_space<vmem_shared>>
          tpu.enqueue_indirect_dma source(%arg9 : memref<128x128xf32, #tpu.memory_space<vmem>>) target(%dma_start3A_112 : memref<10240x128xf32, #tpu.memory_space<vmem_shared>>) offsets(%dma_start3A_109 : memref<128xi32, #tpu.memory_space<vmem>>) semaphore(%run_scoped3A : memref<!tpu.dma_semaphore, #tpu.memory_space<semaphore_mem>>) {add = true}
          %dma_wait3A_113 = arith.constant 0 : i32
          %dma_wait3A_114 = tpu.memref_slice %arg7[%add3A_93, %dma_wait3A_113] : memref<16x128xi32, #tpu.memory_space<vmem>> -> memref<1x128xi32, #tpu.memory_space<vmem>>
          %dma_wait3A_115 = tpu.memref_squeeze %dma_wait3A_114 : memref<1x128xi32, #tpu.memory_space<vmem>> -> memref<128xi32, #tpu.memory_space<vmem>>
          %dma_wait3A_116 = arith.constant 0 : i32
          %dma_wait3A_117 = arith.constant 0 : i32
          %dma_wait3A_118 = tpu.memref_slice %arg10[%dma_wait3A_116, %dma_wait3A_117] : memref<10240x128xf32, #tpu.memory_space<vmem_shared>> -> memref<10240x128xf32, #tpu.memory_space<vmem_shared>>
          tpu.wait_indirect_dma semaphore(%run_scoped3A : memref<!tpu.dma_semaphore, #tpu.memory_space<semaphore_mem>>) src(%arg9 : memref<128x128xf32, #tpu.memory_space<vmem>>) dst(%dma_wait3A_118 : memref<10240x128xf32, #tpu.memory_space<vmem_shared>>)
          tpu.yield
        }) : () -> ()
        %add3A_100 = arith.constant 2 : i32
        %add3A_101 = arith.addi %add3A_93, %add3A_100 : i32
        %lt3A_102 = arith.constant 16 : i32
        %lt3A_103 = arith.cmpi slt, %add3A_101, %lt3A_102 : i32
        %convert_element_type3A_104 = arith.extui %lt3A_103 : i1 to i32
        %cond3A_105 = arith.constant 0 : i32
        %cond3A_106 = arith.cmpi ne, %convert_element_type3A_104, %cond3A_105 : i32
        scf.if %cond3A_106 {
          %add3A_107 = arith.constant 2 : i32
          %add3A_108 = arith.addi %add3A_93, %add3A_107 : i32
          %dma_start3A_109 = arith.constant 0 : i32
          %dma_start3A_110 = tpu.memref_slice %arg6[%add3A_108, %dma_start3A_109] : memref<16x128xi32, #tpu.memory_space<vmem>> -> memref<1x128xi32, #tpu.memory_space<vmem>>
          %dma_start3A_111 = tpu.memref_squeeze %dma_start3A_110 : memref<1x128xi32, #tpu.memory_space<vmem>> -> memref<128xi32, #tpu.memory_space<vmem>>
          %dma_start3A_112 = arith.constant 0 : i32
          %dma_start3A_113 = arith.constant 0 : i32
          %dma_start3A_114 = tpu.memref_slice %arg2[%dma_start3A_112, %dma_start3A_113] : memref<10000x128xf32, #tpu.memory_space<hbm>> -> memref<10000x128xf32, #tpu.memory_space<hbm>>
          tpu.enqueue_indirect_dma source(%dma_start3A_114 : memref<10000x128xf32, #tpu.memory_space<hbm>>) target(%arg9 : memref<128x128xf32, #tpu.memory_space<vmem>>) offsets(%dma_start3A_111 : memref<128xi32, #tpu.memory_space<vmem>>) semaphore(%arg12 : memref<!tpu.dma_semaphore, #tpu.memory_space<semaphore_mem>>)
        } else {
        }
      }
      %scan3A_75 = arith.constant 8 : i32
    }
    %barrier3A_48 = arith.constant 0 : index
    tpu.barrier barrier_id(%barrier3A_48)
    %mul3A_49 = arith.constant 640 : i32
    %mul3A_50 = arith.muli %arg1, %mul3A_49 : i32
    %mul3A_51 = arith.constant 640 : i32
    %mul3A_52 = arith.muli %arg1, %mul3A_51 : i32
    "tpu.region"() ({
      %run_scoped3A = tpu.sem_alloc : memref<!tpu.dma_semaphore, #tpu.memory_space<semaphore_mem>>
      %dma_start3A = arith.constant 0 : i32
      %dma_start3A_53 = tpu.memref_slice %arg5[%arg0, %mul3A_52, %dma_start3A] : memref<2x10240x128xf32, #tpu.memory_space<hbm>> -> memref<1x640x128xf32, #tpu.memory_space<hbm>>
      %dma_start3A_54 = tpu.memref_squeeze %dma_start3A_53 : memref<1x640x128xf32, #tpu.memory_space<hbm>> -> memref<640x128xf32, #tpu.memory_space<hbm>>
      %dma_start3A_55 = arith.constant 0 : i32
      %dma_start3A_56 = tpu.memref_slice %arg10[%mul3A_50, %dma_start3A_55] : memref<10240x128xf32, #tpu.memory_space<vmem_shared>> -> memref<640x128xf32, #tpu.memory_space<vmem_shared>>
      tpu.enqueue_dma source(%dma_start3A_56 : memref<640x128xf32, #tpu.memory_space<vmem_shared>>) target(%dma_start3A_54 : memref<640x128xf32, #tpu.memory_space<hbm>>) target_semaphore(%run_scoped3A : memref<!tpu.dma_semaphore, #tpu.memory_space<semaphore_mem>>)
      %dma_wait3A = arith.constant 0 : i32
      %dma_wait3A_57 = tpu.memref_slice %arg5[%arg0, %mul3A_52, %dma_wait3A] : memref<2x10240x128xf32, #tpu.memory_space<hbm>> -> memref<1x640x128xf32, #tpu.memory_space<hbm>>
      %dma_wait3A_58 = tpu.memref_squeeze %dma_wait3A_57 : memref<1x640x128xf32, #tpu.memory_space<hbm>> -> memref<640x128xf32, #tpu.memory_space<hbm>>
      %dma_wait3A_59 = arith.constant 0 : i32
      %dma_wait3A_60 = tpu.memref_slice %arg10[%mul3A_50, %dma_wait3A_59] : memref<10240x128xf32, #tpu.memory_space<vmem_shared>> -> memref<640x128xf32, #tpu.memory_space<vmem_shared>>
      tpu.wait_dma2 semaphore(%run_scoped3A : memref<!tpu.dma_semaphore, #tpu.memory_space<semaphore_mem>>) src(%dma_wait3A_60 : memref<640x128xf32, #tpu.memory_space<vmem_shared>>) dst(%dma_wait3A_58 : memref<640x128xf32, #tpu.memory_space<hbm>>)
      tpu.yield
    }) : () -> ()
    return
  }
}

#map = affine_map<(d0, d1) -> (0, 0)>
#map1 = affine_map<(d0, d1) -> (0, 0, 0)>
module attributes {stable_mosaic.version = 14 : i64} {
  func.func @k(%arg0: i32, %arg1: i32, %arg2: memref<10000x128xf32, #tpu.memory_space<hbm>>, %arg3: memref<2560x128xi32, #tpu.memory_space<hbm>>, %arg4: memref<2560x128xi32, #tpu.memory_space<hbm>>, %arg5: memref<2x10240x128xf32, #tpu.memory_space<hbm>>, %arg6: memref<16x128xi32, #tpu.memory_space<vmem>>, %arg7: memref<16x128xi32, #tpu.memory_space<vmem>>, %arg8: memref<128x128xf32, #tpu.memory_space<vmem>>, %arg9: memref<128x128xf32, #tpu.memory_space<vmem>>, %arg10: memref<10240x128xf32, #tpu.memory_space<vmem_shared>>, %arg11: memref<!tpu.dma_semaphore, #tpu.memory_space<semaphore_mem>>, %arg12: memref<!tpu.dma_semaphore, #tpu.memory_space<semaphore_mem>>) attributes {dimension_semantics = [#tpu.dimension_semantics<core_parallel>, #tpu.dimension_semantics<subcore_parallel>], iteration_bounds = array<i64: 2, 16>, scalar_prefetch = 0 : i64, scratch_operands = 7 : i64, tpu.core_type = #tpu.core_type<sc_vector_subcore>, window_params = [{transform_indices = #map}, {transform_indices = #map}, {transform_indices = #map}, {transform_indices = #map1}]} {
    %eq3A = arith.constant 0 : i32
    %eq3A_0 = arith.cmpi eq, %arg0, %eq3A : i32
    %jit3A = arith.constant 144 : i32
    %jit3A_1 = arith.constant 16 : i32
    %select_n3A = arith.select %eq3A_0, %jit3A, %jit3A_1 : i32
    %eq3A_2 = arith.constant 0 : i32
    %eq3A_3 = arith.cmpi eq, %arg0, %eq3A_2 : i32
    %mul3A = arith.constant 144 : i32
    %mul3A_4 = arith.muli %arg1, %mul3A : i32
    %mul3A_5 = arith.constant 16 : i32
    %mul3A_6 = arith.muli %arg1, %mul3A_5 : i32
    %add3A = arith.constant 2304 : i32
    %add3A_7 = arith.addi %add3A, %mul3A_6 : i32
    %select_n3A_8 = arith.select %eq3A_3, %mul3A_4, %add3A_7 : i32
    %broadcast_in_dim3A = arith.constant 0.000000e+00 : f32
    %broadcast_in_dim3A_9 = vector.broadcast %broadcast_in_dim3A : f32 to vector<16xf32>
    %scan3A = arith.constant 0 : i32
    %scan3A_10 = arith.constant 0 : i32
    %scan3A_11 = arith.constant 1024 : i32
    %scan3A_12 = arith.addi %scan3A_10, %scan3A_11 : i32
    %scan3A_13 = arith.constant 1 : i32
    scf.for %scan3A_53 = %scan3A_10 to %scan3A_12 step %scan3A_13  : i32 {
      %jit3A_54 = arith.constant 8 : i32
      %div3A_55 = arith.divsi %scan3A_53, %jit3A_54 : i32
      %sign3A_56 = arith.constant 0 : i32
      %sign3A_57 = arith.cmpi sgt, %scan3A_53, %sign3A_56 : i32
      %sign3A_58 = arith.extui %sign3A_57 : i1 to i32
      %sign3A_59 = arith.constant 0 : i32
      %sign3A_60 = arith.cmpi slt, %scan3A_53, %sign3A_59 : i32
      %sign3A_61 = arith.extui %sign3A_60 : i1 to i32
      %sign3A_62 = arith.subi %sign3A_58, %sign3A_61 : i32
      %sign3A_63 = arith.constant 0 : i32
      %sign3A_64 = arith.cmpi sgt, %jit3A_54, %sign3A_63 : i32
      %sign3A_65 = arith.extui %sign3A_64 : i1 to i32
      %sign3A_66 = arith.constant 0 : i32
      %sign3A_67 = arith.cmpi slt, %jit3A_54, %sign3A_66 : i32
      %sign3A_68 = arith.extui %sign3A_67 : i1 to i32
      %sign3A_69 = arith.subi %sign3A_65, %sign3A_68 : i32
      %ne3A_70 = arith.cmpi ne, %sign3A_62, %sign3A_69 : i32
      %rem3A_71 = arith.remsi %scan3A_53, %jit3A_54 : i32
      %ne3A_72 = arith.constant 0 : i32
      %ne3A_73 = arith.cmpi ne, %rem3A_71, %ne3A_72 : i32
      %and3A_74 = arith.andi %ne3A_70, %ne3A_73 : i1
      %sub3A_75 = arith.constant 1 : i32
      %sub3A_76 = arith.subi %div3A_55, %sub3A_75 : i32
      %select_n3A_77 = arith.select %and3A_74, %sub3A_76, %div3A_55 : i32
      %jit3A_78 = arith.constant 8 : i32
      %eq3A_79 = arith.constant 0 : i32
      %eq3A_80 = arith.cmpi eq, %jit3A_78, %eq3A_79 : i32
      %jit3A_81 = arith.constant 1 : i32
      %select_n3A_82 = arith.select %eq3A_80, %jit3A_81, %jit3A_78 : i32
      %rem3A_83 = arith.remsi %scan3A_53, %select_n3A_82 : i32
      %ne3A_84 = arith.constant 0 : i32
      %ne3A_85 = arith.cmpi ne, %rem3A_83, %ne3A_84 : i32
      %lt3A = arith.constant 0 : i32
      %lt3A_86 = arith.cmpi slt, %rem3A_83, %lt3A : i32
      %lt3A_87 = arith.constant 0 : i32
      %lt3A_88 = arith.cmpi slt, %select_n3A_82, %lt3A_87 : i32
      %ne3A_89 = arith.xori %lt3A_86, %lt3A_88 : i1
      %and3A_90 = arith.andi %ne3A_89, %ne3A_85 : i1
      %add3A_91 = arith.addi %rem3A_83, %select_n3A_82 : i32
      %select_n3A_92 = arith.select %and3A_90, %add3A_91, %rem3A_83 : i32
      %mul3A_93 = arith.constant 16 : i32
      %mul3A_94 = arith.muli %select_n3A_92, %mul3A_93 : i32
      %swap3A = arith.index_cast %select_n3A_77 : i32 to index
      %swap3A_95 = arith.index_cast %mul3A_94 : i32 to index
      %swap3A_96 = tpu.vector_load %arg8[%swap3A, %swap3A_95] {strides = array<i32>} : memref<128x128xf32, #tpu.memory_space<vmem>>, vector<1x16xf32>,
      %swap3A_97 = vector.shape_cast %swap3A_96 : vector<1x16xf32> to vector<16xf32>
      %swap3A_98 = vector.shape_cast %broadcast_in_dim3A_9 : vector<16xf32> to vector<1x16xf32>
      tpu.vector_store %arg8[%swap3A, %swap3A_95], %swap3A_98 {strides = array<i32>} : memref<128x128xf32, #tpu.memory_space<vmem>>, vector<1x16xf32>,
    }
    %scan3A_14 = arith.constant 1024 : i32
    %scan3A_15 = arith.constant 0 : i32
    %scan3A_16 = arith.constant 0 : i32
    %scan3A_17 = arith.constant 5 : i32
    %scan3A_18 = arith.addi %scan3A_16, %scan3A_17 : i32
    %scan3A_19 = arith.constant 1 : i32
    scf.for %scan3A_53 = %scan3A_16 to %scan3A_18 step %scan3A_19  : i32 {
      %mul3A_54 = arith.constant 640 : i32
      %mul3A_55 = arith.muli %arg1, %mul3A_54 : i32
      %mul3A_56 = arith.constant 128 : i32
      %mul3A_57 = arith.muli %scan3A_53, %mul3A_56 : i32
      %add3A_58 = arith.addi %mul3A_55, %mul3A_57 : i32
      "tpu.region"() ({
        %run_scoped3A = tpu.sem_alloc : memref<!tpu.dma_semaphore, #tpu.memory_space<semaphore_mem>>
        %dma_start3A = arith.constant 0 : i32
        %dma_start3A_59 = tpu.memref_slice %arg10[%add3A_58, %dma_start3A] : memref<10240x128xf32, #tpu.memory_space<vmem_shared>> -> memref<128x128xf32, #tpu.memory_space<vmem_shared>>
        %dma_start3A_60 = arith.constant 0 : i32
        %dma_start3A_61 = tpu.memref_slice %arg10[%add3A_58, %dma_start3A_60] : memref<10240x128xf32, #tpu.memory_space<vmem_shared>> -> memref<128x128xf32, #tpu.memory_space<vmem_shared>>
        tpu.enqueue_dma source(%arg8 : memref<128x128xf32, #tpu.memory_space<vmem>>) target(%dma_start3A_61 : memref<128x128xf32, #tpu.memory_space<vmem_shared>>) target_semaphore(%run_scoped3A : memref<!tpu.dma_semaphore, #tpu.memory_space<semaphore_mem>>)
        %dma_wait3A = arith.constant 0 : i32
        %dma_wait3A_62 = tpu.memref_slice %arg10[%add3A_58, %dma_wait3A] : memref<10240x128xf32, #tpu.memory_space<vmem_shared>> -> memref<128x128xf32, #tpu.memory_space<vmem_shared>>
        %dma_wait3A_63 = arith.constant 0 : i32
        %dma_wait3A_64 = tpu.memref_slice %arg10[%add3A_58, %dma_wait3A_63] : memref<10240x128xf32, #tpu.memory_space<vmem_shared>> -> memref<128x128xf32, #tpu.memory_space<vmem_shared>>
        tpu.wait_dma2 semaphore(%run_scoped3A : memref<!tpu.dma_semaphore, #tpu.memory_space<semaphore_mem>>) src(%arg8 : memref<128x128xf32, #tpu.memory_space<vmem>>) dst(%dma_wait3A_64 : memref<128x128xf32, #tpu.memory_space<vmem_shared>>)
        tpu.yield
      }) : () -> ()
    }
    %scan3A_20 = arith.constant 5 : i32
    %barrier3A = arith.constant 0 : index
    tpu.barrier barrier_id(%barrier3A)
    %jit3A_21 = arith.constant 16 : i32
    %div3A = arith.divsi %select_n3A, %jit3A_21 : i32
    %sign3A = arith.constant 0 : i32
    %sign3A_22 = arith.cmpi sgt, %select_n3A, %sign3A : i32
    %sign3A_23 = arith.extui %sign3A_22 : i1 to i32
    %sign3A_24 = arith.constant 0 : i32
    %sign3A_25 = arith.cmpi slt, %select_n3A, %sign3A_24 : i32
    %sign3A_26 = arith.extui %sign3A_25 : i1 to i32
    %sign3A_27 = arith.subi %sign3A_23, %sign3A_26 : i32
    %sign3A_28 = arith.constant 0 : i32
    %sign3A_29 = arith.cmpi sgt, %jit3A_21, %sign3A_28 : i32
    %sign3A_30 = arith.extui %sign3A_29 : i1 to i32
    %sign3A_31 = arith.constant 0 : i32
    %sign3A_32 = arith.cmpi slt, %jit3A_21, %sign3A_31 : i32
    %sign3A_33 = arith.extui %sign3A_32 : i1 to i32
    %sign3A_34 = arith.subi %sign3A_30, %sign3A_33 : i32
    %ne3A = arith.cmpi ne, %sign3A_27, %sign3A_34 : i32
    %rem3A = arith.remsi %select_n3A, %jit3A_21 : i32
    %ne3A_35 = arith.constant 0 : i32
    %ne3A_36 = arith.cmpi ne, %rem3A, %ne3A_35 : i32
    %and3A = arith.andi %ne3A, %ne3A_36 : i1
    %sub3A = arith.constant 1 : i32
    %sub3A_37 = arith.subi %div3A, %sub3A : i32
    %select_n3A_38 = arith.select %and3A, %sub3A_37, %div3A : i32
    %while3A = arith.constant 0 : i32
    %while3A_39 = arith.constant 0 : i32
    %while3A_40 = arith.subi %select_n3A_38, %while3A_39 : i32
    %while3A_41 = arith.addi %while3A_39, %while3A_40 : i32
    %while3A_42 = arith.constant 1 : i32
    %while3A_43 = arith.divsi %while3A_40, %while3A_42 : i32
    %while3A_44 = arith.muli %while3A_43, %while3A_42 : i32
    %while3A_45 = arith.addi %while3A_39, %while3A_44 : i32
    %while3A_46 = arith.constant 1 : i32
    scf.for %while3A_53 = %while3A_39 to %while3A_45 step %while3A_46  : i32 {
      %mul3A_54 = arith.constant 16 : i32
      %mul3A_55 = arith.muli %while3A_53, %mul3A_54 : i32
      %add3A_56 = arith.addi %select_n3A_8, %mul3A_55 : i32
      "tpu.region"() ({
        %run_scoped3A = tpu.sem_alloc : memref<!tpu.dma_semaphore, #tpu.memory_space<semaphore_mem>>
        %dma_start3A_76 = arith.constant 0 : i32
        %dma_start3A_77 = tpu.memref_slice %arg3[%add3A_56, %dma_start3A_76] : memref<2560x128xi32, #tpu.memory_space<hbm>> -> memref<16x128xi32, #tpu.memory_space<hbm>>
        %dma_start3A_78 = arith.constant 0 : i32
        %dma_start3A_79 = tpu.memref_slice %arg3[%add3A_56, %dma_start3A_78] : memref<2560x128xi32, #tpu.memory_space<hbm>> -> memref<16x128xi32, #tpu.memory_space<hbm>>
        tpu.enqueue_dma source(%dma_start3A_79 : memref<16x128xi32, #tpu.memory_space<hbm>>) target(%arg6 : memref<16x128xi32, #tpu.memory_space<vmem>>) target_semaphore(%run_scoped3A : memref<!tpu.dma_semaphore, #tpu.memory_space<semaphore_mem>>)
        %dma_wait3A = arith.constant 0 : i32
        %dma_wait3A_80 = tpu.memref_slice %arg3[%add3A_56, %dma_wait3A] : memref<2560x128xi32, #tpu.memory_space<hbm>> -> memref<16x128xi32, #tpu.memory_space<hbm>>
        %dma_wait3A_81 = arith.constant 0 : i32
        %dma_wait3A_82 = tpu.memref_slice %arg3[%add3A_56, %dma_wait3A_81] : memref<2560x128xi32, #tpu.memory_space<hbm>> -> memref<16x128xi32, #tpu.memory_space<hbm>>
        tpu.wait_dma2 semaphore(%run_scoped3A : memref<!tpu.dma_semaphore, #tpu.memory_space<semaphore_mem>>) src(%dma_wait3A_82 : memref<16x128xi32, #tpu.memory_space<hbm>>) dst(%arg6 : memref<16x128xi32, #tpu.memory_space<vmem>>)
        tpu.yield
      }) : () -> ()
      "tpu.region"() ({
        %run_scoped3A = tpu.sem_alloc : memref<!tpu.dma_semaphore, #tpu.memory_space<semaphore_mem>>
        %dma_start3A_76 = arith.constant 0 : i32
        %dma_start3A_77 = tpu.memref_slice %arg4[%add3A_56, %dma_start3A_76] : memref<2560x128xi32, #tpu.memory_space<hbm>> -> memref<16x128xi32, #tpu.memory_space<hbm>>
        %dma_start3A_78 = arith.constant 0 : i32
        %dma_start3A_79 = tpu.memref_slice %arg4[%add3A_56, %dma_start3A_78] : memref<2560x128xi32, #tpu.memory_space<hbm>> -> memref<16x128xi32, #tpu.memory_space<hbm>>
        tpu.enqueue_dma source(%dma_start3A_79 : memref<16x128xi32, #tpu.memory_space<hbm>>) target(%arg7 : memref<16x128xi32, #tpu.memory_space<vmem>>) target_semaphore(%run_scoped3A : memref<!tpu.dma_semaphore, #tpu.memory_space<semaphore_mem>>)
        %dma_wait3A = arith.constant 0 : i32
        %dma_wait3A_80 = tpu.memref_slice %arg4[%add3A_56, %dma_wait3A] : memref<2560x128xi32, #tpu.memory_space<hbm>> -> memref<16x128xi32, #tpu.memory_space<hbm>>
        %dma_wait3A_81 = arith.constant 0 : i32
        %dma_wait3A_82 = tpu.memref_slice %arg4[%add3A_56, %dma_wait3A_81] : memref<2560x128xi32, #tpu.memory_space<hbm>> -> memref<16x128xi32, #tpu.memory_space<hbm>>
        tpu.wait_dma2 semaphore(%run_scoped3A : memref<!tpu.dma_semaphore, #tpu.memory_space<semaphore_mem>>) src(%dma_wait3A_82 : memref<16x128xi32, #tpu.memory_space<hbm>>) dst(%arg7 : memref<16x128xi32, #tpu.memory_space<vmem>>)
        tpu.yield
      }) : () -> ()
      %dma_start3A = arith.constant 0 : i32
      %dma_start3A_57 = arith.constant 0 : i32
      %dma_start3A_58 = tpu.memref_slice %arg6[%dma_start3A, %dma_start3A_57] : memref<16x128xi32, #tpu.memory_space<vmem>> -> memref<1x128xi32, #tpu.memory_space<vmem>>
      %dma_start3A_59 = tpu.memref_squeeze %dma_start3A_58 : memref<1x128xi32, #tpu.memory_space<vmem>> -> memref<128xi32, #tpu.memory_space<vmem>>
      %dma_start3A_60 = arith.constant 0 : i32
      %dma_start3A_61 = arith.constant 0 : i32
      %dma_start3A_62 = tpu.memref_slice %arg2[%dma_start3A_60, %dma_start3A_61] : memref<10000x128xf32, #tpu.memory_space<hbm>> -> memref<10000x128xf32, #tpu.memory_space<hbm>>
      tpu.enqueue_indirect_dma source(%dma_start3A_62 : memref<10000x128xf32, #tpu.memory_space<hbm>>) target(%arg8 : memref<128x128xf32, #tpu.memory_space<vmem>>) offsets(%dma_start3A_59 : memref<128xi32, #tpu.memory_space<vmem>>) semaphore(%arg11 : memref<!tpu.dma_semaphore, #tpu.memory_space<semaphore_mem>>)
      %dma_start3A_63 = arith.constant 1 : i32
      %dma_start3A_64 = arith.constant 0 : i32
      %dma_start3A_65 = tpu.memref_slice %arg6[%dma_start3A_63, %dma_start3A_64] : memref<16x128xi32, #tpu.memory_space<vmem>> -> memref<1x128xi32, #tpu.memory_space<vmem>>
      %dma_start3A_66 = tpu.memref_squeeze %dma_start3A_65 : memref<1x128xi32, #tpu.memory_space<vmem>> -> memref<128xi32, #tpu.memory_space<vmem>>
      %dma_start3A_67 = arith.constant 0 : i32
      %dma_start3A_68 = arith.constant 0 : i32
      %dma_start3A_69 = tpu.memref_slice %arg2[%dma_start3A_67, %dma_start3A_68] : memref<10000x128xf32, #tpu.memory_space<hbm>> -> memref<10000x128xf32, #tpu.memory_space<hbm>>
      tpu.enqueue_indirect_dma source(%dma_start3A_69 : memref<10000x128xf32, #tpu.memory_space<hbm>>) target(%arg9 : memref<128x128xf32, #tpu.memory_space<vmem>>) offsets(%dma_start3A_66 : memref<128xi32, #tpu.memory_space<vmem>>) semaphore(%arg12 : memref<!tpu.dma_semaphore, #tpu.memory_space<semaphore_mem>>)
      %scan3A_70 = arith.constant 0 : i32
      %scan3A_71 = arith.constant 0 : i32
      %scan3A_72 = arith.constant 8 : i32
      %scan3A_73 = arith.addi %scan3A_71, %scan3A_72 : i32
      %scan3A_74 = arith.constant 1 : i32
      scf.for %scan3A_76 = %scan3A_71 to %scan3A_73 step %scan3A_74  : i32 {
        %mul3A_77 = arith.constant 2 : i32
        %mul3A_78 = arith.muli %scan3A_76, %mul3A_77 : i32
        %add3A_79 = arith.constant 0 : i32
        %add3A_80 = arith.addi %mul3A_78, %add3A_79 : i32
        %dma_wait3A = arith.constant 0 : i32
        %dma_wait3A_81 = tpu.memref_slice %arg6[%add3A_80, %dma_wait3A] : memref<16x128xi32, #tpu.memory_space<vmem>> -> memref<1x128xi32, #tpu.memory_space<vmem>>
        %dma_wait3A_82 = tpu.memref_squeeze %dma_wait3A_81 : memref<1x128xi32, #tpu.memory_space<vmem>> -> memref<128xi32, #tpu.memory_space<vmem>>
        %dma_wait3A_83 = arith.constant 0 : i32
        %dma_wait3A_84 = arith.constant 0 : i32
        %dma_wait3A_85 = tpu.memref_slice %arg2[%dma_wait3A_83, %dma_wait3A_84] : memref<10000x128xf32, #tpu.memory_space<hbm>> -> memref<10000x128xf32, #tpu.memory_space<hbm>>
        tpu.wait_indirect_dma semaphore(%arg11 : memref<!tpu.dma_semaphore, #tpu.memory_space<semaphore_mem>>) src(%dma_wait3A_85 : memref<10000x128xf32, #tpu.memory_space<hbm>>) dst(%arg8 : memref<128x128xf32, #tpu.memory_space<vmem>>)
        "tpu.region"() ({
          %run_scoped3A = tpu.sem_alloc : memref<!tpu.dma_semaphore, #tpu.memory_space<semaphore_mem>>
          %dma_start3A_107 = arith.constant 0 : i32
          %dma_start3A_108 = tpu.memref_slice %arg7[%add3A_80, %dma_start3A_107] : memref<16x128xi32, #tpu.memory_space<vmem>> -> memref<1x128xi32, #tpu.memory_space<vmem>>
          %dma_start3A_109 = tpu.memref_squeeze %dma_start3A_108 : memref<1x128xi32, #tpu.memory_space<vmem>> -> memref<128xi32, #tpu.memory_space<vmem>>
          %dma_start3A_110 = arith.constant 0 : i32
          %dma_start3A_111 = arith.constant 0 : i32
          %dma_start3A_112 = tpu.memref_slice %arg10[%dma_start3A_110, %dma_start3A_111] : memref<10240x128xf32, #tpu.memory_space<vmem_shared>> -> memref<10240x128xf32, #tpu.memory_space<vmem_shared>>
          tpu.enqueue_indirect_dma source(%arg8 : memref<128x128xf32, #tpu.memory_space<vmem>>) target(%dma_start3A_112 : memref<10240x128xf32, #tpu.memory_space<vmem_shared>>) offsets(%dma_start3A_109 : memref<128xi32, #tpu.memory_space<vmem>>) semaphore(%run_scoped3A : memref<!tpu.dma_semaphore, #tpu.memory_space<semaphore_mem>>) {add = true}
          %dma_wait3A_113 = arith.constant 0 : i32
          %dma_wait3A_114 = tpu.memref_slice %arg7[%add3A_80, %dma_wait3A_113] : memref<16x128xi32, #tpu.memory_space<vmem>> -> memref<1x128xi32, #tpu.memory_space<vmem>>
          %dma_wait3A_115 = tpu.memref_squeeze %dma_wait3A_114 : memref<1x128xi32, #tpu.memory_space<vmem>> -> memref<128xi32, #tpu.memory_space<vmem>>
          %dma_wait3A_116 = arith.constant 0 : i32
          %dma_wait3A_117 = arith.constant 0 : i32
          %dma_wait3A_118 = tpu.memref_slice %arg10[%dma_wait3A_116, %dma_wait3A_117] : memref<10240x128xf32, #tpu.memory_space<vmem_shared>> -> memref<10240x128xf32, #tpu.memory_space<vmem_shared>>
          tpu.wait_indirect_dma semaphore(%run_scoped3A : memref<!tpu.dma_semaphore, #tpu.memory_space<semaphore_mem>>) src(%arg8 : memref<128x128xf32, #tpu.memory_space<vmem>>) dst(%dma_wait3A_118 : memref<10240x128xf32, #tpu.memory_space<vmem_shared>>)
          tpu.yield
        }) : () -> ()
        %add3A_86 = arith.constant 2 : i32
        %add3A_87 = arith.addi %add3A_80, %add3A_86 : i32
        %lt3A = arith.constant 16 : i32
        %lt3A_88 = arith.cmpi slt, %add3A_87, %lt3A : i32
        %convert_element_type3A = arith.extui %lt3A_88 : i1 to i32
        %cond3A = arith.constant 0 : i32
        %cond3A_89 = arith.cmpi ne, %convert_element_type3A, %cond3A : i32
        scf.if %cond3A_89 {
          %add3A_107 = arith.constant 2 : i32
          %add3A_108 = arith.addi %add3A_80, %add3A_107 : i32
          %dma_start3A_109 = arith.constant 0 : i32
          %dma_start3A_110 = tpu.memref_slice %arg6[%add3A_108, %dma_start3A_109] : memref<16x128xi32, #tpu.memory_space<vmem>> -> memref<1x128xi32, #tpu.memory_space<vmem>>
          %dma_start3A_111 = tpu.memref_squeeze %dma_start3A_110 : memref<1x128xi32, #tpu.memory_space<vmem>> -> memref<128xi32, #tpu.memory_space<vmem>>
          %dma_start3A_112 = arith.constant 0 : i32
          %dma_start3A_113 = arith.constant 0 : i32
          %dma_start3A_114 = tpu.memref_slice %arg2[%dma_start3A_112, %dma_start3A_113] : memref<10000x128xf32, #tpu.memory_space<hbm>> -> memref<10000x128xf32, #tpu.memory_space<hbm>>
          tpu.enqueue_indirect_dma source(%dma_start3A_114 : memref<10000x128xf32, #tpu.memory_space<hbm>>) target(%arg8 : memref<128x128xf32, #tpu.memory_space<vmem>>) offsets(%dma_start3A_111 : memref<128xi32, #tpu.memory_space<vmem>>) semaphore(%arg11 : memref<!tpu.dma_semaphore, #tpu.memory_space<semaphore_mem>>)
        } else {
        }
        %mul3A_90 = arith.constant 2 : i32
        %mul3A_91 = arith.muli %scan3A_76, %mul3A_90 : i32
        %add3A_92 = arith.constant 1 : i32
        %add3A_93 = arith.addi %mul3A_91, %add3A_92 : i32
        %dma_wait3A_94 = arith.constant 0 : i32
        %dma_wait3A_95 = tpu.memref_slice %arg6[%add3A_93, %dma_wait3A_94] : memref<16x128xi32, #tpu.memory_space<vmem>> -> memref<1x128xi32, #tpu.memory_space<vmem>>
        %dma_wait3A_96 = tpu.memref_squeeze %dma_wait3A_95 : memref<1x128xi32, #tpu.memory_space<vmem>> -> memref<128xi32, #tpu.memory_space<vmem>>
        %dma_wait3A_97 = arith.constant 0 : i32
        %dma_wait3A_98 = arith.constant 0 : i32
        %dma_wait3A_99 = tpu.memref_slice %arg2[%dma_wait3A_97, %dma_wait3A_98] : memref<10000x128xf32, #tpu.memory_space<hbm>> -> memref<10000x128xf32, #tpu.memory_space<hbm>>
        tpu.wait_indirect_dma semaphore(%arg12 : memref<!tpu.dma_semaphore, #tpu.memory_space<semaphore_mem>>) src(%dma_wait3A_99 : memref<10000x128xf32, #tpu.memory_space<hbm>>) dst(%arg9 : memref<128x128xf32, #tpu.memory_space<vmem>>)
        "tpu.region"() ({
          %run_scoped3A = tpu.sem_alloc : memref<!tpu.dma_semaphore, #tpu.memory_space<semaphore_mem>>
          %dma_start3A_107 = arith.constant 0 : i32
          %dma_start3A_108 = tpu.memref_slice %arg7[%add3A_93, %dma_start3A_107] : memref<16x128xi32, #tpu.memory_space<vmem>> -> memref<1x128xi32, #tpu.memory_space<vmem>>
          %dma_start3A_109 = tpu.memref_squeeze %dma_start3A_108 : memref<1x128xi32, #tpu.memory_space<vmem>> -> memref<128xi32, #tpu.memory_space<vmem>>
          %dma_start3A_110 = arith.constant 0 : i32
          %dma_start3A_111 = arith.constant 0 : i32
          %dma_start3A_112 = tpu.memref_slice %arg10[%dma_start3A_110, %dma_start3A_111] : memref<10240x128xf32, #tpu.memory_space<vmem_shared>> -> memref<10240x128xf32, #tpu.memory_space<vmem_shared>>
          tpu.enqueue_indirect_dma source(%arg9 : memref<128x128xf32, #tpu.memory_space<vmem>>) target(%dma_start3A_112 : memref<10240x128xf32, #tpu.memory_space<vmem_shared>>) offsets(%dma_start3A_109 : memref<128xi32, #tpu.memory_space<vmem>>) semaphore(%run_scoped3A : memref<!tpu.dma_semaphore, #tpu.memory_space<semaphore_mem>>) {add = true}
          %dma_wait3A_113 = arith.constant 0 : i32
          %dma_wait3A_114 = tpu.memref_slice %arg7[%add3A_93, %dma_wait3A_113] : memref<16x128xi32, #tpu.memory_space<vmem>> -> memref<1x128xi32, #tpu.memory_space<vmem>>
          %dma_wait3A_115 = tpu.memref_squeeze %dma_wait3A_114 : memref<1x128xi32, #tpu.memory_space<vmem>> -> memref<128xi32, #tpu.memory_space<vmem>>
          %dma_wait3A_116 = arith.constant 0 : i32
          %dma_wait3A_117 = arith.constant 0 : i32
          %dma_wait3A_118 = tpu.memref_slice %arg10[%dma_wait3A_116, %dma_wait3A_117] : memref<10240x128xf32, #tpu.memory_space<vmem_shared>> -> memref<10240x128xf32, #tpu.memory_space<vmem_shared>>
          tpu.wait_indirect_dma semaphore(%run_scoped3A : memref<!tpu.dma_semaphore, #tpu.memory_space<semaphore_mem>>) src(%arg9 : memref<128x128xf32, #tpu.memory_space<vmem>>) dst(%dma_wait3A_118 : memref<10240x128xf32, #tpu.memory_space<vmem_shared>>)
          tpu.yield
        }) : () -> ()
        %add3A_100 = arith.constant 2 : i32
        %add3A_101 = arith.addi %add3A_93, %add3A_100 : i32
        %lt3A_102 = arith.constant 16 : i32
        %lt3A_103 = arith.cmpi slt, %add3A_101, %lt3A_102 : i32
        %convert_element_type3A_104 = arith.extui %lt3A_103 : i1 to i32
        %cond3A_105 = arith.constant 0 : i32
        %cond3A_106 = arith.cmpi ne, %convert_element_type3A_104, %cond3A_105 : i32
        scf.if %cond3A_106 {
          %add3A_107 = arith.constant 2 : i32
          %add3A_108 = arith.addi %add3A_93, %add3A_107 : i32
          %dma_start3A_109 = arith.constant 0 : i32
          %dma_start3A_110 = tpu.memref_slice %arg6[%add3A_108, %dma_start3A_109] : memref<16x128xi32, #tpu.memory_space<vmem>> -> memref<1x128xi32, #tpu.memory_space<vmem>>
          %dma_start3A_111 = tpu.memref_squeeze %dma_start3A_110 : memref<1x128xi32, #tpu.memory_space<vmem>> -> memref<128xi32, #tpu.memory_space<vmem>>
          %dma_start3A_112 = arith.constant 0 : i32
          %dma_start3A_113 = arith.constant 0 : i32
          %dma_start3A_114 = tpu.memref_slice %arg2[%dma_start3A_112, %dma_start3A_113] : memref<10000x128xf32, #tpu.memory_space<hbm>> -> memref<10000x128xf32, #tpu.memory_space<hbm>>
          tpu.enqueue_indirect_dma source(%dma_start3A_114 : memref<10000x128xf32, #tpu.memory_space<hbm>>) target(%arg9 : memref<128x128xf32, #tpu.memory_space<vmem>>) offsets(%dma_start3A_111 : memref<128xi32, #tpu.memory_space<vmem>>) semaphore(%arg12 : memref<!tpu.dma_semaphore, #tpu.memory_space<semaphore_mem>>)
        } else {
        }
      }
      %scan3A_75 = arith.constant 8 : i32
    }
    %while3A_47 = arith.constant 1 : i32
    scf.for %while3A_53 = %while3A_45 to %while3A_41 step %while3A_47  : i32 {
      %mul3A_54 = arith.constant 16 : i32
      %mul3A_55 = arith.muli %while3A_53, %mul3A_54 : i32
      %add3A_56 = arith.addi %select_n3A_8, %mul3A_55 : i32
      "tpu.region"() ({
        %run_scoped3A = tpu.sem_alloc : memref<!tpu.dma_semaphore, #tpu.memory_space<semaphore_mem>>
        %dma_start3A_76 = arith.constant 0 : i32
        %dma_start3A_77 = tpu.memref_slice %arg3[%add3A_56, %dma_start3A_76] : memref<2560x128xi32, #tpu.memory_space<hbm>> -> memref<16x128xi32, #tpu.memory_space<hbm>>
        %dma_start3A_78 = arith.constant 0 : i32
        %dma_start3A_79 = tpu.memref_slice %arg3[%add3A_56, %dma_start3A_78] : memref<2560x128xi32, #tpu.memory_space<hbm>> -> memref<16x128xi32, #tpu.memory_space<hbm>>
        tpu.enqueue_dma source(%dma_start3A_79 : memref<16x128xi32, #tpu.memory_space<hbm>>) target(%arg6 : memref<16x128xi32, #tpu.memory_space<vmem>>) target_semaphore(%run_scoped3A : memref<!tpu.dma_semaphore, #tpu.memory_space<semaphore_mem>>)
        %dma_wait3A = arith.constant 0 : i32
        %dma_wait3A_80 = tpu.memref_slice %arg3[%add3A_56, %dma_wait3A] : memref<2560x128xi32, #tpu.memory_space<hbm>> -> memref<16x128xi32, #tpu.memory_space<hbm>>
        %dma_wait3A_81 = arith.constant 0 : i32
        %dma_wait3A_82 = tpu.memref_slice %arg3[%add3A_56, %dma_wait3A_81] : memref<2560x128xi32, #tpu.memory_space<hbm>> -> memref<16x128xi32, #tpu.memory_space<hbm>>
        tpu.wait_dma2 semaphore(%run_scoped3A : memref<!tpu.dma_semaphore, #tpu.memory_space<semaphore_mem>>) src(%dma_wait3A_82 : memref<16x128xi32, #tpu.memory_space<hbm>>) dst(%arg6 : memref<16x128xi32, #tpu.memory_space<vmem>>)
        tpu.yield
      }) : () -> ()
      "tpu.region"() ({
        %run_scoped3A = tpu.sem_alloc : memref<!tpu.dma_semaphore, #tpu.memory_space<semaphore_mem>>
        %dma_start3A_76 = arith.constant 0 : i32
        %dma_start3A_77 = tpu.memref_slice %arg4[%add3A_56, %dma_start3A_76] : memref<2560x128xi32, #tpu.memory_space<hbm>> -> memref<16x128xi32, #tpu.memory_space<hbm>>
        %dma_start3A_78 = arith.constant 0 : i32
        %dma_start3A_79 = tpu.memref_slice %arg4[%add3A_56, %dma_start3A_78] : memref<2560x128xi32, #tpu.memory_space<hbm>> -> memref<16x128xi32, #tpu.memory_space<hbm>>
        tpu.enqueue_dma source(%dma_start3A_79 : memref<16x128xi32, #tpu.memory_space<hbm>>) target(%arg7 : memref<16x128xi32, #tpu.memory_space<vmem>>) target_semaphore(%run_scoped3A : memref<!tpu.dma_semaphore, #tpu.memory_space<semaphore_mem>>)
        %dma_wait3A = arith.constant 0 : i32
        %dma_wait3A_80 = tpu.memref_slice %arg4[%add3A_56, %dma_wait3A] : memref<2560x128xi32, #tpu.memory_space<hbm>> -> memref<16x128xi32, #tpu.memory_space<hbm>>
        %dma_wait3A_81 = arith.constant 0 : i32
        %dma_wait3A_82 = tpu.memref_slice %arg4[%add3A_56, %dma_wait3A_81] : memref<2560x128xi32, #tpu.memory_space<hbm>> -> memref<16x128xi32, #tpu.memory_space<hbm>>
        tpu.wait_dma2 semaphore(%run_scoped3A : memref<!tpu.dma_semaphore, #tpu.memory_space<semaphore_mem>>) src(%dma_wait3A_82 : memref<16x128xi32, #tpu.memory_space<hbm>>) dst(%arg7 : memref<16x128xi32, #tpu.memory_space<vmem>>)
        tpu.yield
      }) : () -> ()
      %dma_start3A = arith.constant 0 : i32
      %dma_start3A_57 = arith.constant 0 : i32
      %dma_start3A_58 = tpu.memref_slice %arg6[%dma_start3A, %dma_start3A_57] : memref<16x128xi32, #tpu.memory_space<vmem>> -> memref<1x128xi32, #tpu.memory_space<vmem>>
      %dma_start3A_59 = tpu.memref_squeeze %dma_start3A_58 : memref<1x128xi32, #tpu.memory_space<vmem>> -> memref<128xi32, #tpu.memory_space<vmem>>
      %dma_start3A_60 = arith.constant 0 : i32
      %dma_start3A_61 = arith.constant 0 : i32
      %dma_start3A_62 = tpu.memref_slice %arg2[%dma_start3A_60, %dma_start3A_61] : memref<10000x128xf32, #tpu.memory_space<hbm>> -> memref<10000x128xf32, #tpu.memory_space<hbm>>
      tpu.enqueue_indirect_dma source(%dma_start3A_62 : memref<10000x128xf32, #tpu.memory_space<hbm>>) target(%arg8 : memref<128x128xf32, #tpu.memory_space<vmem>>) offsets(%dma_start3A_59 : memref<128xi32, #tpu.memory_space<vmem>>) semaphore(%arg11 : memref<!tpu.dma_semaphore, #tpu.memory_space<semaphore_mem>>)
      %dma_start3A_63 = arith.constant 1 : i32
      %dma_start3A_64 = arith.constant 0 : i32
      %dma_start3A_65 = tpu.memref_slice %arg6[%dma_start3A_63, %dma_start3A_64] : memref<16x128xi32, #tpu.memory_space<vmem>> -> memref<1x128xi32, #tpu.memory_space<vmem>>
      %dma_start3A_66 = tpu.memref_squeeze %dma_start3A_65 : memref<1x128xi32, #tpu.memory_space<vmem>> -> memref<128xi32, #tpu.memory_space<vmem>>
      %dma_start3A_67 = arith.constant 0 : i32
      %dma_start3A_68 = arith.constant 0 : i32
      %dma_start3A_69 = tpu.memref_slice %arg2[%dma_start3A_67, %dma_start3A_68] : memref<10000x128xf32, #tpu.memory_space<hbm>> -> memref<10000x128xf32, #tpu.memory_space<hbm>>
      tpu.enqueue_indirect_dma source(%dma_start3A_69 : memref<10000x128xf32, #tpu.memory_space<hbm>>) target(%arg9 : memref<128x128xf32, #tpu.memory_space<vmem>>) offsets(%dma_start3A_66 : memref<128xi32, #tpu.memory_space<vmem>>) semaphore(%arg12 : memref<!tpu.dma_semaphore, #tpu.memory_space<semaphore_mem>>)
      %scan3A_70 = arith.constant 0 : i32
      %scan3A_71 = arith.constant 0 : i32
      %scan3A_72 = arith.constant 8 : i32
      %scan3A_73 = arith.addi %scan3A_71, %scan3A_72 : i32
      %scan3A_74 = arith.constant 1 : i32
      scf.for %scan3A_76 = %scan3A_71 to %scan3A_73 step %scan3A_74  : i32 {
        %mul3A_77 = arith.constant 2 : i32
        %mul3A_78 = arith.muli %scan3A_76, %mul3A_77 : i32
        %add3A_79 = arith.constant 0 : i32
        %add3A_80 = arith.addi %mul3A_78, %add3A_79 : i32
        %dma_wait3A = arith.constant 0 : i32
        %dma_wait3A_81 = tpu.memref_slice %arg6[%add3A_80, %dma_wait3A] : memref<16x128xi32, #tpu.memory_space<vmem>> -> memref<1x128xi32, #tpu.memory_space<vmem>>
        %dma_wait3A_82 = tpu.memref_squeeze %dma_wait3A_81 : memref<1x128xi32, #tpu.memory_space<vmem>> -> memref<128xi32, #tpu.memory_space<vmem>>
        %dma_wait3A_83 = arith.constant 0 : i32
        %dma_wait3A_84 = arith.constant 0 : i32
        %dma_wait3A_85 = tpu.memref_slice %arg2[%dma_wait3A_83, %dma_wait3A_84] : memref<10000x128xf32, #tpu.memory_space<hbm>> -> memref<10000x128xf32, #tpu.memory_space<hbm>>
        tpu.wait_indirect_dma semaphore(%arg11 : memref<!tpu.dma_semaphore, #tpu.memory_space<semaphore_mem>>) src(%dma_wait3A_85 : memref<10000x128xf32, #tpu.memory_space<hbm>>) dst(%arg8 : memref<128x128xf32, #tpu.memory_space<vmem>>)
        "tpu.region"() ({
          %run_scoped3A = tpu.sem_alloc : memref<!tpu.dma_semaphore, #tpu.memory_space<semaphore_mem>>
          %dma_start3A_107 = arith.constant 0 : i32
          %dma_start3A_108 = tpu.memref_slice %arg7[%add3A_80, %dma_start3A_107] : memref<16x128xi32, #tpu.memory_space<vmem>> -> memref<1x128xi32, #tpu.memory_space<vmem>>
          %dma_start3A_109 = tpu.memref_squeeze %dma_start3A_108 : memref<1x128xi32, #tpu.memory_space<vmem>> -> memref<128xi32, #tpu.memory_space<vmem>>
          %dma_start3A_110 = arith.constant 0 : i32
          %dma_start3A_111 = arith.constant 0 : i32
          %dma_start3A_112 = tpu.memref_slice %arg10[%dma_start3A_110, %dma_start3A_111] : memref<10240x128xf32, #tpu.memory_space<vmem_shared>> -> memref<10240x128xf32, #tpu.memory_space<vmem_shared>>
          tpu.enqueue_indirect_dma source(%arg8 : memref<128x128xf32, #tpu.memory_space<vmem>>) target(%dma_start3A_112 : memref<10240x128xf32, #tpu.memory_space<vmem_shared>>) offsets(%dma_start3A_109 : memref<128xi32, #tpu.memory_space<vmem>>) semaphore(%run_scoped3A : memref<!tpu.dma_semaphore, #tpu.memory_space<semaphore_mem>>) {add = true}
          %dma_wait3A_113 = arith.constant 0 : i32
          %dma_wait3A_114 = tpu.memref_slice %arg7[%add3A_80, %dma_wait3A_113] : memref<16x128xi32, #tpu.memory_space<vmem>> -> memref<1x128xi32, #tpu.memory_space<vmem>>
          %dma_wait3A_115 = tpu.memref_squeeze %dma_wait3A_114 : memref<1x128xi32, #tpu.memory_space<vmem>> -> memref<128xi32, #tpu.memory_space<vmem>>
          %dma_wait3A_116 = arith.constant 0 : i32
          %dma_wait3A_117 = arith.constant 0 : i32
          %dma_wait3A_118 = tpu.memref_slice %arg10[%dma_wait3A_116, %dma_wait3A_117] : memref<10240x128xf32, #tpu.memory_space<vmem_shared>> -> memref<10240x128xf32, #tpu.memory_space<vmem_shared>>
          tpu.wait_indirect_dma semaphore(%run_scoped3A : memref<!tpu.dma_semaphore, #tpu.memory_space<semaphore_mem>>) src(%arg8 : memref<128x128xf32, #tpu.memory_space<vmem>>) dst(%dma_wait3A_118 : memref<10240x128xf32, #tpu.memory_space<vmem_shared>>)
          tpu.yield
        }) : () -> ()
        %add3A_86 = arith.constant 2 : i32
        %add3A_87 = arith.addi %add3A_80, %add3A_86 : i32
        %lt3A = arith.constant 16 : i32
        %lt3A_88 = arith.cmpi slt, %add3A_87, %lt3A : i32
        %convert_element_type3A = arith.extui %lt3A_88 : i1 to i32
        %cond3A = arith.constant 0 : i32
        %cond3A_89 = arith.cmpi ne, %convert_element_type3A, %cond3A : i32
        scf.if %cond3A_89 {
          %add3A_107 = arith.constant 2 : i32
          %add3A_108 = arith.addi %add3A_80, %add3A_107 : i32
          %dma_start3A_109 = arith.constant 0 : i32
          %dma_start3A_110 = tpu.memref_slice %arg6[%add3A_108, %dma_start3A_109] : memref<16x128xi32, #tpu.memory_space<vmem>> -> memref<1x128xi32, #tpu.memory_space<vmem>>
          %dma_start3A_111 = tpu.memref_squeeze %dma_start3A_110 : memref<1x128xi32, #tpu.memory_space<vmem>> -> memref<128xi32, #tpu.memory_space<vmem>>
          %dma_start3A_112 = arith.constant 0 : i32
          %dma_start3A_113 = arith.constant 0 : i32
          %dma_start3A_114 = tpu.memref_slice %arg2[%dma_start3A_112, %dma_start3A_113] : memref<10000x128xf32, #tpu.memory_space<hbm>> -> memref<10000x128xf32, #tpu.memory_space<hbm>>
          tpu.enqueue_indirect_dma source(%dma_start3A_114 : memref<10000x128xf32, #tpu.memory_space<hbm>>) target(%arg8 : memref<128x128xf32, #tpu.memory_space<vmem>>) offsets(%dma_start3A_111 : memref<128xi32, #tpu.memory_space<vmem>>) semaphore(%arg11 : memref<!tpu.dma_semaphore, #tpu.memory_space<semaphore_mem>>)
        } else {
        }
        %mul3A_90 = arith.constant 2 : i32
        %mul3A_91 = arith.muli %scan3A_76, %mul3A_90 : i32
        %add3A_92 = arith.constant 1 : i32
        %add3A_93 = arith.addi %mul3A_91, %add3A_92 : i32
        %dma_wait3A_94 = arith.constant 0 : i32
        %dma_wait3A_95 = tpu.memref_slice %arg6[%add3A_93, %dma_wait3A_94] : memref<16x128xi32, #tpu.memory_space<vmem>> -> memref<1x128xi32, #tpu.memory_space<vmem>>
        %dma_wait3A_96 = tpu.memref_squeeze %dma_wait3A_95 : memref<1x128xi32, #tpu.memory_space<vmem>> -> memref<128xi32, #tpu.memory_space<vmem>>
        %dma_wait3A_97 = arith.constant 0 : i32
        %dma_wait3A_98 = arith.constant 0 : i32
        %dma_wait3A_99 = tpu.memref_slice %arg2[%dma_wait3A_97, %dma_wait3A_98] : memref<10000x128xf32, #tpu.memory_space<hbm>> -> memref<10000x128xf32, #tpu.memory_space<hbm>>
        tpu.wait_indirect_dma semaphore(%arg12 : memref<!tpu.dma_semaphore, #tpu.memory_space<semaphore_mem>>) src(%dma_wait3A_99 : memref<10000x128xf32, #tpu.memory_space<hbm>>) dst(%arg9 : memref<128x128xf32, #tpu.memory_space<vmem>>)
        "tpu.region"() ({
          %run_scoped3A = tpu.sem_alloc : memref<!tpu.dma_semaphore, #tpu.memory_space<semaphore_mem>>
          %dma_start3A_107 = arith.constant 0 : i32
          %dma_start3A_108 = tpu.memref_slice %arg7[%add3A_93, %dma_start3A_107] : memref<16x128xi32, #tpu.memory_space<vmem>> -> memref<1x128xi32, #tpu.memory_space<vmem>>
          %dma_start3A_109 = tpu.memref_squeeze %dma_start3A_108 : memref<1x128xi32, #tpu.memory_space<vmem>> -> memref<128xi32, #tpu.memory_space<vmem>>
          %dma_start3A_110 = arith.constant 0 : i32
          %dma_start3A_111 = arith.constant 0 : i32
          %dma_start3A_112 = tpu.memref_slice %arg10[%dma_start3A_110, %dma_start3A_111] : memref<10240x128xf32, #tpu.memory_space<vmem_shared>> -> memref<10240x128xf32, #tpu.memory_space<vmem_shared>>
          tpu.enqueue_indirect_dma source(%arg9 : memref<128x128xf32, #tpu.memory_space<vmem>>) target(%dma_start3A_112 : memref<10240x128xf32, #tpu.memory_space<vmem_shared>>) offsets(%dma_start3A_109 : memref<128xi32, #tpu.memory_space<vmem>>) semaphore(%run_scoped3A : memref<!tpu.dma_semaphore, #tpu.memory_space<semaphore_mem>>) {add = true}
          %dma_wait3A_113 = arith.constant 0 : i32
          %dma_wait3A_114 = tpu.memref_slice %arg7[%add3A_93, %dma_wait3A_113] : memref<16x128xi32, #tpu.memory_space<vmem>> -> memref<1x128xi32, #tpu.memory_space<vmem>>
          %dma_wait3A_115 = tpu.memref_squeeze %dma_wait3A_114 : memref<1x128xi32, #tpu.memory_space<vmem>> -> memref<128xi32, #tpu.memory_space<vmem>>
          %dma_wait3A_116 = arith.constant 0 : i32
          %dma_wait3A_117 = arith.constant 0 : i32
          %dma_wait3A_118 = tpu.memref_slice %arg10[%dma_wait3A_116, %dma_wait3A_117] : memref<10240x128xf32, #tpu.memory_space<vmem_shared>> -> memref<10240x128xf32, #tpu.memory_space<vmem_shared>>
          tpu.wait_indirect_dma semaphore(%run_scoped3A : memref<!tpu.dma_semaphore, #tpu.memory_space<semaphore_mem>>) src(%arg9 : memref<128x128xf32, #tpu.memory_space<vmem>>) dst(%dma_wait3A_118 : memref<10240x128xf32, #tpu.memory_space<vmem_shared>>)
          tpu.yield
        }) : () -> ()
        %add3A_100 = arith.constant 2 : i32
        %add3A_101 = arith.addi %add3A_93, %add3A_100 : i32
        %lt3A_102 = arith.constant 16 : i32
        %lt3A_103 = arith.cmpi slt, %add3A_101, %lt3A_102 : i32
        %convert_element_type3A_104 = arith.extui %lt3A_103 : i1 to i32
        %cond3A_105 = arith.constant 0 : i32
        %cond3A_106 = arith.cmpi ne, %convert_element_type3A_104, %cond3A_105 : i32
        scf.if %cond3A_106 {
          %add3A_107 = arith.constant 2 : i32
          %add3A_108 = arith.addi %add3A_93, %add3A_107 : i32
          %dma_start3A_109 = arith.constant 0 : i32
          %dma_start3A_110 = tpu.memref_slice %arg6[%add3A_108, %dma_start3A_109] : memref<16x128xi32, #tpu.memory_space<vmem>> -> memref<1x128xi32, #tpu.memory_space<vmem>>
          %dma_start3A_111 = tpu.memref_squeeze %dma_start3A_110 : memref<1x128xi32, #tpu.memory_space<vmem>> -> memref<128xi32, #tpu.memory_space<vmem>>
          %dma_start3A_112 = arith.constant 0 : i32
          %dma_start3A_113 = arith.constant 0 : i32
          %dma_start3A_114 = tpu.memref_slice %arg2[%dma_start3A_112, %dma_start3A_113] : memref<10000x128xf32, #tpu.memory_space<hbm>> -> memref<10000x128xf32, #tpu.memory_space<hbm>>
          tpu.enqueue_indirect_dma source(%dma_start3A_114 : memref<10000x128xf32, #tpu.memory_space<hbm>>) target(%arg9 : memref<128x128xf32, #tpu.memory_space<vmem>>) offsets(%dma_start3A_111 : memref<128xi32, #tpu.memory_space<vmem>>) semaphore(%arg12 : memref<!tpu.dma_semaphore, #tpu.memory_space<semaphore_mem>>)
        } else {
        }
      }
      %scan3A_75 = arith.constant 8 : i32
    }
    %barrier3A_48 = arith.constant 0 : index
    tpu.barrier barrier_id(%barrier3A_48)
    %mul3A_49 = arith.constant 640 : i32
    %mul3A_50 = arith.muli %arg1, %mul3A_49 : i32
    %mul3A_51 = arith.constant 640 : i32
    %mul3A_52 = arith.muli %arg1, %mul3A_51 : i32
    "tpu.region"() ({
      %run_scoped3A = tpu.sem_alloc : memref<!tpu.dma_semaphore, #tpu.memory_space<semaphore_mem>>
      %dma_start3A = arith.constant 0 : i32
      %dma_start3A_53 = tpu.memref_slice %arg5[%arg0, %mul3A_52, %dma_start3A] : memref<2x10240x128xf32, #tpu.memory_space<hbm>> -> memref<1x640x128xf32, #tpu.memory_space<hbm>>
      %dma_start3A_54 = tpu.memref_squeeze %dma_start3A_53 : memref<1x640x128xf32, #tpu.memory_space<hbm>> -> memref<640x128xf32, #tpu.memory_space<hbm>>
      %dma_start3A_55 = arith.constant 0 : i32
      %dma_start3A_56 = tpu.memref_slice %arg10[%mul3A_50, %dma_start3A_55] : memref<10240x128xf32, #tpu.memory_space<vmem_shared>> -> memref<640x128xf32, #tpu.memory_space<vmem_shared>>
      tpu.enqueue_dma source(%dma_start3A_56 : memref<640x128xf32, #tpu.memory_space<vmem_shared>>) target(%dma_start3A_54 : memref<640x128xf32, #tpu.memory_space<hbm>>) target_semaphore(%run_scoped3A : memref<!tpu.dma_semaphore, #tpu.memory_space<semaphore_mem>>)
      %dma_wait3A = arith.constant 0 : i32
      %dma_wait3A_57 = tpu.memref_slice %arg5[%arg0, %mul3A_52, %dma_wait3A] : memref<2x10240x128xf32, #tpu.memory_space<hbm>> -> memref<1x640x128xf32, #tpu.memory_space<hbm>>
      %dma_wait3A_58 = tpu.memref_squeeze %dma_wait3A_57 : memref<1x640x128xf32, #tpu.memory_space<hbm>> -> memref<640x128xf32, #tpu.memory_space<hbm>>
      %dma_wait3A_59 = arith.constant 0 : i32
      %dma_wait3A_60 = tpu.memref_slice %arg10[%mul3A_50, %dma_wait3A_59] : memref<10240x128xf32, #tpu.memory_space<vmem_shared>> -> memref<640x128xf32, #tpu.memory_space<vmem_shared>>
      tpu.wait_dma2 semaphore(%run_scoped3A : memref<!tpu.dma_semaphore, #tpu.memory_space<semaphore_mem>>) src(%dma_wait3A_60 : memref<640x128xf32, #tpu.memory_space<vmem_shared>>) dst(%dma_wait3A_58 : memref<640x128xf32, #tpu.memory_space<hbm>>)
      tpu.yield
    }) : () -> ()
    return
  }
}

#map = affine_map<(d0, d1) -> (0, 0)>
#map1 = affine_map<(d0, d1) -> (0, 0, 0)>
module attributes {stable_mosaic.version = 14 : i64} {
  func.func @k(%arg0: i32, %arg1: i32, %arg2: memref<10000x128xf32, #tpu.memory_space<hbm>>, %arg3: memref<2560x128xi32, #tpu.memory_space<hbm>>, %arg4: memref<2560x128xi32, #tpu.memory_space<hbm>>, %arg5: memref<2x10240x128xf32, #tpu.memory_space<hbm>>, %arg6: memref<16x128xi32, #tpu.memory_space<vmem>>, %arg7: memref<16x128xi32, #tpu.memory_space<vmem>>, %arg8: memref<128x128xf32, #tpu.memory_space<vmem>>, %arg9: memref<128x128xf32, #tpu.memory_space<vmem>>, %arg10: memref<10240x128xf32, #tpu.memory_space<vmem_shared>>, %arg11: memref<!tpu.dma_semaphore, #tpu.memory_space<semaphore_mem>>, %arg12: memref<!tpu.dma_semaphore, #tpu.memory_space<semaphore_mem>>) attributes {dimension_semantics = [#tpu.dimension_semantics<core_parallel>, #tpu.dimension_semantics<subcore_parallel>], iteration_bounds = array<i64: 2, 16>, scalar_prefetch = 0 : i64, scratch_operands = 7 : i64, tpu.core_type = #tpu.core_type<sc_vector_subcore>, window_params = [{transform_indices = #map}, {transform_indices = #map}, {transform_indices = #map}, {transform_indices = #map1}]} {
    %eq3A = arith.constant 0 : i32
    %eq3A_0 = arith.cmpi eq, %arg0, %eq3A : i32
    %jit3A = arith.constant 144 : i32
    %jit3A_1 = arith.constant 16 : i32
    %select_n3A = arith.select %eq3A_0, %jit3A, %jit3A_1 : i32
    %eq3A_2 = arith.constant 0 : i32
    %eq3A_3 = arith.cmpi eq, %arg0, %eq3A_2 : i32
    %mul3A = arith.constant 144 : i32
    %mul3A_4 = arith.muli %arg1, %mul3A : i32
    %mul3A_5 = arith.constant 16 : i32
    %mul3A_6 = arith.muli %arg1, %mul3A_5 : i32
    %add3A = arith.constant 2304 : i32
    %add3A_7 = arith.addi %add3A, %mul3A_6 : i32
    %select_n3A_8 = arith.select %eq3A_3, %mul3A_4, %add3A_7 : i32
    %broadcast_in_dim3A = arith.constant 0.000000e+00 : f32
    %broadcast_in_dim3A_9 = vector.broadcast %broadcast_in_dim3A : f32 to vector<16xf32>
    %scan3A = arith.constant 0 : i32
    %scan3A_10 = arith.constant 0 : i32
    %scan3A_11 = arith.constant 1024 : i32
    %scan3A_12 = arith.addi %scan3A_10, %scan3A_11 : i32
    %scan3A_13 = arith.constant 1 : i32
    scf.for %scan3A_53 = %scan3A_10 to %scan3A_12 step %scan3A_13  : i32 {
      %jit3A_54 = arith.constant 8 : i32
      %div3A_55 = arith.divsi %scan3A_53, %jit3A_54 : i32
      %sign3A_56 = arith.constant 0 : i32
      %sign3A_57 = arith.cmpi sgt, %scan3A_53, %sign3A_56 : i32
      %sign3A_58 = arith.extui %sign3A_57 : i1 to i32
      %sign3A_59 = arith.constant 0 : i32
      %sign3A_60 = arith.cmpi slt, %scan3A_53, %sign3A_59 : i32
      %sign3A_61 = arith.extui %sign3A_60 : i1 to i32
      %sign3A_62 = arith.subi %sign3A_58, %sign3A_61 : i32
      %sign3A_63 = arith.constant 0 : i32
      %sign3A_64 = arith.cmpi sgt, %jit3A_54, %sign3A_63 : i32
      %sign3A_65 = arith.extui %sign3A_64 : i1 to i32
      %sign3A_66 = arith.constant 0 : i32
      %sign3A_67 = arith.cmpi slt, %jit3A_54, %sign3A_66 : i32
      %sign3A_68 = arith.extui %sign3A_67 : i1 to i32
      %sign3A_69 = arith.subi %sign3A_65, %sign3A_68 : i32
      %ne3A_70 = arith.cmpi ne, %sign3A_62, %sign3A_69 : i32
      %rem3A_71 = arith.remsi %scan3A_53, %jit3A_54 : i32
      %ne3A_72 = arith.constant 0 : i32
      %ne3A_73 = arith.cmpi ne, %rem3A_71, %ne3A_72 : i32
      %and3A_74 = arith.andi %ne3A_70, %ne3A_73 : i1
      %sub3A_75 = arith.constant 1 : i32
      %sub3A_76 = arith.subi %div3A_55, %sub3A_75 : i32
      %select_n3A_77 = arith.select %and3A_74, %sub3A_76, %div3A_55 : i32
      %jit3A_78 = arith.constant 8 : i32
      %eq3A_79 = arith.constant 0 : i32
      %eq3A_80 = arith.cmpi eq, %jit3A_78, %eq3A_79 : i32
      %jit3A_81 = arith.constant 1 : i32
      %select_n3A_82 = arith.select %eq3A_80, %jit3A_81, %jit3A_78 : i32
      %rem3A_83 = arith.remsi %scan3A_53, %select_n3A_82 : i32
      %ne3A_84 = arith.constant 0 : i32
      %ne3A_85 = arith.cmpi ne, %rem3A_83, %ne3A_84 : i32
      %lt3A = arith.constant 0 : i32
      %lt3A_86 = arith.cmpi slt, %rem3A_83, %lt3A : i32
      %lt3A_87 = arith.constant 0 : i32
      %lt3A_88 = arith.cmpi slt, %select_n3A_82, %lt3A_87 : i32
      %ne3A_89 = arith.xori %lt3A_86, %lt3A_88 : i1
      %and3A_90 = arith.andi %ne3A_89, %ne3A_85 : i1
      %add3A_91 = arith.addi %rem3A_83, %select_n3A_82 : i32
      %select_n3A_92 = arith.select %and3A_90, %add3A_91, %rem3A_83 : i32
      %mul3A_93 = arith.constant 16 : i32
      %mul3A_94 = arith.muli %select_n3A_92, %mul3A_93 : i32
      %swap3A = arith.index_cast %select_n3A_77 : i32 to index
      %swap3A_95 = arith.index_cast %mul3A_94 : i32 to index
      %swap3A_96 = tpu.vector_load %arg8[%swap3A, %swap3A_95] {strides = array<i32>} : memref<128x128xf32, #tpu.memory_space<vmem>>, vector<1x16xf32>,
      %swap3A_97 = vector.shape_cast %swap3A_96 : vector<1x16xf32> to vector<16xf32>
      %swap3A_98 = vector.shape_cast %broadcast_in_dim3A_9 : vector<16xf32> to vector<1x16xf32>
      tpu.vector_store %arg8[%swap3A, %swap3A_95], %swap3A_98 {strides = array<i32>} : memref<128x128xf32, #tpu.memory_space<vmem>>, vector<1x16xf32>,
    }
    %scan3A_14 = arith.constant 1024 : i32
    %scan3A_15 = arith.constant 0 : i32
    %scan3A_16 = arith.constant 0 : i32
    %scan3A_17 = arith.constant 5 : i32
    %scan3A_18 = arith.addi %scan3A_16, %scan3A_17 : i32
    %scan3A_19 = arith.constant 1 : i32
    scf.for %scan3A_53 = %scan3A_16 to %scan3A_18 step %scan3A_19  : i32 {
      %mul3A_54 = arith.constant 640 : i32
      %mul3A_55 = arith.muli %arg1, %mul3A_54 : i32
      %mul3A_56 = arith.constant 128 : i32
      %mul3A_57 = arith.muli %scan3A_53, %mul3A_56 : i32
      %add3A_58 = arith.addi %mul3A_55, %mul3A_57 : i32
      "tpu.region"() ({
        %run_scoped3A = tpu.sem_alloc : memref<!tpu.dma_semaphore, #tpu.memory_space<semaphore_mem>>
        %dma_start3A = arith.constant 0 : i32
        %dma_start3A_59 = tpu.memref_slice %arg10[%add3A_58, %dma_start3A] : memref<10240x128xf32, #tpu.memory_space<vmem_shared>> -> memref<128x128xf32, #tpu.memory_space<vmem_shared>>
        %dma_start3A_60 = arith.constant 0 : i32
        %dma_start3A_61 = tpu.memref_slice %arg10[%add3A_58, %dma_start3A_60] : memref<10240x128xf32, #tpu.memory_space<vmem_shared>> -> memref<128x128xf32, #tpu.memory_space<vmem_shared>>
        tpu.enqueue_dma source(%arg8 : memref<128x128xf32, #tpu.memory_space<vmem>>) target(%dma_start3A_61 : memref<128x128xf32, #tpu.memory_space<vmem_shared>>) target_semaphore(%run_scoped3A : memref<!tpu.dma_semaphore, #tpu.memory_space<semaphore_mem>>)
        %dma_wait3A = arith.constant 0 : i32
        %dma_wait3A_62 = tpu.memref_slice %arg10[%add3A_58, %dma_wait3A] : memref<10240x128xf32, #tpu.memory_space<vmem_shared>> -> memref<128x128xf32, #tpu.memory_space<vmem_shared>>
        %dma_wait3A_63 = arith.constant 0 : i32
        %dma_wait3A_64 = tpu.memref_slice %arg10[%add3A_58, %dma_wait3A_63] : memref<10240x128xf32, #tpu.memory_space<vmem_shared>> -> memref<128x128xf32, #tpu.memory_space<vmem_shared>>
        tpu.wait_dma2 semaphore(%run_scoped3A : memref<!tpu.dma_semaphore, #tpu.memory_space<semaphore_mem>>) src(%arg8 : memref<128x128xf32, #tpu.memory_space<vmem>>) dst(%dma_wait3A_64 : memref<128x128xf32, #tpu.memory_space<vmem_shared>>)
        tpu.yield
      }) : () -> ()
    }
    %scan3A_20 = arith.constant 5 : i32
    %barrier3A = arith.constant 0 : index
    tpu.barrier barrier_id(%barrier3A)
    %jit3A_21 = arith.constant 16 : i32
    %div3A = arith.divsi %select_n3A, %jit3A_21 : i32
    %sign3A = arith.constant 0 : i32
    %sign3A_22 = arith.cmpi sgt, %select_n3A, %sign3A : i32
    %sign3A_23 = arith.extui %sign3A_22 : i1 to i32
    %sign3A_24 = arith.constant 0 : i32
    %sign3A_25 = arith.cmpi slt, %select_n3A, %sign3A_24 : i32
    %sign3A_26 = arith.extui %sign3A_25 : i1 to i32
    %sign3A_27 = arith.subi %sign3A_23, %sign3A_26 : i32
    %sign3A_28 = arith.constant 0 : i32
    %sign3A_29 = arith.cmpi sgt, %jit3A_21, %sign3A_28 : i32
    %sign3A_30 = arith.extui %sign3A_29 : i1 to i32
    %sign3A_31 = arith.constant 0 : i32
    %sign3A_32 = arith.cmpi slt, %jit3A_21, %sign3A_31 : i32
    %sign3A_33 = arith.extui %sign3A_32 : i1 to i32
    %sign3A_34 = arith.subi %sign3A_30, %sign3A_33 : i32
    %ne3A = arith.cmpi ne, %sign3A_27, %sign3A_34 : i32
    %rem3A = arith.remsi %select_n3A, %jit3A_21 : i32
    %ne3A_35 = arith.constant 0 : i32
    %ne3A_36 = arith.cmpi ne, %rem3A, %ne3A_35 : i32
    %and3A = arith.andi %ne3A, %ne3A_36 : i1
    %sub3A = arith.constant 1 : i32
    %sub3A_37 = arith.subi %div3A, %sub3A : i32
    %select_n3A_38 = arith.select %and3A, %sub3A_37, %div3A : i32
    %while3A = arith.constant 0 : i32
    %while3A_39 = arith.constant 0 : i32
    %while3A_40 = arith.subi %select_n3A_38, %while3A_39 : i32
    %while3A_41 = arith.addi %while3A_39, %while3A_40 : i32
    %while3A_42 = arith.constant 1 : i32
    %while3A_43 = arith.divsi %while3A_40, %while3A_42 : i32
    %while3A_44 = arith.muli %while3A_43, %while3A_42 : i32
    %while3A_45 = arith.addi %while3A_39, %while3A_44 : i32
    %while3A_46 = arith.constant 1 : i32
    scf.for %while3A_53 = %while3A_39 to %while3A_45 step %while3A_46  : i32 {
      %mul3A_54 = arith.constant 16 : i32
      %mul3A_55 = arith.muli %while3A_53, %mul3A_54 : i32
      %add3A_56 = arith.addi %select_n3A_8, %mul3A_55 : i32
      "tpu.region"() ({
        %run_scoped3A = tpu.sem_alloc : memref<!tpu.dma_semaphore, #tpu.memory_space<semaphore_mem>>
        %dma_start3A_76 = arith.constant 0 : i32
        %dma_start3A_77 = tpu.memref_slice %arg3[%add3A_56, %dma_start3A_76] : memref<2560x128xi32, #tpu.memory_space<hbm>> -> memref<16x128xi32, #tpu.memory_space<hbm>>
        %dma_start3A_78 = arith.constant 0 : i32
        %dma_start3A_79 = tpu.memref_slice %arg3[%add3A_56, %dma_start3A_78] : memref<2560x128xi32, #tpu.memory_space<hbm>> -> memref<16x128xi32, #tpu.memory_space<hbm>>
        tpu.enqueue_dma source(%dma_start3A_79 : memref<16x128xi32, #tpu.memory_space<hbm>>) target(%arg6 : memref<16x128xi32, #tpu.memory_space<vmem>>) target_semaphore(%run_scoped3A : memref<!tpu.dma_semaphore, #tpu.memory_space<semaphore_mem>>)
        %dma_wait3A = arith.constant 0 : i32
        %dma_wait3A_80 = tpu.memref_slice %arg3[%add3A_56, %dma_wait3A] : memref<2560x128xi32, #tpu.memory_space<hbm>> -> memref<16x128xi32, #tpu.memory_space<hbm>>
        %dma_wait3A_81 = arith.constant 0 : i32
        %dma_wait3A_82 = tpu.memref_slice %arg3[%add3A_56, %dma_wait3A_81] : memref<2560x128xi32, #tpu.memory_space<hbm>> -> memref<16x128xi32, #tpu.memory_space<hbm>>
        tpu.wait_dma2 semaphore(%run_scoped3A : memref<!tpu.dma_semaphore, #tpu.memory_space<semaphore_mem>>) src(%dma_wait3A_82 : memref<16x128xi32, #tpu.memory_space<hbm>>) dst(%arg6 : memref<16x128xi32, #tpu.memory_space<vmem>>)
        tpu.yield
      }) : () -> ()
      "tpu.region"() ({
        %run_scoped3A = tpu.sem_alloc : memref<!tpu.dma_semaphore, #tpu.memory_space<semaphore_mem>>
        %dma_start3A_76 = arith.constant 0 : i32
        %dma_start3A_77 = tpu.memref_slice %arg4[%add3A_56, %dma_start3A_76] : memref<2560x128xi32, #tpu.memory_space<hbm>> -> memref<16x128xi32, #tpu.memory_space<hbm>>
        %dma_start3A_78 = arith.constant 0 : i32
        %dma_start3A_79 = tpu.memref_slice %arg4[%add3A_56, %dma_start3A_78] : memref<2560x128xi32, #tpu.memory_space<hbm>> -> memref<16x128xi32, #tpu.memory_space<hbm>>
        tpu.enqueue_dma source(%dma_start3A_79 : memref<16x128xi32, #tpu.memory_space<hbm>>) target(%arg7 : memref<16x128xi32, #tpu.memory_space<vmem>>) target_semaphore(%run_scoped3A : memref<!tpu.dma_semaphore, #tpu.memory_space<semaphore_mem>>)
        %dma_wait3A = arith.constant 0 : i32
        %dma_wait3A_80 = tpu.memref_slice %arg4[%add3A_56, %dma_wait3A] : memref<2560x128xi32, #tpu.memory_space<hbm>> -> memref<16x128xi32, #tpu.memory_space<hbm>>
        %dma_wait3A_81 = arith.constant 0 : i32
        %dma_wait3A_82 = tpu.memref_slice %arg4[%add3A_56, %dma_wait3A_81] : memref<2560x128xi32, #tpu.memory_space<hbm>> -> memref<16x128xi32, #tpu.memory_space<hbm>>
        tpu.wait_dma2 semaphore(%run_scoped3A : memref<!tpu.dma_semaphore, #tpu.memory_space<semaphore_mem>>) src(%dma_wait3A_82 : memref<16x128xi32, #tpu.memory_space<hbm>>) dst(%arg7 : memref<16x128xi32, #tpu.memory_space<vmem>>)
        tpu.yield
      }) : () -> ()
      %dma_start3A = arith.constant 0 : i32
      %dma_start3A_57 = arith.constant 0 : i32
      %dma_start3A_58 = tpu.memref_slice %arg6[%dma_start3A, %dma_start3A_57] : memref<16x128xi32, #tpu.memory_space<vmem>> -> memref<1x128xi32, #tpu.memory_space<vmem>>
      %dma_start3A_59 = tpu.memref_squeeze %dma_start3A_58 : memref<1x128xi32, #tpu.memory_space<vmem>> -> memref<128xi32, #tpu.memory_space<vmem>>
      %dma_start3A_60 = arith.constant 0 : i32
      %dma_start3A_61 = arith.constant 0 : i32
      %dma_start3A_62 = tpu.memref_slice %arg2[%dma_start3A_60, %dma_start3A_61] : memref<10000x128xf32, #tpu.memory_space<hbm>> -> memref<10000x128xf32, #tpu.memory_space<hbm>>
      tpu.enqueue_indirect_dma source(%dma_start3A_62 : memref<10000x128xf32, #tpu.memory_space<hbm>>) target(%arg8 : memref<128x128xf32, #tpu.memory_space<vmem>>) offsets(%dma_start3A_59 : memref<128xi32, #tpu.memory_space<vmem>>) semaphore(%arg11 : memref<!tpu.dma_semaphore, #tpu.memory_space<semaphore_mem>>)
      %dma_start3A_63 = arith.constant 1 : i32
      %dma_start3A_64 = arith.constant 0 : i32
      %dma_start3A_65 = tpu.memref_slice %arg6[%dma_start3A_63, %dma_start3A_64] : memref<16x128xi32, #tpu.memory_space<vmem>> -> memref<1x128xi32, #tpu.memory_space<vmem>>
      %dma_start3A_66 = tpu.memref_squeeze %dma_start3A_65 : memref<1x128xi32, #tpu.memory_space<vmem>> -> memref<128xi32, #tpu.memory_space<vmem>>
      %dma_start3A_67 = arith.constant 0 : i32
      %dma_start3A_68 = arith.constant 0 : i32
      %dma_start3A_69 = tpu.memref_slice %arg2[%dma_start3A_67, %dma_start3A_68] : memref<10000x128xf32, #tpu.memory_space<hbm>> -> memref<10000x128xf32, #tpu.memory_space<hbm>>
      tpu.enqueue_indirect_dma source(%dma_start3A_69 : memref<10000x128xf32, #tpu.memory_space<hbm>>) target(%arg9 : memref<128x128xf32, #tpu.memory_space<vmem>>) offsets(%dma_start3A_66 : memref<128xi32, #tpu.memory_space<vmem>>) semaphore(%arg12 : memref<!tpu.dma_semaphore, #tpu.memory_space<semaphore_mem>>)
      %scan3A_70 = arith.constant 0 : i32
      %scan3A_71 = arith.constant 0 : i32
      %scan3A_72 = arith.constant 8 : i32
      %scan3A_73 = arith.addi %scan3A_71, %scan3A_72 : i32
      %scan3A_74 = arith.constant 1 : i32
      scf.for %scan3A_76 = %scan3A_71 to %scan3A_73 step %scan3A_74  : i32 {
        %mul3A_77 = arith.constant 2 : i32
        %mul3A_78 = arith.muli %scan3A_76, %mul3A_77 : i32
        %add3A_79 = arith.constant 0 : i32
        %add3A_80 = arith.addi %mul3A_78, %add3A_79 : i32
        %dma_wait3A = arith.constant 0 : i32
        %dma_wait3A_81 = tpu.memref_slice %arg6[%add3A_80, %dma_wait3A] : memref<16x128xi32, #tpu.memory_space<vmem>> -> memref<1x128xi32, #tpu.memory_space<vmem>>
        %dma_wait3A_82 = tpu.memref_squeeze %dma_wait3A_81 : memref<1x128xi32, #tpu.memory_space<vmem>> -> memref<128xi32, #tpu.memory_space<vmem>>
        %dma_wait3A_83 = arith.constant 0 : i32
        %dma_wait3A_84 = arith.constant 0 : i32
        %dma_wait3A_85 = tpu.memref_slice %arg2[%dma_wait3A_83, %dma_wait3A_84] : memref<10000x128xf32, #tpu.memory_space<hbm>> -> memref<10000x128xf32, #tpu.memory_space<hbm>>
        tpu.wait_indirect_dma semaphore(%arg11 : memref<!tpu.dma_semaphore, #tpu.memory_space<semaphore_mem>>) src(%dma_wait3A_85 : memref<10000x128xf32, #tpu.memory_space<hbm>>) dst(%arg8 : memref<128x128xf32, #tpu.memory_space<vmem>>)
        "tpu.region"() ({
          %run_scoped3A = tpu.sem_alloc : memref<!tpu.dma_semaphore, #tpu.memory_space<semaphore_mem>>
          %dma_start3A_107 = arith.constant 0 : i32
          %dma_start3A_108 = tpu.memref_slice %arg7[%add3A_80, %dma_start3A_107] : memref<16x128xi32, #tpu.memory_space<vmem>> -> memref<1x128xi32, #tpu.memory_space<vmem>>
          %dma_start3A_109 = tpu.memref_squeeze %dma_start3A_108 : memref<1x128xi32, #tpu.memory_space<vmem>> -> memref<128xi32, #tpu.memory_space<vmem>>
          %dma_start3A_110 = arith.constant 0 : i32
          %dma_start3A_111 = arith.constant 0 : i32
          %dma_start3A_112 = tpu.memref_slice %arg10[%dma_start3A_110, %dma_start3A_111] : memref<10240x128xf32, #tpu.memory_space<vmem_shared>> -> memref<10240x128xf32, #tpu.memory_space<vmem_shared>>
          tpu.enqueue_indirect_dma source(%arg8 : memref<128x128xf32, #tpu.memory_space<vmem>>) target(%dma_start3A_112 : memref<10240x128xf32, #tpu.memory_space<vmem_shared>>) offsets(%dma_start3A_109 : memref<128xi32, #tpu.memory_space<vmem>>) semaphore(%run_scoped3A : memref<!tpu.dma_semaphore, #tpu.memory_space<semaphore_mem>>) {add = true}
          %dma_wait3A_113 = arith.constant 0 : i32
          %dma_wait3A_114 = tpu.memref_slice %arg7[%add3A_80, %dma_wait3A_113] : memref<16x128xi32, #tpu.memory_space<vmem>> -> memref<1x128xi32, #tpu.memory_space<vmem>>
          %dma_wait3A_115 = tpu.memref_squeeze %dma_wait3A_114 : memref<1x128xi32, #tpu.memory_space<vmem>> -> memref<128xi32, #tpu.memory_space<vmem>>
          %dma_wait3A_116 = arith.constant 0 : i32
          %dma_wait3A_117 = arith.constant 0 : i32
          %dma_wait3A_118 = tpu.memref_slice %arg10[%dma_wait3A_116, %dma_wait3A_117] : memref<10240x128xf32, #tpu.memory_space<vmem_shared>> -> memref<10240x128xf32, #tpu.memory_space<vmem_shared>>
          tpu.wait_indirect_dma semaphore(%run_scoped3A : memref<!tpu.dma_semaphore, #tpu.memory_space<semaphore_mem>>) src(%arg8 : memref<128x128xf32, #tpu.memory_space<vmem>>) dst(%dma_wait3A_118 : memref<10240x128xf32, #tpu.memory_space<vmem_shared>>)
          tpu.yield
        }) : () -> ()
        %add3A_86 = arith.constant 2 : i32
        %add3A_87 = arith.addi %add3A_80, %add3A_86 : i32
        %lt3A = arith.constant 16 : i32
        %lt3A_88 = arith.cmpi slt, %add3A_87, %lt3A : i32
        %convert_element_type3A = arith.extui %lt3A_88 : i1 to i32
        %cond3A = arith.constant 0 : i32
        %cond3A_89 = arith.cmpi ne, %convert_element_type3A, %cond3A : i32
        scf.if %cond3A_89 {
          %add3A_107 = arith.constant 2 : i32
          %add3A_108 = arith.addi %add3A_80, %add3A_107 : i32
          %dma_start3A_109 = arith.constant 0 : i32
          %dma_start3A_110 = tpu.memref_slice %arg6[%add3A_108, %dma_start3A_109] : memref<16x128xi32, #tpu.memory_space<vmem>> -> memref<1x128xi32, #tpu.memory_space<vmem>>
          %dma_start3A_111 = tpu.memref_squeeze %dma_start3A_110 : memref<1x128xi32, #tpu.memory_space<vmem>> -> memref<128xi32, #tpu.memory_space<vmem>>
          %dma_start3A_112 = arith.constant 0 : i32
          %dma_start3A_113 = arith.constant 0 : i32
          %dma_start3A_114 = tpu.memref_slice %arg2[%dma_start3A_112, %dma_start3A_113] : memref<10000x128xf32, #tpu.memory_space<hbm>> -> memref<10000x128xf32, #tpu.memory_space<hbm>>
          tpu.enqueue_indirect_dma source(%dma_start3A_114 : memref<10000x128xf32, #tpu.memory_space<hbm>>) target(%arg8 : memref<128x128xf32, #tpu.memory_space<vmem>>) offsets(%dma_start3A_111 : memref<128xi32, #tpu.memory_space<vmem>>) semaphore(%arg11 : memref<!tpu.dma_semaphore, #tpu.memory_space<semaphore_mem>>)
        } else {
        }
        %mul3A_90 = arith.constant 2 : i32
        %mul3A_91 = arith.muli %scan3A_76, %mul3A_90 : i32
        %add3A_92 = arith.constant 1 : i32
        %add3A_93 = arith.addi %mul3A_91, %add3A_92 : i32
        %dma_wait3A_94 = arith.constant 0 : i32
        %dma_wait3A_95 = tpu.memref_slice %arg6[%add3A_93, %dma_wait3A_94] : memref<16x128xi32, #tpu.memory_space<vmem>> -> memref<1x128xi32, #tpu.memory_space<vmem>>
        %dma_wait3A_96 = tpu.memref_squeeze %dma_wait3A_95 : memref<1x128xi32, #tpu.memory_space<vmem>> -> memref<128xi32, #tpu.memory_space<vmem>>
        %dma_wait3A_97 = arith.constant 0 : i32
        %dma_wait3A_98 = arith.constant 0 : i32
        %dma_wait3A_99 = tpu.memref_slice %arg2[%dma_wait3A_97, %dma_wait3A_98] : memref<10000x128xf32, #tpu.memory_space<hbm>> -> memref<10000x128xf32, #tpu.memory_space<hbm>>
        tpu.wait_indirect_dma semaphore(%arg12 : memref<!tpu.dma_semaphore, #tpu.memory_space<semaphore_mem>>) src(%dma_wait3A_99 : memref<10000x128xf32, #tpu.memory_space<hbm>>) dst(%arg9 : memref<128x128xf32, #tpu.memory_space<vmem>>)
        "tpu.region"() ({
          %run_scoped3A = tpu.sem_alloc : memref<!tpu.dma_semaphore, #tpu.memory_space<semaphore_mem>>
          %dma_start3A_107 = arith.constant 0 : i32
          %dma_start3A_108 = tpu.memref_slice %arg7[%add3A_93, %dma_start3A_107] : memref<16x128xi32, #tpu.memory_space<vmem>> -> memref<1x128xi32, #tpu.memory_space<vmem>>
          %dma_start3A_109 = tpu.memref_squeeze %dma_start3A_108 : memref<1x128xi32, #tpu.memory_space<vmem>> -> memref<128xi32, #tpu.memory_space<vmem>>
          %dma_start3A_110 = arith.constant 0 : i32
          %dma_start3A_111 = arith.constant 0 : i32
          %dma_start3A_112 = tpu.memref_slice %arg10[%dma_start3A_110, %dma_start3A_111] : memref<10240x128xf32, #tpu.memory_space<vmem_shared>> -> memref<10240x128xf32, #tpu.memory_space<vmem_shared>>
          tpu.enqueue_indirect_dma source(%arg9 : memref<128x128xf32, #tpu.memory_space<vmem>>) target(%dma_start3A_112 : memref<10240x128xf32, #tpu.memory_space<vmem_shared>>) offsets(%dma_start3A_109 : memref<128xi32, #tpu.memory_space<vmem>>) semaphore(%run_scoped3A : memref<!tpu.dma_semaphore, #tpu.memory_space<semaphore_mem>>) {add = true}
          %dma_wait3A_113 = arith.constant 0 : i32
          %dma_wait3A_114 = tpu.memref_slice %arg7[%add3A_93, %dma_wait3A_113] : memref<16x128xi32, #tpu.memory_space<vmem>> -> memref<1x128xi32, #tpu.memory_space<vmem>>
          %dma_wait3A_115 = tpu.memref_squeeze %dma_wait3A_114 : memref<1x128xi32, #tpu.memory_space<vmem>> -> memref<128xi32, #tpu.memory_space<vmem>>
          %dma_wait3A_116 = arith.constant 0 : i32
          %dma_wait3A_117 = arith.constant 0 : i32
          %dma_wait3A_118 = tpu.memref_slice %arg10[%dma_wait3A_116, %dma_wait3A_117] : memref<10240x128xf32, #tpu.memory_space<vmem_shared>> -> memref<10240x128xf32, #tpu.memory_space<vmem_shared>>
          tpu.wait_indirect_dma semaphore(%run_scoped3A : memref<!tpu.dma_semaphore, #tpu.memory_space<semaphore_mem>>) src(%arg9 : memref<128x128xf32, #tpu.memory_space<vmem>>) dst(%dma_wait3A_118 : memref<10240x128xf32, #tpu.memory_space<vmem_shared>>)
          tpu.yield
        }) : () -> ()
        %add3A_100 = arith.constant 2 : i32
        %add3A_101 = arith.addi %add3A_93, %add3A_100 : i32
        %lt3A_102 = arith.constant 16 : i32
        %lt3A_103 = arith.cmpi slt, %add3A_101, %lt3A_102 : i32
        %convert_element_type3A_104 = arith.extui %lt3A_103 : i1 to i32
        %cond3A_105 = arith.constant 0 : i32
        %cond3A_106 = arith.cmpi ne, %convert_element_type3A_104, %cond3A_105 : i32
        scf.if %cond3A_106 {
          %add3A_107 = arith.constant 2 : i32
          %add3A_108 = arith.addi %add3A_93, %add3A_107 : i32
          %dma_start3A_109 = arith.constant 0 : i32
          %dma_start3A_110 = tpu.memref_slice %arg6[%add3A_108, %dma_start3A_109] : memref<16x128xi32, #tpu.memory_space<vmem>> -> memref<1x128xi32, #tpu.memory_space<vmem>>
          %dma_start3A_111 = tpu.memref_squeeze %dma_start3A_110 : memref<1x128xi32, #tpu.memory_space<vmem>> -> memref<128xi32, #tpu.memory_space<vmem>>
          %dma_start3A_112 = arith.constant 0 : i32
          %dma_start3A_113 = arith.constant 0 : i32
          %dma_start3A_114 = tpu.memref_slice %arg2[%dma_start3A_112, %dma_start3A_113] : memref<10000x128xf32, #tpu.memory_space<hbm>> -> memref<10000x128xf32, #tpu.memory_space<hbm>>
          tpu.enqueue_indirect_dma source(%dma_start3A_114 : memref<10000x128xf32, #tpu.memory_space<hbm>>) target(%arg9 : memref<128x128xf32, #tpu.memory_space<vmem>>) offsets(%dma_start3A_111 : memref<128xi32, #tpu.memory_space<vmem>>) semaphore(%arg12 : memref<!tpu.dma_semaphore, #tpu.memory_space<semaphore_mem>>)
        } else {
        }
      }
      %scan3A_75 = arith.constant 8 : i32
    }
    %while3A_47 = arith.constant 1 : i32
    scf.for %while3A_53 = %while3A_45 to %while3A_41 step %while3A_47  : i32 {
      %mul3A_54 = arith.constant 16 : i32
      %mul3A_55 = arith.muli %while3A_53, %mul3A_54 : i32
      %add3A_56 = arith.addi %select_n3A_8, %mul3A_55 : i32
      "tpu.region"() ({
        %run_scoped3A = tpu.sem_alloc : memref<!tpu.dma_semaphore, #tpu.memory_space<semaphore_mem>>
        %dma_start3A_76 = arith.constant 0 : i32
        %dma_start3A_77 = tpu.memref_slice %arg3[%add3A_56, %dma_start3A_76] : memref<2560x128xi32, #tpu.memory_space<hbm>> -> memref<16x128xi32, #tpu.memory_space<hbm>>
        %dma_start3A_78 = arith.constant 0 : i32
        %dma_start3A_79 = tpu.memref_slice %arg3[%add3A_56, %dma_start3A_78] : memref<2560x128xi32, #tpu.memory_space<hbm>> -> memref<16x128xi32, #tpu.memory_space<hbm>>
        tpu.enqueue_dma source(%dma_start3A_79 : memref<16x128xi32, #tpu.memory_space<hbm>>) target(%arg6 : memref<16x128xi32, #tpu.memory_space<vmem>>) target_semaphore(%run_scoped3A : memref<!tpu.dma_semaphore, #tpu.memory_space<semaphore_mem>>)
        %dma_wait3A = arith.constant 0 : i32
        %dma_wait3A_80 = tpu.memref_slice %arg3[%add3A_56, %dma_wait3A] : memref<2560x128xi32, #tpu.memory_space<hbm>> -> memref<16x128xi32, #tpu.memory_space<hbm>>
        %dma_wait3A_81 = arith.constant 0 : i32
        %dma_wait3A_82 = tpu.memref_slice %arg3[%add3A_56, %dma_wait3A_81] : memref<2560x128xi32, #tpu.memory_space<hbm>> -> memref<16x128xi32, #tpu.memory_space<hbm>>
        tpu.wait_dma2 semaphore(%run_scoped3A : memref<!tpu.dma_semaphore, #tpu.memory_space<semaphore_mem>>) src(%dma_wait3A_82 : memref<16x128xi32, #tpu.memory_space<hbm>>) dst(%arg6 : memref<16x128xi32, #tpu.memory_space<vmem>>)
        tpu.yield
      }) : () -> ()
      "tpu.region"() ({
        %run_scoped3A = tpu.sem_alloc : memref<!tpu.dma_semaphore, #tpu.memory_space<semaphore_mem>>
        %dma_start3A_76 = arith.constant 0 : i32
        %dma_start3A_77 = tpu.memref_slice %arg4[%add3A_56, %dma_start3A_76] : memref<2560x128xi32, #tpu.memory_space<hbm>> -> memref<16x128xi32, #tpu.memory_space<hbm>>
        %dma_start3A_78 = arith.constant 0 : i32
        %dma_start3A_79 = tpu.memref_slice %arg4[%add3A_56, %dma_start3A_78] : memref<2560x128xi32, #tpu.memory_space<hbm>> -> memref<16x128xi32, #tpu.memory_space<hbm>>
        tpu.enqueue_dma source(%dma_start3A_79 : memref<16x128xi32, #tpu.memory_space<hbm>>) target(%arg7 : memref<16x128xi32, #tpu.memory_space<vmem>>) target_semaphore(%run_scoped3A : memref<!tpu.dma_semaphore, #tpu.memory_space<semaphore_mem>>)
        %dma_wait3A = arith.constant 0 : i32
        %dma_wait3A_80 = tpu.memref_slice %arg4[%add3A_56, %dma_wait3A] : memref<2560x128xi32, #tpu.memory_space<hbm>> -> memref<16x128xi32, #tpu.memory_space<hbm>>
        %dma_wait3A_81 = arith.constant 0 : i32
        %dma_wait3A_82 = tpu.memref_slice %arg4[%add3A_56, %dma_wait3A_81] : memref<2560x128xi32, #tpu.memory_space<hbm>> -> memref<16x128xi32, #tpu.memory_space<hbm>>
        tpu.wait_dma2 semaphore(%run_scoped3A : memref<!tpu.dma_semaphore, #tpu.memory_space<semaphore_mem>>) src(%dma_wait3A_82 : memref<16x128xi32, #tpu.memory_space<hbm>>) dst(%arg7 : memref<16x128xi32, #tpu.memory_space<vmem>>)
        tpu.yield
      }) : () -> ()
      %dma_start3A = arith.constant 0 : i32
      %dma_start3A_57 = arith.constant 0 : i32
      %dma_start3A_58 = tpu.memref_slice %arg6[%dma_start3A, %dma_start3A_57] : memref<16x128xi32, #tpu.memory_space<vmem>> -> memref<1x128xi32, #tpu.memory_space<vmem>>
      %dma_start3A_59 = tpu.memref_squeeze %dma_start3A_58 : memref<1x128xi32, #tpu.memory_space<vmem>> -> memref<128xi32, #tpu.memory_space<vmem>>
      %dma_start3A_60 = arith.constant 0 : i32
      %dma_start3A_61 = arith.constant 0 : i32
      %dma_start3A_62 = tpu.memref_slice %arg2[%dma_start3A_60, %dma_start3A_61] : memref<10000x128xf32, #tpu.memory_space<hbm>> -> memref<10000x128xf32, #tpu.memory_space<hbm>>
      tpu.enqueue_indirect_dma source(%dma_start3A_62 : memref<10000x128xf32, #tpu.memory_space<hbm>>) target(%arg8 : memref<128x128xf32, #tpu.memory_space<vmem>>) offsets(%dma_start3A_59 : memref<128xi32, #tpu.memory_space<vmem>>) semaphore(%arg11 : memref<!tpu.dma_semaphore, #tpu.memory_space<semaphore_mem>>)
      %dma_start3A_63 = arith.constant 1 : i32
      %dma_start3A_64 = arith.constant 0 : i32
      %dma_start3A_65 = tpu.memref_slice %arg6[%dma_start3A_63, %dma_start3A_64] : memref<16x128xi32, #tpu.memory_space<vmem>> -> memref<1x128xi32, #tpu.memory_space<vmem>>
      %dma_start3A_66 = tpu.memref_squeeze %dma_start3A_65 : memref<1x128xi32, #tpu.memory_space<vmem>> -> memref<128xi32, #tpu.memory_space<vmem>>
      %dma_start3A_67 = arith.constant 0 : i32
      %dma_start3A_68 = arith.constant 0 : i32
      %dma_start3A_69 = tpu.memref_slice %arg2[%dma_start3A_67, %dma_start3A_68] : memref<10000x128xf32, #tpu.memory_space<hbm>> -> memref<10000x128xf32, #tpu.memory_space<hbm>>
      tpu.enqueue_indirect_dma source(%dma_start3A_69 : memref<10000x128xf32, #tpu.memory_space<hbm>>) target(%arg9 : memref<128x128xf32, #tpu.memory_space<vmem>>) offsets(%dma_start3A_66 : memref<128xi32, #tpu.memory_space<vmem>>) semaphore(%arg12 : memref<!tpu.dma_semaphore, #tpu.memory_space<semaphore_mem>>)
      %scan3A_70 = arith.constant 0 : i32
      %scan3A_71 = arith.constant 0 : i32
      %scan3A_72 = arith.constant 8 : i32
      %scan3A_73 = arith.addi %scan3A_71, %scan3A_72 : i32
      %scan3A_74 = arith.constant 1 : i32
      scf.for %scan3A_76 = %scan3A_71 to %scan3A_73 step %scan3A_74  : i32 {
        %mul3A_77 = arith.constant 2 : i32
        %mul3A_78 = arith.muli %scan3A_76, %mul3A_77 : i32
        %add3A_79 = arith.constant 0 : i32
        %add3A_80 = arith.addi %mul3A_78, %add3A_79 : i32
        %dma_wait3A = arith.constant 0 : i32
        %dma_wait3A_81 = tpu.memref_slice %arg6[%add3A_80, %dma_wait3A] : memref<16x128xi32, #tpu.memory_space<vmem>> -> memref<1x128xi32, #tpu.memory_space<vmem>>
        %dma_wait3A_82 = tpu.memref_squeeze %dma_wait3A_81 : memref<1x128xi32, #tpu.memory_space<vmem>> -> memref<128xi32, #tpu.memory_space<vmem>>
        %dma_wait3A_83 = arith.constant 0 : i32
        %dma_wait3A_84 = arith.constant 0 : i32
        %dma_wait3A_85 = tpu.memref_slice %arg2[%dma_wait3A_83, %dma_wait3A_84] : memref<10000x128xf32, #tpu.memory_space<hbm>> -> memref<10000x128xf32, #tpu.memory_space<hbm>>
        tpu.wait_indirect_dma semaphore(%arg11 : memref<!tpu.dma_semaphore, #tpu.memory_space<semaphore_mem>>) src(%dma_wait3A_85 : memref<10000x128xf32, #tpu.memory_space<hbm>>) dst(%arg8 : memref<128x128xf32, #tpu.memory_space<vmem>>)
        "tpu.region"() ({
          %run_scoped3A = tpu.sem_alloc : memref<!tpu.dma_semaphore, #tpu.memory_space<semaphore_mem>>
          %dma_start3A_107 = arith.constant 0 : i32
          %dma_start3A_108 = tpu.memref_slice %arg7[%add3A_80, %dma_start3A_107] : memref<16x128xi32, #tpu.memory_space<vmem>> -> memref<1x128xi32, #tpu.memory_space<vmem>>
          %dma_start3A_109 = tpu.memref_squeeze %dma_start3A_108 : memref<1x128xi32, #tpu.memory_space<vmem>> -> memref<128xi32, #tpu.memory_space<vmem>>
          %dma_start3A_110 = arith.constant 0 : i32
          %dma_start3A_111 = arith.constant 0 : i32
          %dma_start3A_112 = tpu.memref_slice %arg10[%dma_start3A_110, %dma_start3A_111] : memref<10240x128xf32, #tpu.memory_space<vmem_shared>> -> memref<10240x128xf32, #tpu.memory_space<vmem_shared>>
          tpu.enqueue_indirect_dma source(%arg8 : memref<128x128xf32, #tpu.memory_space<vmem>>) target(%dma_start3A_112 : memref<10240x128xf32, #tpu.memory_space<vmem_shared>>) offsets(%dma_start3A_109 : memref<128xi32, #tpu.memory_space<vmem>>) semaphore(%run_scoped3A : memref<!tpu.dma_semaphore, #tpu.memory_space<semaphore_mem>>) {add = true}
          %dma_wait3A_113 = arith.constant 0 : i32
          %dma_wait3A_114 = tpu.memref_slice %arg7[%add3A_80, %dma_wait3A_113] : memref<16x128xi32, #tpu.memory_space<vmem>> -> memref<1x128xi32, #tpu.memory_space<vmem>>
          %dma_wait3A_115 = tpu.memref_squeeze %dma_wait3A_114 : memref<1x128xi32, #tpu.memory_space<vmem>> -> memref<128xi32, #tpu.memory_space<vmem>>
          %dma_wait3A_116 = arith.constant 0 : i32
          %dma_wait3A_117 = arith.constant 0 : i32
          %dma_wait3A_118 = tpu.memref_slice %arg10[%dma_wait3A_116, %dma_wait3A_117] : memref<10240x128xf32, #tpu.memory_space<vmem_shared>> -> memref<10240x128xf32, #tpu.memory_space<vmem_shared>>
          tpu.wait_indirect_dma semaphore(%run_scoped3A : memref<!tpu.dma_semaphore, #tpu.memory_space<semaphore_mem>>) src(%arg8 : memref<128x128xf32, #tpu.memory_space<vmem>>) dst(%dma_wait3A_118 : memref<10240x128xf32, #tpu.memory_space<vmem_shared>>)
          tpu.yield
        }) : () -> ()
        %add3A_86 = arith.constant 2 : i32
        %add3A_87 = arith.addi %add3A_80, %add3A_86 : i32
        %lt3A = arith.constant 16 : i32
        %lt3A_88 = arith.cmpi slt, %add3A_87, %lt3A : i32
        %convert_element_type3A = arith.extui %lt3A_88 : i1 to i32
        %cond3A = arith.constant 0 : i32
        %cond3A_89 = arith.cmpi ne, %convert_element_type3A, %cond3A : i32
        scf.if %cond3A_89 {
          %add3A_107 = arith.constant 2 : i32
          %add3A_108 = arith.addi %add3A_80, %add3A_107 : i32
          %dma_start3A_109 = arith.constant 0 : i32
          %dma_start3A_110 = tpu.memref_slice %arg6[%add3A_108, %dma_start3A_109] : memref<16x128xi32, #tpu.memory_space<vmem>> -> memref<1x128xi32, #tpu.memory_space<vmem>>
          %dma_start3A_111 = tpu.memref_squeeze %dma_start3A_110 : memref<1x128xi32, #tpu.memory_space<vmem>> -> memref<128xi32, #tpu.memory_space<vmem>>
          %dma_start3A_112 = arith.constant 0 : i32
          %dma_start3A_113 = arith.constant 0 : i32
          %dma_start3A_114 = tpu.memref_slice %arg2[%dma_start3A_112, %dma_start3A_113] : memref<10000x128xf32, #tpu.memory_space<hbm>> -> memref<10000x128xf32, #tpu.memory_space<hbm>>
          tpu.enqueue_indirect_dma source(%dma_start3A_114 : memref<10000x128xf32, #tpu.memory_space<hbm>>) target(%arg8 : memref<128x128xf32, #tpu.memory_space<vmem>>) offsets(%dma_start3A_111 : memref<128xi32, #tpu.memory_space<vmem>>) semaphore(%arg11 : memref<!tpu.dma_semaphore, #tpu.memory_space<semaphore_mem>>)
        } else {
        }
        %mul3A_90 = arith.constant 2 : i32
        %mul3A_91 = arith.muli %scan3A_76, %mul3A_90 : i32
        %add3A_92 = arith.constant 1 : i32
        %add3A_93 = arith.addi %mul3A_91, %add3A_92 : i32
        %dma_wait3A_94 = arith.constant 0 : i32
        %dma_wait3A_95 = tpu.memref_slice %arg6[%add3A_93, %dma_wait3A_94] : memref<16x128xi32, #tpu.memory_space<vmem>> -> memref<1x128xi32, #tpu.memory_space<vmem>>
        %dma_wait3A_96 = tpu.memref_squeeze %dma_wait3A_95 : memref<1x128xi32, #tpu.memory_space<vmem>> -> memref<128xi32, #tpu.memory_space<vmem>>
        %dma_wait3A_97 = arith.constant 0 : i32
        %dma_wait3A_98 = arith.constant 0 : i32
        %dma_wait3A_99 = tpu.memref_slice %arg2[%dma_wait3A_97, %dma_wait3A_98] : memref<10000x128xf32, #tpu.memory_space<hbm>> -> memref<10000x128xf32, #tpu.memory_space<hbm>>
        tpu.wait_indirect_dma semaphore(%arg12 : memref<!tpu.dma_semaphore, #tpu.memory_space<semaphore_mem>>) src(%dma_wait3A_99 : memref<10000x128xf32, #tpu.memory_space<hbm>>) dst(%arg9 : memref<128x128xf32, #tpu.memory_space<vmem>>)
        "tpu.region"() ({
          %run_scoped3A = tpu.sem_alloc : memref<!tpu.dma_semaphore, #tpu.memory_space<semaphore_mem>>
          %dma_start3A_107 = arith.constant 0 : i32
          %dma_start3A_108 = tpu.memref_slice %arg7[%add3A_93, %dma_start3A_107] : memref<16x128xi32, #tpu.memory_space<vmem>> -> memref<1x128xi32, #tpu.memory_space<vmem>>
          %dma_start3A_109 = tpu.memref_squeeze %dma_start3A_108 : memref<1x128xi32, #tpu.memory_space<vmem>> -> memref<128xi32, #tpu.memory_space<vmem>>
          %dma_start3A_110 = arith.constant 0 : i32
          %dma_start3A_111 = arith.constant 0 : i32
          %dma_start3A_112 = tpu.memref_slice %arg10[%dma_start3A_110, %dma_start3A_111] : memref<10240x128xf32, #tpu.memory_space<vmem_shared>> -> memref<10240x128xf32, #tpu.memory_space<vmem_shared>>
          tpu.enqueue_indirect_dma source(%arg9 : memref<128x128xf32, #tpu.memory_space<vmem>>) target(%dma_start3A_112 : memref<10240x128xf32, #tpu.memory_space<vmem_shared>>) offsets(%dma_start3A_109 : memref<128xi32, #tpu.memory_space<vmem>>) semaphore(%run_scoped3A : memref<!tpu.dma_semaphore, #tpu.memory_space<semaphore_mem>>) {add = true}
          %dma_wait3A_113 = arith.constant 0 : i32
          %dma_wait3A_114 = tpu.memref_slice %arg7[%add3A_93, %dma_wait3A_113] : memref<16x128xi32, #tpu.memory_space<vmem>> -> memref<1x128xi32, #tpu.memory_space<vmem>>
          %dma_wait3A_115 = tpu.memref_squeeze %dma_wait3A_114 : memref<1x128xi32, #tpu.memory_space<vmem>> -> memref<128xi32, #tpu.memory_space<vmem>>
          %dma_wait3A_116 = arith.constant 0 : i32
          %dma_wait3A_117 = arith.constant 0 : i32
          %dma_wait3A_118 = tpu.memref_slice %arg10[%dma_wait3A_116, %dma_wait3A_117] : memref<10240x128xf32, #tpu.memory_space<vmem_shared>> -> memref<10240x128xf32, #tpu.memory_space<vmem_shared>>
          tpu.wait_indirect_dma semaphore(%run_scoped3A : memref<!tpu.dma_semaphore, #tpu.memory_space<semaphore_mem>>) src(%arg9 : memref<128x128xf32, #tpu.memory_space<vmem>>) dst(%dma_wait3A_118 : memref<10240x128xf32, #tpu.memory_space<vmem_shared>>)
          tpu.yield
        }) : () -> ()
        %add3A_100 = arith.constant 2 : i32
        %add3A_101 = arith.addi %add3A_93, %add3A_100 : i32
        %lt3A_102 = arith.constant 16 : i32
        %lt3A_103 = arith.cmpi slt, %add3A_101, %lt3A_102 : i32
        %convert_element_type3A_104 = arith.extui %lt3A_103 : i1 to i32
        %cond3A_105 = arith.constant 0 : i32
        %cond3A_106 = arith.cmpi ne, %convert_element_type3A_104, %cond3A_105 : i32
        scf.if %cond3A_106 {
          %add3A_107 = arith.constant 2 : i32
          %add3A_108 = arith.addi %add3A_93, %add3A_107 : i32
          %dma_start3A_109 = arith.constant 0 : i32
          %dma_start3A_110 = tpu.memref_slice %arg6[%add3A_108, %dma_start3A_109] : memref<16x128xi32, #tpu.memory_space<vmem>> -> memref<1x128xi32, #tpu.memory_space<vmem>>
          %dma_start3A_111 = tpu.memref_squeeze %dma_start3A_110 : memref<1x128xi32, #tpu.memory_space<vmem>> -> memref<128xi32, #tpu.memory_space<vmem>>
          %dma_start3A_112 = arith.constant 0 : i32
          %dma_start3A_113 = arith.constant 0 : i32
          %dma_start3A_114 = tpu.memref_slice %arg2[%dma_start3A_112, %dma_start3A_113] : memref<10000x128xf32, #tpu.memory_space<hbm>> -> memref<10000x128xf32, #tpu.memory_space<hbm>>
          tpu.enqueue_indirect_dma source(%dma_start3A_114 : memref<10000x128xf32, #tpu.memory_space<hbm>>) target(%arg9 : memref<128x128xf32, #tpu.memory_space<vmem>>) offsets(%dma_start3A_111 : memref<128xi32, #tpu.memory_space<vmem>>) semaphore(%arg12 : memref<!tpu.dma_semaphore, #tpu.memory_space<semaphore_mem>>)
        } else {
        }
      }
      %scan3A_75 = arith.constant 8 : i32
    }
    %barrier3A_48 = arith.constant 0 : index
    tpu.barrier barrier_id(%barrier3A_48)
    %mul3A_49 = arith.constant 640 : i32
    %mul3A_50 = arith.muli %arg1, %mul3A_49 : i32
    %mul3A_51 = arith.constant 640 : i32
    %mul3A_52 = arith.muli %arg1, %mul3A_51 : i32
    "tpu.region"() ({
      %run_scoped3A = tpu.sem_alloc : memref<!tpu.dma_semaphore, #tpu.memory_space<semaphore_mem>>
      %dma_start3A = arith.constant 0 : i32
      %dma_start3A_53 = tpu.memref_slice %arg5[%arg0, %mul3A_52, %dma_start3A] : memref<2x10240x128xf32, #tpu.memory_space<hbm>> -> memref<1x640x128xf32, #tpu.memory_space<hbm>>
      %dma_start3A_54 = tpu.memref_squeeze %dma_start3A_53 : memref<1x640x128xf32, #tpu.memory_space<hbm>> -> memref<640x128xf32, #tpu.memory_space<hbm>>
      %dma_start3A_55 = arith.constant 0 : i32
      %dma_start3A_56 = tpu.memref_slice %arg10[%mul3A_50, %dma_start3A_55] : memref<10240x128xf32, #tpu.memory_space<vmem_shared>> -> memref<640x128xf32, #tpu.memory_space<vmem_shared>>
      tpu.enqueue_dma source(%dma_start3A_56 : memref<640x128xf32, #tpu.memory_space<vmem_shared>>) target(%dma_start3A_54 : memref<640x128xf32, #tpu.memory_space<hbm>>) target_semaphore(%run_scoped3A : memref<!tpu.dma_semaphore, #tpu.memory_space<semaphore_mem>>)
      %dma_wait3A = arith.constant 0 : i32
      %dma_wait3A_57 = tpu.memref_slice %arg5[%arg0, %mul3A_52, %dma_wait3A] : memref<2x10240x128xf32, #tpu.memory_space<hbm>> -> memref<1x640x128xf32, #tpu.memory_space<hbm>>
      %dma_wait3A_58 = tpu.memref_squeeze %dma_wait3A_57 : memref<1x640x128xf32, #tpu.memory_space<hbm>> -> memref<640x128xf32, #tpu.memory_space<hbm>>
      %dma_wait3A_59 = arith.constant 0 : i32
      %dma_wait3A_60 = tpu.memref_slice %arg10[%mul3A_50, %dma_wait3A_59] : memref<10240x128xf32, #tpu.memory_space<vmem_shared>> -> memref<640x128xf32, #tpu.memory_space<vmem_shared>>
      tpu.wait_dma2 semaphore(%run_scoped3A : memref<!tpu.dma_semaphore, #tpu.memory_space<semaphore_mem>>) src(%dma_wait3A_60 : memref<640x128xf32, #tpu.memory_space<vmem_shared>>) dst(%dma_wait3A_58 : memref<640x128xf32, #tpu.memory_space<hbm>>)
      tpu.yield
    }) : () -> ()
    return
  }
}

module attributes {stable_mosaic.version = 14 : i64} {
  func.func @_pre_body(%arg0: i32, %arg1: memref<2000x128xf32, #tpu.memory_space<vmem>>, %arg2: memref<128x128xf32, #tpu.memory_space<vmem>>, %arg3: memref<128x384xf32, #tpu.memory_space<vmem>>, %arg4: memref<1x384xf32, #tpu.memory_space<vmem>>, %arg5: memref<2000x128xf32, #tpu.memory_space<vmem>>, %arg6: memref<2000x384xf32, #tpu.memory_space<vmem>>) attributes {dimension_semantics = [#tpu.dimension_semantics<arbitrary>], iteration_bounds = array<i64: 5>, scalar_prefetch = 0 : i64, scratch_operands = 0 : i64, tpu.core_type = #tpu.core_type<tc>, window_params = [{transform_indices = @transform_0, window_bounds = array<i64: 2000, 128>}, {pipeline_mode = #tpu.pipeline_mode<synchronous>, transform_indices = @transform_1, window_bounds = array<i64: 128, 128>}, {pipeline_mode = #tpu.pipeline_mode<synchronous>, transform_indices = @transform_2, window_bounds = array<i64: 128, 384>}, {pipeline_mode = #tpu.pipeline_mode<synchronous>, transform_indices = @transform_3, window_bounds = array<i64: 1, 384>}, {transform_indices = @transform_4, window_bounds = array<i64: 2000, 128>}, {transform_indices = @transform_5, window_bounds = array<i64: 2000, 384>}]} {
    %get3A = arith.constant 0 : index
    %get3A_0 = arith.constant 0 : index
    %get3A_1 = vector.load %arg1[%get3A, %get3A_0] : memref<2000x128xf32, #tpu.memory_space<vmem>>, vector<2000x128xf32>
    %get3A_2 = arith.constant 0 : index
    %get3A_3 = arith.constant 0 : index
    %get3A_4 = vector.load %arg2[%get3A_2, %get3A_3] : memref<128x128xf32, #tpu.memory_space<vmem>>, vector<128x128xf32>
    %dot_general3A = arith.constant dense<0.000000e+00> : vector<2000x128xf32>
    %dot_general3A_5 = tpu.matmul %get3A_1, %get3A_4, %dot_general3A {dimension_numbers = #tpu.dot_dimension_numbers<[1], [0], [0], [1], [0, 0, 1, 1], [], []>, transpose_lhs_hint = false} : vector<2000x128xf32>, vector<128x128xf32>, vector<2000x128xf32> -> vector<2000x128xf32>
    %swap3A = arith.constant 0 : index
    %swap3A_6 = arith.constant 0 : index
    %swap3A_7 = vector.load %arg5[%swap3A, %swap3A_6] : memref<2000x128xf32, #tpu.memory_space<vmem>>, vector<2000x128xf32>
    tpu.vector_store %arg5[%swap3A, %swap3A_6], %dot_general3A_5 {strides = array<i32>} : memref<2000x128xf32, #tpu.memory_space<vmem>>, vector<2000x128xf32>,
    %get3A_8 = arith.constant 0 : index
    %get3A_9 = arith.constant 0 : index
    %get3A_10 = vector.load %arg3[%get3A_8, %get3A_9] : memref<128x384xf32, #tpu.memory_space<vmem>>, vector<128x384xf32>
    %dot_general3A_11 = arith.constant dense<0.000000e+00> : vector<2000x384xf32>
    %dot_general3A_12 = tpu.matmul %get3A_1, %get3A_10, %dot_general3A_11 {dimension_numbers = #tpu.dot_dimension_numbers<[1], [0], [0], [1], [0, 0, 1, 1], [], []>, transpose_lhs_hint = false} : vector<2000x128xf32>, vector<128x384xf32>, vector<2000x384xf32> -> vector<2000x384xf32>
    %get3A_13 = arith.constant 0 : index
    %get3A_14 = arith.constant 0 : index
    %get3A_15 = vector.load %arg4[%get3A_13, %get3A_14] : memref<1x384xf32, #tpu.memory_space<vmem>>, vector<1x384xf32>
    %add3A = vector.broadcast %get3A_15 : vector<1x384xf32> to vector<2000x384xf32>
    %add3A_16 = arith.addf %dot_general3A_12, %add3A : vector<2000x384xf32>
    %swap3A_17 = arith.constant 0 : index
    %swap3A_18 = arith.constant 0 : index
    %swap3A_19 = vector.load %arg6[%swap3A_17, %swap3A_18] : memref<2000x384xf32, #tpu.memory_space<vmem>>, vector<2000x384xf32>
    tpu.vector_store %arg6[%swap3A_17, %swap3A_18], %add3A_16 {strides = array<i32>} : memref<2000x384xf32, #tpu.memory_space<vmem>>, vector<2000x384xf32>,
    return
  }
  func.func @transform_0(%arg0: i32) -> (i32, i32) {
    %c0_i32 = arith.constant 0 : i32
    %c0_i32_0 = arith.constant 0 : i32
    return %arg0, %c0_i32 : i32, i32
  }
  func.func @transform_1(%arg0: i32) -> (i32, i32) {
    %c0_i32 = arith.constant 0 : i32
    %c0_i32_0 = arith.constant 0 : i32
    %c0_i32_1 = arith.constant 0 : i32
    return %c0_i32, %c0_i32_0 : i32, i32
  }
  func.func @transform_2(%arg0: i32) -> (i32, i32) {
    %c0_i32 = arith.constant 0 : i32
    %c0_i32_0 = arith.constant 0 : i32
    %c0_i32_1 = arith.constant 0 : i32
    return %c0_i32, %c0_i32_0 : i32, i32
  }
  func.func @transform_3(%arg0: i32) -> (i32, i32) {
    %c0_i32 = arith.constant 0 : i32
    %c0_i32_0 = arith.constant 0 : i32
    %c0_i32_1 = arith.constant 0 : i32
    return %c0_i32, %c0_i32_0 : i32, i32
  }
  func.func @transform_4(%arg0: i32) -> (i32, i32) {
    %c0_i32 = arith.constant 0 : i32
    %c0_i32_0 = arith.constant 0 : i32
    return %arg0, %c0_i32 : i32, i32
  }
  func.func @transform_5(%arg0: i32) -> (i32, i32) {
    %c0_i32 = arith.constant 0 : i32
    %c0_i32_0 = arith.constant 0 : i32
    return %arg0, %c0_i32 : i32, i32
  }
}

module attributes {stable_mosaic.version = 14 : i64} {
  func.func @_layer_body(%arg0: i32, %arg1: memref<2000x128xf32, #tpu.memory_space<vmem>>, %arg2: memref<2000x128xf32, #tpu.memory_space<vmem>>, %arg3: memref<2000x128xf32, #tpu.memory_space<vmem>>, %arg4: memref<2000x384xf32, #tpu.memory_space<vmem>>, %arg5: memref<128x384xf32, #tpu.memory_space<vmem>>, %arg6: memref<1x384xf32, #tpu.memory_space<vmem>>, %arg7: memref<128x128xf32, #tpu.memory_space<vmem>>, %arg8: memref<128x384xf32, #tpu.memory_space<vmem>>, %arg9: memref<1x384xf32, #tpu.memory_space<vmem>>, %arg10: memref<2000x128xf32, #tpu.memory_space<vmem>>, %arg11: memref<2000x128xf32, #tpu.memory_space<vmem>>, %arg12: memref<2000x384xf32, #tpu.memory_space<vmem>>) attributes {dimension_semantics = [#tpu.dimension_semantics<arbitrary>], iteration_bounds = array<i64: 5>, scalar_prefetch = 0 : i64, scratch_operands = 0 : i64, tpu.core_type = #tpu.core_type<tc>, window_params = [{transform_indices = @transform_0, window_bounds = array<i64: 2000, 128>}, {transform_indices = @transform_1, window_bounds = array<i64: 2000, 128>}, {transform_indices = @transform_2, window_bounds = array<i64: 2000, 128>}, {transform_indices = @transform_3, window_bounds = array<i64: 2000, 384>}, {pipeline_mode = #tpu.pipeline_mode<synchronous>, transform_indices = @transform_4, window_bounds = array<i64: 128, 384>}, {pipeline_mode = #tpu.pipeline_mode<synchronous>, transform_indices = @transform_5, window_bounds = array<i64: 1, 384>}, {pipeline_mode = #tpu.pipeline_mode<synchronous>, transform_indices = @transform_6, window_bounds = array<i64: 128, 128>}, {pipeline_mode = #tpu.pipeline_mode<synchronous>, transform_indices = @transform_7, window_bounds = array<i64: 128, 384>}, {pipeline_mode = #tpu.pipeline_mode<synchronous>, transform_indices = @transform_8, window_bounds = array<i64: 1, 384>}, {transform_indices = @transform_9, window_bounds = array<i64: 2000, 128>}, {transform_indices = @transform_10, window_bounds = array<i64: 2000, 128>}, {transform_indices = @transform_11, window_bounds = array<i64: 2000, 384>}]} {
    %get3A = arith.constant 0 : index
    %get3A_0 = arith.constant 0 : index
    %get3A_1 = vector.load %arg1[%get3A, %get3A_0] : memref<2000x128xf32, #tpu.memory_space<vmem>>, vector<2000x128xf32>
    %get3A_2 = arith.constant 0 : index
    %get3A_3 = arith.constant 0 : index
    %get3A_4 = vector.load %arg2[%get3A_2, %get3A_3] : memref<2000x128xf32, #tpu.memory_space<vmem>>, vector<2000x128xf32>
    %get3A_5 = arith.constant 0 : index
    %get3A_6 = arith.constant 0 : index
    %get3A_7 = vector.load %arg3[%get3A_5, %get3A_6] : memref<2000x128xf32, #tpu.memory_space<vmem>>, vector<2000x128xf32>
    %get3A_8 = arith.constant 0 : index
    %get3A_9 = arith.constant 0 : index
    %get3A_10 = vector.load %arg4[%get3A_8, %get3A_9] : memref<2000x384xf32, #tpu.memory_space<vmem>>, vector<2000x384xf32>
    %get3A_11 = arith.constant 0 : index
    %get3A_12 = arith.constant 0 : index
    %get3A_13 = vector.load %arg5[%get3A_11, %get3A_12] : memref<128x384xf32, #tpu.memory_space<vmem>>, vector<128x384xf32>
    %get3A_14 = arith.constant 0 : index
    %get3A_15 = arith.constant 0 : index
    %get3A_16 = vector.load %arg6[%get3A_14, %get3A_15] : memref<1x384xf32, #tpu.memory_space<vmem>>, vector<1x384xf32>
    %add3A = arith.addf %get3A_1, %get3A_4 : vector<2000x128xf32>
    %dot_general3A = arith.constant dense<0.000000e+00> : vector<2000x384xf32>
    %dot_general3A_17 = tpu.matmul %add3A, %get3A_13, %dot_general3A {dimension_numbers = #tpu.dot_dimension_numbers<[1], [0], [0], [1], [0, 0, 1, 1], [], []>, transpose_lhs_hint = false} : vector<2000x128xf32>, vector<128x384xf32>, vector<2000x384xf32> -> vector<2000x384xf32>
    %add3A_18 = vector.broadcast %get3A_16 : vector<1x384xf32> to vector<2000x384xf32>
    %add3A_19 = arith.addf %dot_general3A_17, %add3A_18 : vector<2000x384xf32>
    %slice3A = vector.extract_strided_slice %add3A_19 {offsets = [0, 0], sizes = [2000, 128], strides = [1, 1]} : vector<2000x384xf32> to vector<2000x128xf32>
    %slice3A_20 = vector.extract_strided_slice %get3A_10 {offsets = [0, 0], sizes = [2000, 128], strides = [1, 1]} : vector<2000x384xf32> to vector<2000x128xf32>
    %add3A_21 = arith.addf %slice3A, %slice3A_20 : vector<2000x128xf32>
    %logistic3A = arith.negf %add3A_21 : vector<2000x128xf32>
    %logistic3A_22 = math.exp %logistic3A : vector<2000x128xf32>
    %logistic3A_23 = arith.constant 1.000000e+00 : f32
    %logistic3A_24 = vector.broadcast %logistic3A_23 : f32 to vector<2000x128xf32>
    %logistic3A_25 = arith.addf %logistic3A_24, %logistic3A_22 : vector<2000x128xf32>
    %logistic3A_26 = arith.divf %logistic3A_24, %logistic3A_25 : vector<2000x128xf32>
    %slice3A_27 = vector.extract_strided_slice %add3A_19 {offsets = [0, 128], sizes = [2000, 128], strides = [1, 1]} : vector<2000x384xf32> to vector<2000x128xf32>
    %slice3A_28 = vector.extract_strided_slice %get3A_10 {offsets = [0, 128], sizes = [2000, 128], strides = [1, 1]} : vector<2000x384xf32> to vector<2000x128xf32>
    %add3A_29 = arith.addf %slice3A_27, %slice3A_28 : vector<2000x128xf32>
    %logistic3A_30 = arith.negf %add3A_29 : vector<2000x128xf32>
    %logistic3A_31 = math.exp %logistic3A_30 : vector<2000x128xf32>
    %logistic3A_32 = arith.constant 1.000000e+00 : f32
    %logistic3A_33 = vector.broadcast %logistic3A_32 : f32 to vector<2000x128xf32>
    %logistic3A_34 = arith.addf %logistic3A_33, %logistic3A_31 : vector<2000x128xf32>
    %logistic3A_35 = arith.divf %logistic3A_33, %logistic3A_34 : vector<2000x128xf32>
    %slice3A_36 = vector.extract_strided_slice %add3A_19 {offsets = [0, 256], sizes = [2000, 128], strides = [1, 1]} : vector<2000x384xf32> to vector<2000x128xf32>
    %slice3A_37 = vector.extract_strided_slice %get3A_10 {offsets = [0, 256], sizes = [2000, 128], strides = [1, 1]} : vector<2000x384xf32> to vector<2000x128xf32>
    %mul3A = arith.mulf %logistic3A_26, %slice3A_37 : vector<2000x128xf32>
    %add3A_38 = arith.addf %slice3A_36, %mul3A : vector<2000x128xf32>
    %tanh3A = math.tanh %add3A_38 : vector<2000x128xf32>
    %sub3A = arith.constant 1.000000e+00 : f32
    %sub3A_39 = vector.broadcast %sub3A : f32 to vector<2000x128xf32>
    %sub3A_40 = arith.subf %sub3A_39, %logistic3A_35 : vector<2000x128xf32>
    %mul3A_41 = arith.mulf %sub3A_40, %tanh3A : vector<2000x128xf32>
    %mul3A_42 = arith.mulf %logistic3A_35, %get3A_7 : vector<2000x128xf32>
    %add3A_43 = arith.addf %mul3A_41, %mul3A_42 : vector<2000x128xf32>
    %swap3A = arith.constant 0 : index
    %swap3A_44 = arith.constant 0 : index
    %swap3A_45 = vector.load %arg10[%swap3A, %swap3A_44] : memref<2000x128xf32, #tpu.memory_space<vmem>>, vector<2000x128xf32>
    tpu.vector_store %arg10[%swap3A, %swap3A_44], %add3A_43 {strides = array<i32>} : memref<2000x128xf32, #tpu.memory_space<vmem>>, vector<2000x128xf32>,
    %get3A_46 = arith.constant 0 : index
    %get3A_47 = arith.constant 0 : index
    %get3A_48 = vector.load %arg7[%get3A_46, %get3A_47] : memref<128x128xf32, #tpu.memory_space<vmem>>, vector<128x128xf32>
    %dot_general3A_49 = arith.constant dense<0.000000e+00> : vector<2000x128xf32>
    %dot_general3A_50 = tpu.matmul %add3A_43, %get3A_48, %dot_general3A_49 {dimension_numbers = #tpu.dot_dimension_numbers<[1], [0], [0], [1], [0, 0, 1, 1], [], []>, transpose_lhs_hint = false} : vector<2000x128xf32>, vector<128x128xf32>, vector<2000x128xf32> -> vector<2000x128xf32>
    %swap3A_51 = arith.constant 0 : index
    %swap3A_52 = arith.constant 0 : index
    %swap3A_53 = vector.load %arg11[%swap3A_51, %swap3A_52] : memref<2000x128xf32, #tpu.memory_space<vmem>>, vector<2000x128xf32>
    tpu.vector_store %arg11[%swap3A_51, %swap3A_52], %dot_general3A_50 {strides = array<i32>} : memref<2000x128xf32, #tpu.memory_space<vmem>>, vector<2000x128xf32>,
    %get3A_54 = arith.constant 0 : index
    %get3A_55 = arith.constant 0 : index
    %get3A_56 = vector.load %arg8[%get3A_54, %get3A_55] : memref<128x384xf32, #tpu.memory_space<vmem>>, vector<128x384xf32>
    %dot_general3A_57 = arith.constant dense<0.000000e+00> : vector<2000x384xf32>
    %dot_general3A_58 = tpu.matmul %add3A_43, %get3A_56, %dot_general3A_57 {dimension_numbers = #tpu.dot_dimension_numbers<[1], [0], [0], [1], [0, 0, 1, 1], [], []>, transpose_lhs_hint = false} : vector<2000x128xf32>, vector<128x384xf32>, vector<2000x384xf32> -> vector<2000x384xf32>
    %get3A_59 = arith.constant 0 : index
    %get3A_60 = arith.constant 0 : index
    %get3A_61 = vector.load %arg9[%get3A_59, %get3A_60] : memref<1x384xf32, #tpu.memory_space<vmem>>, vector<1x384xf32>
    %add3A_62 = vector.broadcast %get3A_61 : vector<1x384xf32> to vector<2000x384xf32>
    %add3A_63 = arith.addf %dot_general3A_58, %add3A_62 : vector<2000x384xf32>
    %swap3A_64 = arith.constant 0 : index
    %swap3A_65 = arith.constant 0 : index
    %swap3A_66 = vector.load %arg12[%swap3A_64, %swap3A_65] : memref<2000x384xf32, #tpu.memory_space<vmem>>, vector<2000x384xf32>
    tpu.vector_store %arg12[%swap3A_64, %swap3A_65], %add3A_63 {strides = array<i32>} : memref<2000x384xf32, #tpu.memory_space<vmem>>, vector<2000x384xf32>,
    return
  }
  func.func @transform_0(%arg0: i32) -> (i32, i32) {
    %c0_i32 = arith.constant 0 : i32
    %c0_i32_0 = arith.constant 0 : i32
    return %arg0, %c0_i32 : i32, i32
  }
  func.func @transform_1(%arg0: i32) -> (i32, i32) {
    %c0_i32 = arith.constant 0 : i32
    %c0_i32_0 = arith.constant 0 : i32
    return %arg0, %c0_i32 : i32, i32
  }
  func.func @transform_2(%arg0: i32) -> (i32, i32) {
    %c0_i32 = arith.constant 0 : i32
    %c0_i32_0 = arith.constant 0 : i32
    return %arg0, %c0_i32 : i32, i32
  }
  func.func @transform_3(%arg0: i32) -> (i32, i32) {
    %c0_i32 = arith.constant 0 : i32
    %c0_i32_0 = arith.constant 0 : i32
    return %arg0, %c0_i32 : i32, i32
  }
  func.func @transform_4(%arg0: i32) -> (i32, i32) {
    %c0_i32 = arith.constant 0 : i32
    %c0_i32_0 = arith.constant 0 : i32
    %c0_i32_1 = arith.constant 0 : i32
    return %c0_i32, %c0_i32_0 : i32, i32
  }
  func.func @transform_5(%arg0: i32) -> (i32, i32) {
    %c0_i32 = arith.constant 0 : i32
    %c0_i32_0 = arith.constant 0 : i32
    %c0_i32_1 = arith.constant 0 : i32
    return %c0_i32, %c0_i32_0 : i32, i32
  }
  func.func @transform_6(%arg0: i32) -> (i32, i32) {
    %c0_i32 = arith.constant 0 : i32
    %c0_i32_0 = arith.constant 0 : i32
    %c0_i32_1 = arith.constant 0 : i32
    return %c0_i32, %c0_i32_0 : i32, i32
  }
  func.func @transform_7(%arg0: i32) -> (i32, i32) {
    %c0_i32 = arith.constant 0 : i32
    %c0_i32_0 = arith.constant 0 : i32
    %c0_i32_1 = arith.constant 0 : i32
    return %c0_i32, %c0_i32_0 : i32, i32
  }
  func.func @transform_8(%arg0: i32) -> (i32, i32) {
    %c0_i32 = arith.constant 0 : i32
    %c0_i32_0 = arith.constant 0 : i32
    %c0_i32_1 = arith.constant 0 : i32
    return %c0_i32, %c0_i32_0 : i32, i32
  }
  func.func @transform_9(%arg0: i32) -> (i32, i32) {
    %c0_i32 = arith.constant 0 : i32
    %c0_i32_0 = arith.constant 0 : i32
    return %arg0, %c0_i32 : i32, i32
  }
  func.func @transform_10(%arg0: i32) -> (i32, i32) {
    %c0_i32 = arith.constant 0 : i32
    %c0_i32_0 = arith.constant 0 : i32
    return %arg0, %c0_i32 : i32, i32
  }
  func.func @transform_11(%arg0: i32) -> (i32, i32) {
    %c0_i32 = arith.constant 0 : i32
    %c0_i32_0 = arith.constant 0 : i32
    return %arg0, %c0_i32 : i32, i32
  }
}

module attributes {stable_mosaic.version = 14 : i64} {
  func.func @_final_body(%arg0: i32, %arg1: memref<2000x128xf32, #tpu.memory_space<vmem>>, %arg2: memref<2000x128xf32, #tpu.memory_space<vmem>>, %arg3: memref<2000x128xf32, #tpu.memory_space<vmem>>, %arg4: memref<2000x384xf32, #tpu.memory_space<vmem>>, %arg5: memref<128x384xf32, #tpu.memory_space<vmem>>, %arg6: memref<1x384xf32, #tpu.memory_space<vmem>>, %arg7: memref<1x1x2000xi32, #tpu.memory_space<vmem>>, %arg8: memref<128x256xf32, #tpu.memory_space<vmem>>, %arg9: memref<1x256xf32, #tpu.memory_space<vmem>>, %arg10: memref<256x128xf32, #tpu.memory_space<vmem>>, %arg11: memref<1x128xf32, #tpu.memory_space<vmem>>, %arg12: memref<64x128xf32, #tpu.memory_space<vmem>>, %arg13: memref<64x128xf32, #tpu.memory_space<vmem>>) attributes {dimension_semantics = [#tpu.dimension_semantics<arbitrary>], iteration_bounds = array<i64: 5>, scalar_prefetch = 0 : i64, scratch_operands = 1 : i64, tpu.core_type = #tpu.core_type<tc>, window_params = [{transform_indices = @transform_0, window_bounds = array<i64: 2000, 128>}, {transform_indices = @transform_1, window_bounds = array<i64: 2000, 128>}, {transform_indices = @transform_2, window_bounds = array<i64: 2000, 128>}, {transform_indices = @transform_3, window_bounds = array<i64: 2000, 384>}, {pipeline_mode = #tpu.pipeline_mode<synchronous>, transform_indices = @transform_4, window_bounds = array<i64: 128, 384>}, {pipeline_mode = #tpu.pipeline_mode<synchronous>, transform_indices = @transform_5, window_bounds = array<i64: 1, 384>}, {transform_indices = @transform_6, window_bounds = array<i64: 1, 1, 2000>}, {pipeline_mode = #tpu.pipeline_mode<synchronous>, transform_indices = @transform_7, window_bounds = array<i64: 128, 256>}, {pipeline_mode = #tpu.pipeline_mode<synchronous>, transform_indices = @transform_8, window_bounds = array<i64: 1, 256>}, {pipeline_mode = #tpu.pipeline_mode<synchronous>, transform_indices = @transform_9, window_bounds = array<i64: 256, 128>}, {pipeline_mode = #tpu.pipeline_mode<synchronous>, transform_indices = @transform_10, window_bounds = array<i64: 1, 128>}, {pipeline_mode = #tpu.pipeline_mode<synchronous>, transform_indices = @transform_11, window_bounds = array<i64: 64, 128>}]} {
    %eq3A = arith.constant 0 : i32
    %eq3A_0 = arith.cmpi eq, %arg0, %eq3A : i32
    %convert_element_type3A = arith.extui %eq3A_0 : i1 to i32
    %cond3A = arith.constant 0 : i32
    %cond3A_1 = arith.cmpi ne, %convert_element_type3A, %cond3A : i32
    scf.if %cond3A_1 {
      %broadcast_in_dim3A = arith.constant 0.000000e+00 : f32
      %broadcast_in_dim3A_67 = vector.broadcast %broadcast_in_dim3A : f32 to vector<64x128xf32>
      %swap3A_68 = arith.constant 0 : index
      %swap3A_69 = arith.constant 0 : index
      %swap3A_70 = vector.load %arg13[%swap3A_68, %swap3A_69] : memref<64x128xf32, #tpu.memory_space<vmem>>, vector<64x128xf32>
      tpu.vector_store %arg13[%swap3A_68, %swap3A_69], %broadcast_in_dim3A_67 {strides = array<i32>} : memref<64x128xf32, #tpu.memory_space<vmem>>, vector<64x128xf32>,
    } else {
    }
    %get3A = arith.constant 0 : index
    %get3A_2 = arith.constant 0 : index
    %get3A_3 = vector.load %arg1[%get3A, %get3A_2] : memref<2000x128xf32, #tpu.memory_space<vmem>>, vector<2000x128xf32>
    %get3A_4 = arith.constant 0 : index
    %get3A_5 = arith.constant 0 : index
    %get3A_6 = vector.load %arg2[%get3A_4, %get3A_5] : memref<2000x128xf32, #tpu.memory_space<vmem>>, vector<2000x128xf32>
    %get3A_7 = arith.constant 0 : index
    %get3A_8 = arith.constant 0 : index
    %get3A_9 = vector.load %arg3[%get3A_7, %get3A_8] : memref<2000x128xf32, #tpu.memory_space<vmem>>, vector<2000x128xf32>
    %get3A_10 = arith.constant 0 : index
    %get3A_11 = arith.constant 0 : index
    %get3A_12 = vector.load %arg4[%get3A_10, %get3A_11] : memref<2000x384xf32, #tpu.memory_space<vmem>>, vector<2000x384xf32>
    %get3A_13 = arith.constant 0 : index
    %get3A_14 = arith.constant 0 : index
    %get3A_15 = vector.load %arg5[%get3A_13, %get3A_14] : memref<128x384xf32, #tpu.memory_space<vmem>>, vector<128x384xf32>
    %get3A_16 = arith.constant 0 : index
    %get3A_17 = arith.constant 0 : index
    %get3A_18 = vector.load %arg6[%get3A_16, %get3A_17] : memref<1x384xf32, #tpu.memory_space<vmem>>, vector<1x384xf32>
    %add3A = arith.addf %get3A_3, %get3A_6 : vector<2000x128xf32>
    %dot_general3A = arith.constant dense<0.000000e+00> : vector<2000x384xf32>
    %dot_general3A_19 = tpu.matmul %add3A, %get3A_15, %dot_general3A {dimension_numbers = #tpu.dot_dimension_numbers<[1], [0], [0], [1], [0, 0, 1, 1], [], []>, transpose_lhs_hint = false} : vector<2000x128xf32>, vector<128x384xf32>, vector<2000x384xf32> -> vector<2000x384xf32>
    %add3A_20 = vector.broadcast %get3A_18 : vector<1x384xf32> to vector<2000x384xf32>
    %add3A_21 = arith.addf %dot_general3A_19, %add3A_20 : vector<2000x384xf32>
    %slice3A = vector.extract_strided_slice %add3A_21 {offsets = [0, 0], sizes = [2000, 128], strides = [1, 1]} : vector<2000x384xf32> to vector<2000x128xf32>
    %slice3A_22 = vector.extract_strided_slice %get3A_12 {offsets = [0, 0], sizes = [2000, 128], strides = [1, 1]} : vector<2000x384xf32> to vector<2000x128xf32>
    %add3A_23 = arith.addf %slice3A, %slice3A_22 : vector<2000x128xf32>
    %logistic3A = arith.negf %add3A_23 : vector<2000x128xf32>
    %logistic3A_24 = math.exp %logistic3A : vector<2000x128xf32>
    %logistic3A_25 = arith.constant 1.000000e+00 : f32
    %logistic3A_26 = vector.broadcast %logistic3A_25 : f32 to vector<2000x128xf32>
    %logistic3A_27 = arith.addf %logistic3A_26, %logistic3A_24 : vector<2000x128xf32>
    %logistic3A_28 = arith.divf %logistic3A_26, %logistic3A_27 : vector<2000x128xf32>
    %slice3A_29 = vector.extract_strided_slice %add3A_21 {offsets = [0, 128], sizes = [2000, 128], strides = [1, 1]} : vector<2000x384xf32> to vector<2000x128xf32>
    %slice3A_30 = vector.extract_strided_slice %get3A_12 {offsets = [0, 128], sizes = [2000, 128], strides = [1, 1]} : vector<2000x384xf32> to vector<2000x128xf32>
    %add3A_31 = arith.addf %slice3A_29, %slice3A_30 : vector<2000x128xf32>
    %logistic3A_32 = arith.negf %add3A_31 : vector<2000x128xf32>
    %logistic3A_33 = math.exp %logistic3A_32 : vector<2000x128xf32>
    %logistic3A_34 = arith.constant 1.000000e+00 : f32
    %logistic3A_35 = vector.broadcast %logistic3A_34 : f32 to vector<2000x128xf32>
    %logistic3A_36 = arith.addf %logistic3A_35, %logistic3A_33 : vector<2000x128xf32>
    %logistic3A_37 = arith.divf %logistic3A_35, %logistic3A_36 : vector<2000x128xf32>
    %slice3A_38 = vector.extract_strided_slice %add3A_21 {offsets = [0, 256], sizes = [2000, 128], strides = [1, 1]} : vector<2000x384xf32> to vector<2000x128xf32>
    %slice3A_39 = vector.extract_strided_slice %get3A_12 {offsets = [0, 256], sizes = [2000, 128], strides = [1, 1]} : vector<2000x384xf32> to vector<2000x128xf32>
    %mul3A = arith.mulf %logistic3A_28, %slice3A_39 : vector<2000x128xf32>
    %add3A_40 = arith.addf %slice3A_38, %mul3A : vector<2000x128xf32>
    %tanh3A = math.tanh %add3A_40 : vector<2000x128xf32>
    %sub3A = arith.constant 1.000000e+00 : f32
    %sub3A_41 = vector.broadcast %sub3A : f32 to vector<2000x128xf32>
    %sub3A_42 = arith.subf %sub3A_41, %logistic3A_37 : vector<2000x128xf32>
    %mul3A_43 = arith.mulf %sub3A_42, %tanh3A : vector<2000x128xf32>
    %mul3A_44 = arith.mulf %logistic3A_37, %get3A_9 : vector<2000x128xf32>
    %add3A_45 = arith.addf %mul3A_43, %mul3A_44 : vector<2000x128xf32>
    %get3A_46 = arith.constant 0 : index
    %get3A_47 = arith.constant 0 : index
    %get3A_48 = arith.constant 0 : index
    %get3A_49 = vector.load %arg7[%get3A_46, %get3A_47, %get3A_48] : memref<1x1x2000xi32, #tpu.memory_space<vmem>>, vector<1x1x2000xi32>
    %reshape3A = vector.shape_cast %get3A_49 : vector<1x1x2000xi32> to vector<1x2000xi32>
    %iota3A = tpu.iota {dimensions = array<i32: 0>} : vector<64x2000xi32>
    %eq3A_50 = vector.broadcast %reshape3A : vector<1x2000xi32> to vector<64x2000xi32>
    %eq3A_51 = arith.cmpi eq, %iota3A, %eq3A_50 : vector<64x2000xi32>
    %convert_element_type3A_52 = arith.extui %eq3A_51 : vector<64x2000xi1> to vector<64x2000xi32>
    %convert_element_type3A_53 = arith.sitofp %convert_element_type3A_52 : vector<64x2000xi32> to vector<64x2000xf32>
    %get3A_54 = arith.constant 0 : index
    %get3A_55 = arith.constant 0 : index
    %get3A_56 = vector.load %arg13[%get3A_54, %get3A_55] : memref<64x128xf32, #tpu.memory_space<vmem>>, vector<64x128xf32>
    %dot_general3A_57 = arith.constant dense<0.000000e+00> : vector<64x128xf32>
    %dot_general3A_58 = tpu.matmul %convert_element_type3A_53, %add3A_45, %dot_general3A_57 {dimension_numbers = #tpu.dot_dimension_numbers<[1], [0], [0], [1], [0, 0, 1, 1], [], []>, transpose_lhs_hint = false} : vector<64x2000xf32>, vector<2000x128xf32>, vector<64x128xf32> -> vector<64x128xf32>
    %add3A_59 = arith.addf %get3A_56, %dot_general3A_58 : vector<64x128xf32>
    %swap3A = arith.constant 0 : index
    %swap3A_60 = arith.constant 0 : index
    %swap3A_61 = vector.load %arg13[%swap3A, %swap3A_60] : memref<64x128xf32, #tpu.memory_space<vmem>>, vector<64x128xf32>
    tpu.vector_store %arg13[%swap3A, %swap3A_60], %add3A_59 {strides = array<i32>} : memref<64x128xf32, #tpu.memory_space<vmem>>, vector<64x128xf32>,
    %eq3A_62 = arith.constant 4 : i32
    %eq3A_63 = arith.cmpi eq, %arg0, %eq3A_62 : i32
    %convert_element_type3A_64 = arith.extui %eq3A_63 : i1 to i32
    %cond3A_65 = arith.constant 0 : i32
    %cond3A_66 = arith.cmpi ne, %convert_element_type3A_64, %cond3A_65 : i32
    scf.if %cond3A_66 {
      %get3A_67 = arith.constant 0 : index
      %get3A_68 = arith.constant 0 : index
      %get3A_69 = vector.load %arg13[%get3A_67, %get3A_68] : memref<64x128xf32, #tpu.memory_space<vmem>>, vector<64x128xf32>
      %get3A_70 = arith.constant 0 : index
      %get3A_71 = arith.constant 0 : index
      %get3A_72 = vector.load %arg8[%get3A_70, %get3A_71] : memref<128x256xf32, #tpu.memory_space<vmem>>, vector<128x256xf32>
      %dot_general3A_73 = arith.constant dense<0.000000e+00> : vector<64x256xf32>
      %dot_general3A_74 = tpu.matmul %get3A_69, %get3A_72, %dot_general3A_73 {dimension_numbers = #tpu.dot_dimension_numbers<[1], [0], [0], [1], [0, 0, 1, 1], [], []>, transpose_lhs_hint = false} : vector<64x128xf32>, vector<128x256xf32>, vector<64x256xf32> -> vector<64x256xf32>
      %get3A_75 = arith.constant 0 : index
      %get3A_76 = arith.constant 0 : index
      %get3A_77 = vector.load %arg9[%get3A_75, %get3A_76] : memref<1x256xf32, #tpu.memory_space<vmem>>, vector<1x256xf32>
      %add3A_78 = vector.broadcast %get3A_77 : vector<1x256xf32> to vector<64x256xf32>
      %add3A_79 = arith.addf %dot_general3A_74, %add3A_78 : vector<64x256xf32>
      %max3A = arith.constant 0.000000e+00 : f32
      %max3A_80 = vector.broadcast %max3A : f32 to vector<64x256xf32>
      %max3A_81 = arith.maximumf %add3A_79, %max3A_80 : vector<64x256xf32>
      %get3A_82 = arith.constant 0 : index
      %get3A_83 = arith.constant 0 : index
      %get3A_84 = vector.load %arg10[%get3A_82, %get3A_83] : memref<256x128xf32, #tpu.memory_space<vmem>>, vector<256x128xf32>
      %dot_general3A_85 = arith.constant dense<0.000000e+00> : vector<64x128xf32>
      %dot_general3A_86 = tpu.matmul %max3A_81, %get3A_84, %dot_general3A_85 {dimension_numbers = #tpu.dot_dimension_numbers<[1], [0], [0], [1], [0, 0, 1, 1], [], []>, transpose_lhs_hint = false} : vector<64x256xf32>, vector<256x128xf32>, vector<64x128xf32> -> vector<64x128xf32>
      %get3A_87 = arith.constant 0 : index
      %get3A_88 = arith.constant 0 : index
      %get3A_89 = vector.load %arg11[%get3A_87, %get3A_88] : memref<1x128xf32, #tpu.memory_space<vmem>>, vector<1x128xf32>
      %add3A_90 = vector.broadcast %get3A_89 : vector<1x128xf32> to vector<64x128xf32>
      %add3A_91 = arith.addf %dot_general3A_86, %add3A_90 : vector<64x128xf32>
      %swap3A_92 = arith.constant 0 : index
      %swap3A_93 = arith.constant 0 : index
      %swap3A_94 = vector.load %arg12[%swap3A_92, %swap3A_93] : memref<64x128xf32, #tpu.memory_space<vmem>>, vector<64x128xf32>
      tpu.vector_store %arg12[%swap3A_92, %swap3A_93], %add3A_91 {strides = array<i32>} : memref<64x128xf32, #tpu.memory_space<vmem>>, vector<64x128xf32>,
    } else {
    }
    return
  }
  func.func @transform_0(%arg0: i32) -> (i32, i32) {
    %c0_i32 = arith.constant 0 : i32
    %c0_i32_0 = arith.constant 0 : i32
    return %arg0, %c0_i32 : i32, i32
  }
  func.func @transform_1(%arg0: i32) -> (i32, i32) {
    %c0_i32 = arith.constant 0 : i32
    %c0_i32_0 = arith.constant 0 : i32
    return %arg0, %c0_i32 : i32, i32
  }
  func.func @transform_2(%arg0: i32) -> (i32, i32) {
    %c0_i32 = arith.constant 0 : i32
    %c0_i32_0 = arith.constant 0 : i32
    return %arg0, %c0_i32 : i32, i32
  }
  func.func @transform_3(%arg0: i32) -> (i32, i32) {
    %c0_i32 = arith.constant 0 : i32
    %c0_i32_0 = arith.constant 0 : i32
    return %arg0, %c0_i32 : i32, i32
  }
  func.func @transform_4(%arg0: i32) -> (i32, i32) {
    %c0_i32 = arith.constant 0 : i32
    %c0_i32_0 = arith.constant 0 : i32
    %c0_i32_1 = arith.constant 0 : i32
    return %c0_i32, %c0_i32_0 : i32, i32
  }
  func.func @transform_5(%arg0: i32) -> (i32, i32) {
    %c0_i32 = arith.constant 0 : i32
    %c0_i32_0 = arith.constant 0 : i32
    %c0_i32_1 = arith.constant 0 : i32
    return %c0_i32, %c0_i32_0 : i32, i32
  }
  func.func @transform_6(%arg0: i32) -> (i32, i32, i32) {
    %c0_i32 = arith.constant 0 : i32
    %c0_i32_0 = arith.constant 0 : i32
    %c0_i32_1 = arith.constant 0 : i32
    return %arg0, %c0_i32, %c0_i32_0 : i32, i32, i32
  }
  func.func @transform_7(%arg0: i32) -> (i32, i32) {
    %c0_i32 = arith.constant 0 : i32
    %c0_i32_0 = arith.constant 0 : i32
    %c0_i32_1 = arith.constant 0 : i32
    return %c0_i32, %c0_i32_0 : i32, i32
  }
  func.func @transform_8(%arg0: i32) -> (i32, i32) {
    %c0_i32 = arith.constant 0 : i32
    %c0_i32_0 = arith.constant 0 : i32
    %c0_i32_1 = arith.constant 0 : i32
    return %c0_i32, %c0_i32_0 : i32, i32
  }
  func.func @transform_9(%arg0: i32) -> (i32, i32) {
    %c0_i32 = arith.constant 0 : i32
    %c0_i32_0 = arith.constant 0 : i32
    %c0_i32_1 = arith.constant 0 : i32
    return %c0_i32, %c0_i32_0 : i32, i32
  }
  func.func @transform_10(%arg0: i32) -> (i32, i32) {
    %c0_i32 = arith.constant 0 : i32
    %c0_i32_0 = arith.constant 0 : i32
    %c0_i32_1 = arith.constant 0 : i32
    return %c0_i32, %c0_i32_0 : i32, i32
  }
  func.func @transform_11(%arg0: i32) -> (i32, i32) {
    %c0_i32 = arith.constant 0 : i32
    %c0_i32_0 = arith.constant 0 : i32
    %c0_i32_1 = arith.constant 0 : i32
    return %c0_i32, %c0_i32_0 : i32, i32
  }
}

</mosaic_0001>

<sc_bundles>
// kernel: kernel.12.cloned.1.call-start
scs
__scs_entry_jumppad:
0x0: {  	(pc) =	sbr.rel $0x88, $3  }
0x1: {  	(tag) =	ssettag $0x0;
	lr =	simm.s32 $0x1  }
0x2: {  	[smem:$0x3F95] =	sst lr;
	_ =	strace $0xD0000000  }
0x3: {  	_ = 	snop  }
0x4: {  	_ = 	snop  }
0x5: {  	_ = 	snop  }
0x6: {  	_ = 	snop  }
0x7: {  	_ = 	snop  }
__scs_overlays_trampoline_lowered:
0x8: {  	[smem:$0x3FA4] =	sst s0  }
0x9: {  	[smem:$0x3FA5] =	sst s1  }
0xa: {  	[smem:$0x3FA6] =	sst s2  }
0xb: {  	[smem:$0x3FA7] =	sst s3  }
0xc: {  	[smem:$0x3FA8] =	sst s4  }
0xd: {  	[smem:$0x3FA9] =	sst s5  }
0xe: {  	[smem:$0x3FAA] =	sst s6  }
0xf: {  	[smem:$0x3FAB] =	sst s7  }
0x10: {  	[smem:$0x3FAC] =	sst s8  }
0x11: {  	[smem:$0x3FAD] =	sst s9;
	s0 =	simm.s32 @!p0 $0x0  }
0x12: {  	s1 =	sld [smem:$0x3F93];
	s0 =	simm.s32 @p0 $0x1  }
0x13: {  	[smem:$0x3FAE] =	sst s0;
	s0 =	simm.s32 @!p1 $0x0  }
0x14: {  	s2 =	sld [smem:$0x3F92];
	s0 =	simm.s32 @p1 $0x1  }
0x15: {  	[smem:$0x3FAF] =	sst s0;
	s0 =	simm.s32 @!p2 $0x0  }
0x16: {  	s3 =	sld [smem:$0x3FDB];
	s0 =	simm.s32 @p2 $0x1  }
0x17: {  	s4 =	simm.s32 $0x1BF5;
	[smem:$0x3FB1] =	sst s0  }
0x18: {  	s0 =	sld [smem:$0x3F94];
	_ =	swait.ge [sflag:s4], $0x0  }
0x19: {  	s7 =	sld [smem:$0x3F95]  }
0x1a: {  	s8 =	sadd.s32 $0xFFFFE003, lr  }
0x1b: {  	s9 =	sadd.s32 $0xFFFFFEF7, lr;
	s5 =	simm.s32 $0xFFFFFFFF;
	p2 =	slt.u32 s8, $0xFFFFF086  }
0x1c: {  	p1 =	slt.u32 s9, $0xF7A;
	s5 =	simm.s32 @!p2 $0x0  }
0x1d: {  	s5 =	simm.s32 @p1 $0x1;
	p0 =	seq.s32 s7, s2  }
0x1e: {  	s7 =	smul.u32 @!p0 $0xF7A, s2;
	p2 =	seq.s32 @!p0 s5, $0x0  }
0x1f: {  	s9 =	smul.u32 $0xF7A, s1;
	s8 =	simm.s32 @!p0 $0x1BF5;
	p2 =	por !p2, p0  }
0x20: {  	[sflag:s8] =	ssyncset.s32 @!p0 $0xFFFFF086;
	s6 =	sadd.s32 @!p0 s3, s7;
	s7 =	simm.s32 @!p0 $0x108  }
0x21: {  	s3 =	sadd.s32 s3, s9;
	s6 =	sadd.s32 @!p0 $0x88, s6;
	s7 =	simm.s32 @p2 $0x1082  }
0x22: {  	[simem:s7], [sflag:s8] =	dma.local @!p0 [hbm:s6], $0xF7A  }
0x23: {  	s9 =	sor.u32 $0xD0000000, s2;
	s6 =	simm.s32 $0x108;
	_ =	swait.ge @!p0 [sflag:s8], $0x0  }
0x24: {  	s3 =	sadd.s32 $0x88, s3;
	s6 =	simm.s32 @!p1 $0x1082;
	[sflag:s4] =	ssyncset.s32 $0xFFFFF086  }
0x25: {  	[simem:s6], [sflag:s4] =	dma.local [hbm:s3], $0xF7A  }
0x26: {  	[smem:$0x3F95] =	sst s1;
	(tag) =	ssettag s2;
	_ =	strace s9  }
0x27: {  	s1 =	sld [smem:$0x3FA5]  }
0x28: {  	s2 =	sld [smem:$0x3FA6]  }
0x29: {  	s4 =	sld [smem:$0x3FA8]  }
0x2a: {  	p0 =	seq.s32 s5, $0x0;
	s5 =	sld [smem:$0x3FA9]  }
0x2b: {  	s6 =	sld [smem:$0x3FAA]  }
0x2c: {  	s7 =	sld [smem:$0x3FAB]  }
0x2d: {  	s3 =	simm.s32 $0x108;
	s8 =	sld [smem:$0x3FAC]  }
0x2e: {  	s3 =	simm.s32 @!p0 $0x1082;
	s9 =	sld [smem:$0x3FAD]  }
0x2f: {  	lr =	sadd.s32 s0, s3;
	s0 =	sld [smem:$0x3FA4]  }
0x30: {  	s3 =	sld [smem:$0x3FA7]  }
0x31: {  	[smem:$0x3FB0] =	sst s10  }
0x32: {  	s10 =	sld [smem:$0x3FAE];
	_ =	sdelay $0x3  }
0x33: {  	p0 =	seq.s32 s10, $0x1;
	s10 =	sld [smem:$0x3FB0];
	_ =	sdelay $0x3  }
0x34: {  	[smem:$0x3FB0] =	sst s10  }
0x35: {  	s10 =	sld [smem:$0x3FAF];
	_ =	sdelay $0x3  }
0x36: {  	p1 =	seq.s32 s10, $0x1;
	s10 =	sld [smem:$0x3FB0];
	_ =	sdelay $0x3  }
0x37: {  	[smem:$0x3FB0] =	sst s10  }
0x38: {  	s10 =	sld [smem:$0x3FB1]  }
0x39: {  	_ = 	snop;
	(pc) =	sbr.ind lr, $3  }
0x3a: {  	_ = 	snop  }
0x3b: {  	_ = 	snop  }
0x3c: {  	p2 =	seq.s32 s10, $0x1;
	s10 =	sld [smem:$0x3FB0]  }
0x3d: {  	_ =	shalt  }
0x3e: {  	_ =	shalt  }
0x3f: {  	_ =	shalt  }
0x40: {  	_ =	shalt  }
0x41: {  	_ =	shalt  }
0x42: {  	_ =	shalt  }
0x43: {  	_ =	shalt  }
0x44: {  	_ =	shalt  }
0x45: {  	_ =	shalt  }
0x46: {  	_ =	shalt  }
0x47: {  	_ =	shalt  }
0x48: {  	_ =	shalt  }
0x49: {  	_ =	shalt  }
0x4a: {  	_ =	shalt  }
0x4b: {  	_ =	shalt  }
0x4c: {  	_ =	shalt  }
0x4d: {  	_ =	shalt  }
0x4e: {  	_ =	shalt  }
0x4f: {  	_ =	shalt  }
0x50: {  	_ =	shalt  }
0x51: {  	_ =	shalt  }
0x52: {  	_ =	shalt  }
0x53: {  	_ =	shalt  }
0x54: {  	_ =	shalt  }
0x55: {  	_ =	shalt  }
0x56: {  	_ =	shalt  }
0x57: {  	_ =	shalt  }
0x58: {  	_ =	shalt  }
0x59: {  	_ =	shalt  }
0x5a: {  	_ =	shalt  }
0x5b: {  	_ =	shalt  }
0x5c: {  	_ =	shalt  }
0x5d: {  	_ =	shalt  }
0x5e: {  	_ =	shalt  }
0x5f: {  	_ =	shalt  }
0x60: {  	_ =	shalt  }
0x61: {  	_ =	shalt  }
0x62: {  	_ =	shalt  }
0x63: {  	_ =	shalt  }
0x64: {  	_ =	shalt  }
0x65: {  	_ =	shalt  }
0x66: {  	_ =	shalt  }
0x67: {  	_ =	shalt  }
0x68: {  	_ =	shalt  }
0x69: {  	_ =	shalt  }
0x6a: {  	_ =	shalt  }
0x6b: {  	_ =	shalt  }
0x6c: {  	_ =	shalt  }
0x6d: {  	_ =	shalt  }
0x6e: {  	_ =	shalt  }
0x6f: {  	_ =	shalt  }
0x70: {  	_ =	shalt  }
0x71: {  	_ =	shalt  }
0x72: {  	_ =	shalt  }
0x73: {  	_ =	shalt  }
0x74: {  	_ =	shalt  }
0x75: {  	_ =	shalt  }
0x76: {  	_ =	shalt  }
0x77: {  	_ =	shalt  }
0x78: {  	_ =	shalt  }
0x79: {  	_ =	shalt  }
0x7a: {  	_ =	shalt  }
0x7b: {  	_ =	shalt  }
0x7c: {  	_ =	shalt  }
0x7d: {  	_ =	shalt  }
0x7e: {  	_ =	shalt  }
0x7f: {  	_ =	shalt  }
0x80: {  	_ =	shalt  }
0x81: {  	_ =	shalt  }
0x82: {  	_ =	shalt  }
0x83: {  	_ =	shalt  }
0x84: {  	_ =	shalt  }
0x85: {  	_ =	shalt  }
0x86: {  	_ =	shalt  }
0x87: {  	_ =	shalt  }
.Lfunc_end0:
.L_simem_size_0:
called_computation.1_lowered:
.L_overlay_start_0:
0x88: {  	s2 =	sld [smem:$0x3FD9]  }
0x89: {  	s3 =	sld [smem:$0x3FFE];
	_ =	sdelay $0x1  }
0x8a: {  	s1 =	srdreg.scid  }
0x8b: {  	s0 =	sand.u32 $0x1, s1  }
0x8c: {  	s16 =	sshll.u32 s0, $0xA;
	s2 =	sadd.s32 s3, s2  }
0x8d: {  	s2 =	sadd.s32 s2, s16  }
0x8e: {  	[smem:$0x3FBC] =	sst s2  }
0x8f: {  	_ = 	snop  }
0x90: {  	(tm) =	ssettm $0x1  }
0x91: {  	s17 =	sld [smem:$0x3FFB];
	_ =	sdelay $0x3  }
0x92: {  	_ =	strace s17  }
0x93: {  	s2 =	sld [smem:$0x3FFC];
	_ =	sdelay $0x3  }
0x94: {  	_ =	strace s2  }
0x95: {  	s2 =	sld [smem:$0x3FFD];
	_ =	sdelay $0x3  }
0x96: {  	_ =	strace s2  }
0x97: {  	_ =	strace $0x8FFFFFFF  }
0x98: {  	s18 =	sld [smem:$0x3FDB];
	_ =	sdelay $0x1  }
0x99: {  	s19 =	simm.s32 $_scs_section_size  }
0x9a: {  	s4 =	simm.s32 $_size__tile_overlayer_lowered;
	s5 =	simm.s32 $_tile_overlayer_lowered  }
0x9b: {  	s22 =	simm.s32 $0x1BFF;
	s21 =	sshll.u32 s5, $0x1;
	s2 =	sadd.s32 s19, s18  }
0x9c: {  	s6 =	simm.s32 $0x0;
	s20 =	sshll.u32 s4, $0x1;
	s4 =	sadd.s32 s21, s2  }
0x9d: {  	[timem:s6], [sflag:s22] =	dma.local [hbm:s4], s20  }
0x9e: {  	_ =	swait.ge [sflag:s22], s20  }
0x9f: {  	s3 =	ssub.s32 $0x0, s20;
	[sflag:s22] =	ssyncset.done $0x0  }
0xa0: {  	[sflag:s22] =	ssyncadd.s32 s3;
	_ =	sdelay $0x1  }
0xa1: {  	s23 =	simm.s32 $0x1B8B  }
0xa2: {  	_ =	swait.ge [sflag:s23], $0x1  }
0xa3: {  	[sflag:s23] =	ssyncset.done $0x0  }
0xa4: {  	s25 =	simm.s32 $0x1B8E;
	s24 =	sld [smem:$0x3FFE];
	[sflag:s23] =	ssyncadd.s32 $0xFFFFFFFF  }
0xa5: {  	s26 =	simm.s32 $execute0_lowered;
	[smem:$0x3FD2] =	sst s25  }
0xa6: {  	s4 =	sshll.u32 s26, $0x1;
	_ =	strace $0x80000049;
	[dreg:$0x1] =	wrdreg $0xFFFFFFFF  }
0xa7: {  	s28 =	simm.s32 $_size_execute0_lowered;
	s2 =	sadd.s32 s2, s4;
	[dreg:$0x0] =	wrdreg $0x0  }
0xa8: {  	s4 =	sshll.u32 s28, $0x1;
	[dreg:$0x2] =	wrdreg s2  }
0xa9: {  	[dreg:$0x3] =	wrdreg s4  }
0xaa: {  	[dreg:$0x4] =	wrdreg $0xC0  }
0xab: {  	_ =	task [dreg:s6], $0x5FFFF  }
0xac: {  	[dreg:$0x1] =	wrdreg $0xFFFFFFFF  }
0xad: {  	[dreg:$0x0] =	wrdreg $0x60  }
0xae: {  	[dreg:$0x2] =	wrdreg s24  }
0xaf: {  	[dreg:$0x3] =	wrdreg $0x90000  }
0xb0: {  	[dreg:$0x4] =	wrdreg $0x9  }
0xb1: {  	_ =	task.clear_ibuf [dreg:s6], $0x5FFFF;
	_ =	strace $0x90000049  }
0xb2: {  	s29 =	simm.s32 $0x9;
	_ =	strace $0x8000004B  }
0xb3: {  	_ =	swait.ge [sflag:s29], $0x1  }
0xb4: {  	[sflag:s29] =	ssyncadd.s32 $0xFFFFFFFF  }
0xb5: {  	_ =	strace $0x9000004B  }
0xb6: {  	_ =	sfence  }
0xb7: {  	s30 =	sld [smem:$0x0];
	_ =	sdelay $0x2  }
0xb8: {  	s31 =	sshll.u32 s1, $0xD;
	s1 =	sshrl.u32 s1, $0x2  }
0xb9: {  	s3 =	sand.u32 $0x4000, s31;
	s1 =	sadd.s32 s1, s30  }
0xba: {  	s0 =	sor.u32 s3, s0;
	s1 =	sshll.u32 s1, $0x11  }
0xbb: {  	s0 =	sor.u32 s1, s0  }
0xbc: {  	s0 =	sadd.s32 $0x8F2B, s0  }
0xbd: {  	[sflag:s0] =	ssyncadd.remote.s32 $0x1  }
0xbe: {  	_ =	sfence.sel $0xFFFF  }
0xbf: {  	[dreg:$0x0] =	wrdreg $0xFFFFFFFF;
	(pc) =	sbr.abs _section_cstart, $3  }
0xc0: {  	[dreg:$0x1] =	wrdreg $0xFFFFFFFF  }
0xc1: {  	_ =	task.clear_ibuf [dreg:s6], $0x2FFFF;
	_ =	strace $0x9FFFFFFF  }
0xc2: {  	(tm) =	ssettm $0x7FFFFFFF  }
0xc3: {  	_ =	shalt  }
tec
execute0_lowered:
.L_overlay_start_1:
0x0: {  	(tag) =	ssettag $0x1  }
0x1: {  	s0 =	rddreg [dreg:$0x0]  }
0x2: {  	s2 =	rddreg [dreg:$0x1];
	s1 =	srdreg.scid  }
0x3: {  	s9 =	stileid.u32;
	s3 =	simm.s32 $0x0;
	s14 =	simm.s32 $0x1000  }
0x4: {  	s15 =	simm.s32 $0x3;
	s16 =	simm.s32 $0x800;
	s17 =	simm.s32 $0x80  }
0x5: {  	s18 =	simm.s32 $0x5000;
	s28 =	simm.s32 $0x500;
	s29 =	simm.s32 $0xC80  }
0x6: {  	s10 =	simm.s32 $0xE00;
	s11 =	simm.s32 $0x700;
	s5 =	smul.u32 $0x90, s9  }
0x7: {  	s12 =	simm.s32 $0xE80;
	s13 =	simm.s32 $0x780;
	s8 =	smul.u32 $0x14000, s9  }
0x8: {  	s1 =	sand.u32 $0x1, s1;
	[smem:$0x7FF] =	sst s3;
	s19 =	smul.u32 $0x50000, s9  }
0x9: {  	s4 =	sshll.u32 s9, $0x4;
	s9 =	simm.s32 $0x680;
	s6 =	smul.u32 $0x140000, s1  }
0xa: {  	p0 =	seq.s32 s1, $0x0;
	s7 =	sor.u32 $0x900, s4;
	_ =	strace $0x8000004A  }
0xb: {  	s4 =	sadd.s32 $0x17000, s0;
	s20 =	ssub.s32 $0x2, s1;
	s7 =	smov.u32 @p0 s5  }
0xc: {  	s21 =	sshrl.u32 s20, $0x1;
	p0 =	sne.s32 s1, $0x0;
	s1 =	simm.s32 $0x0  }
0xd: {  	s5 =	sshll.u32 s7, $0x4;
	s6 =	sadd.s32 s8, s6;
	s7 =	sshrl.u32 s19, $0x2  }
0xe: {  	s19 =	simm.s32 $0x1;
	s8 =	simm.s32 $0xD80;
	s6 =	sshrl.u32 s6, $0x3  }
0xf: {  	s5 =	sadd.s32 s5, s0;
	s7 =	sadd.s32 s7, s2;
	s0 =	sadd.s32 s6, s0  }
0x10: {  	s6 =	ssub.s32 s20, s21;
	s23 =	sadd.s32 $0x4000, s7;
	[dreg:$0x3] =	wrdreg s7  }
0x11: {  	s24 =	sadd.s32 $0x8000, s7;
	s25 =	sadd.s32 $0xC000, s7;
	[dreg:$0x6] =	wrdreg s23  }
0x12: {  	s26 =	sadd.s32 $0x10000, s7;
	s30 =	sadd.s32 $0x3000, s5;
	[dreg:$0x7] =	wrdreg s24  }
0x13: {  	s31 =	sadd.s32 $0xD000, s5;
	s21 =	simm.s32 $0x2;
	[dreg:$0x8] =	wrdreg s25  }
0x14: {  	s7 =	simm.s32 $0x600;
	s5 =	simm.s32 $0xF00;
	[dreg:$0x9] =	wrdreg s26  }
0x15: {  	s20 =	simm.s32 $0xF80;
	s0 =	sadd.s32 $0x101800, s0;
	[dreg:$0xa] =	wrdreg s30  }
0x16: {  	s22 =	smax.u32 s6, $0x1;
	[dreg:$0xb] =	wrdreg s31;
	s23 =	simm.s32 $0x400  }
0x17: {  	s24 =	simm.s32 $0xB80;
	s25 =	simm.s32 $0x480;
	[dreg:$0x4] =	wrdreg s0  }
0x18: {  	v0 =	vimm.f32 $0.0e+00;
	s26 =	simm.s32 $0xC00;
	s6 =	simm.s32 $0xD00;
	[dreg:$0x5] =	wrdreg s22  }
.LBB2_1:
0x19: {  	s0 =	sand.u32 $0xFE00, s3  }
0x1a: {  	[dreg:$0xc] =	wrdreg s1;
	s30 =	sand.u32 $0x70, s3;
	s31 =	sshrl.u32 s0, $0x2  }
0x1b: {  	s0 =	simm.s32 $0x40;
	s31 =	sor.u32 s30, s31;
	s30 =	simm.s32 $0x0  }
.LBB2_2:
0x1c: {  	p1 =	sne.s32 s0, $0xFFC0  }
0x1d: {  	[tilespmem:s31+$0x1000] =	vst v0;
	s30 =	sadd.s32 $0x10, s30;
	s31 =	smov.u32 s0;
	s0 =	sadd.s32 $0x40, s0  }
.Ltmp0:
0x1e: {  	(pc) =	sbr.rel @p1 .LBB2_2-.Ltmp0, $4  }
0x1f: {  	_ = 	snop  }
0x20: {  	s31 =	sand.u32 $0xFE00, s31  }
0x21: {  	s1 =	sand.u32 $0x70, s30;
	s31 =	sshrl.u32 s31, $0x2  }
0x22: {  	s31 =	sor.u32 s1, s31  }
0x23: {  	[tilespmem:s31+$0x1000] =	vst v0;
	s0 =	rddreg [dreg:$0x3]  }
0x24: {  	[spmem:s0] =	stream.linear.scatter [tilespmem:s14], [sflag:$0x3], $0x4000, $0x38;
	[tilespmem:$0x1D000] =	vst v63  }
0x25: {  	_ =	swait.ge [sflag:s15], $0x4000  }
0x26: {  	[sflag:s15] =	ssyncset.done $0x0  }
0x27: {  	s1 =	rddreg [dreg:$0x6];
	[sflag:s15] =	ssyncadd.s32 $0xFFFFC000  }
0x28: {  	[spmem:s1] =	stream.linear.scatter [tilespmem:s14], [sflag:$0x3], $0x4000, $0x38;
	[tilespmem:$0x1D000] =	vst v63  }
0x29: {  	_ =	swait.ge [sflag:s15], $0x4000  }
0x2a: {  	[sflag:s15] =	ssyncset.done $0x0  }
0x2b: {  	s22 =	rddreg [dreg:$0x7];
	[sflag:s15] =	ssyncadd.s32 $0xFFFFC000  }
0x2c: {  	[spmem:s22] =	stream.linear.scatter [tilespmem:s14], [sflag:$0x3], $0x4000, $0x38;
	[tilespmem:$0x1D000] =	vst v63  }
0x2d: {  	_ =	swait.ge [sflag:s15], $0x4000  }
0x2e: {  	[sflag:s15] =	ssyncset.done $0x0  }
0x2f: {  	s1 =	rddreg [dreg:$0x8];
	[sflag:s15] =	ssyncadd.s32 $0xFFFFC000  }
0x30: {  	[spmem:s1] =	stream.linear.scatter [tilespmem:s14], [sflag:$0x3], $0x4000, $0x38;
	[tilespmem:$0x1D000] =	vst v63  }
0x31: {  	_ =	swait.ge [sflag:s15], $0x4000  }
0x32: {  	[sflag:s15] =	ssyncset.done $0x0  }
0x33: {  	s22 =	rddreg [dreg:$0x9];
	[sflag:s15] =	ssyncadd.s32 $0xFFFFC000  }
0x34: {  	[spmem:s22] =	stream.linear.scatter [tilespmem:s14], [sflag:$0x3], $0x4000, $0x38;
	[tilespmem:$0x1D000] =	vst v63  }
0x35: {  	_ =	swait.ge [sflag:s15], $0x4000  }
0x36: {  	[sflag:s15] =	ssyncset.done $0x0  }
0x37: {  	[sflag:s15] =	ssyncadd.s32 $0xFFFFC000  }
0x38: {  	[bflag:$0x0] =	sbarrier.arrive $0xFFFF  }
0x39: {  	s30 =	rddreg [dreg:$0xb]  }
0x3a: {  	s0 =	simm.s32 $0x0;
	s1 =	simm.s32 $0x580;
	s31 =	rddreg [dreg:$0xa]  }
.LBB2_4:
0x3b: {  	[tilespmem:s3], [sflag:$0x3] =	stream.linear.gather [hbm4b:s30+s3], $0x800, $0x38;
	[tilespmem:$0x1D000] =	vst v63  }
0x3c: {  	_ =	swait.ge [sflag:s15], $0x800  }
0x3d: {  	[sflag:s15] =	ssyncset.done $0x0  }
0x3e: {  	[sflag:s15] =	ssyncadd.s32 $0xFFFFF800  }
0x3f: {  	[tilespmem:s16], [sflag:$0x3] =	stream.linear.gather [hbm4b:s31+s3], $0x800, $0x38;
	[tilespmem:$0x1D000] =	vst v63  }
0x40: {  	_ =	swait.ge [sflag:s15], $0x800  }
0x41: {  	[sflag:s15] =	ssyncset.done $0x0  }
0x42: {  	[sflag:s15] =	ssyncadd.s32 $0xFFFFF800  }
0x43: {  	[tilespmem:s14], [sflag:$0x1] =	stream.indirect.gather [hbm4b:s4+s17], $0x80, s3, s17, $0xb8;
	[tilespmem:$0x1D000] =	vst v63  }
0x44: {  	_ = 	snop  }
0x45: {  	[tilespmem:s18], [sflag:$0x2] =	stream.indirect.gather [hbm4b:s4+s17], $0x80, s17, s17, $0xb8;
	[tilespmem:$0x1D000] =	vst v63  }
0x46: {  	_ =	swait.ge [sflag:s19], $0x4000  }
0x47: {  	[sflag:s19] =	ssyncset.done $0x0  }
0x48: {  	[sflag:s19] =	ssyncadd.s32 $0xFFFFC000  }
0x49: {  	[spmem:s2] =	stream.indirect.scatter.add.f32 [tilespmem:s14], [sflag:$0x3], $0x80, s16, s17, $0xb8;
	[tilespmem:$0x1D000] =	vst v63  }
0x4a: {  	_ =	swait.ge [sflag:s15], $0x4000  }
0x4b: {  	[sflag:s15] =	ssyncset.done $0x0  }
0x4c: {  	s22 =	simm.s32 $0x100;
	[sflag:s15] =	ssyncadd.s32 $0xFFFFC000  }
0x4d: {  	[tilespmem:s14], [sflag:$0x1] =	stream.indirect.gather [hbm4b:s4+s17], $0x80, s22, s17, $0xb8;
	[tilespmem:$0x1D000] =	vst v63  }
0x4e: {  	_ =	swait.ge [sflag:s21], $0x4000  }
0x4f: {  	[sflag:s21] =	ssyncset.done $0x0  }
0x50: {  	s22 =	simm.s32 $0x880;
	[sflag:s21] =	ssyncadd.s32 $0xFFFFC000  }
0x51: {  	[spmem:s2] =	stream.indirect.scatter.add.f32 [tilespmem:s18], [sflag:$0x3], $0x80, s22, s17, $0xb8;
	[tilespmem:$0x1D000] =	vst v63  }
0x52: {  	_ =	swait.ge [sflag:s15], $0x4000  }
0x53: {  	[sflag:s15] =	ssyncset.done $0x0  }
0x54: {  	s22 =	simm.s32 $0x180;
	[sflag:s15] =	ssyncadd.s32 $0xFFFFC000  }
0x55: {  	[tilespmem:s18], [sflag:$0x2] =	stream.indirect.gather [hbm4b:s4+s17], $0x80, s22, s17, $0xb8;
	[tilespmem:$0x1D000] =	vst v63  }
0x56: {  	_ =	swait.ge [sflag:s19], $0x4000  }
0x57: {  	[sflag:s19] =	ssyncset.done $0x0  }
0x58: {  	s22 =	simm.s32 $0x900;
	[sflag:s19] =	ssyncadd.s32 $0xFFFFC000  }
0x59: {  	[spmem:s2] =	stream.indirect.scatter.add.f32 [tilespmem:s14], [sflag:$0x3], $0x80, s22, s17, $0xb8;
	[tilespmem:$0x1D000] =	vst v63  }
0x5a: {  	_ =	swait.ge [sflag:s15], $0x4000  }
0x5b: {  	[sflag:s15] =	ssyncset.done $0x0  }
0x5c: {  	s22 =	simm.s32 $0x200;
	[sflag:s15] =	ssyncadd.s32 $0xFFFFC000  }
0x5d: {  	[tilespmem:s14], [sflag:$0x1] =	stream.indirect.gather [hbm4b:s4+s17], $0x80, s22, s17, $0xb8;
	[tilespmem:$0x1D000] =	vst v63  }
0x5e: {  	_ =	swait.ge [sflag:s21], $0x4000  }
0x5f: {  	[sflag:s21] =	ssyncset.done $0x0  }
0x60: {  	s22 =	simm.s32 $0x980;
	[sflag:s21] =	ssyncadd.s32 $0xFFFFC000  }
0x61: {  	[spmem:s2] =	stream.indirect.scatter.add.f32 [tilespmem:s18], [sflag:$0x3], $0x80, s22, s17, $0xb8;
	[tilespmem:$0x1D000] =	vst v63  }
0x62: {  	_ =	swait.ge [sflag:s15], $0x4000  }
0x63: {  	[sflag:s15] =	ssyncset.done $0x0  }
0x64: {  	s22 =	simm.s32 $0x280;
	[sflag:s15] =	ssyncadd.s32 $0xFFFFC000  }
0x65: {  	[tilespmem:s18], [sflag:$0x2] =	stream.indirect.gather [hbm4b:s4+s17], $0x80, s22, s17, $0xb8;
	[tilespmem:$0x1D000] =	vst v63  }
0x66: {  	_ =	swait.ge [sflag:s19], $0x4000  }
0x67: {  	[sflag:s19] =	ssyncset.done $0x0  }
0x68: {  	s22 =	simm.s32 $0xA00;
	[sflag:s19] =	ssyncadd.s32 $0xFFFFC000  }
0x69: {  	[spmem:s2] =	stream.indirect.scatter.add.f32 [tilespmem:s14], [sflag:$0x3], $0x80, s22, s17, $0xb8;
	[tilespmem:$0x1D000] =	vst v63  }
0x6a: {  	_ =	swait.ge [sflag:s15], $0x4000  }
0x6b: {  	[sflag:s15] =	ssyncset.done $0x0  }
0x6c: {  	s22 =	simm.s32 $0x300;
	[sflag:s15] =	ssyncadd.s32 $0xFFFFC000  }
0x6d: {  	[tilespmem:s14], [sflag:$0x1] =	stream.indirect.gather [hbm4b:s4+s17], $0x80, s22, s17, $0xb8;
	[tilespmem:$0x1D000] =	vst v63  }
0x6e: {  	_ =	swait.ge [sflag:s21], $0x4000  }
0x6f: {  	[sflag:s21] =	ssyncset.done $0x0  }
0x70: {  	s22 =	simm.s32 $0xA80;
	[sflag:s21] =	ssyncadd.s32 $0xFFFFC000  }
0x71: {  	[spmem:s2] =	stream.indirect.scatter.add.f32 [tilespmem:s18], [sflag:$0x3], $0x80, s22, s17, $0xb8;
	[tilespmem:$0x1D000] =	vst v63  }
0x72: {  	_ =	swait.ge [sflag:s15], $0x4000  }
0x73: {  	[sflag:s15] =	ssyncset.done $0x0  }
0x74: {  	s22 =	simm.s32 $0x380;
	[sflag:s15] =	ssyncadd.s32 $0xFFFFC000  }
0x75: {  	[tilespmem:s18], [sflag:$0x2] =	stream.indirect.gather [hbm4b:s4+s17], $0x80, s22, s17, $0xb8;
	[tilespmem:$0x1D000] =	vst v63  }
0x76: {  	_ =	swait.ge [sflag:s19], $0x4000  }
0x77: {  	[sflag:s19] =	ssyncset.done $0x0  }
0x78: {  	s22 =	simm.s32 $0xB00;
	[sflag:s19] =	ssyncadd.s32 $0xFFFFC000  }
0x79: {  	[spmem:s2] =	stream.indirect.scatter.add.f32 [tilespmem:s14], [sflag:$0x3], $0x80, s22, s17, $0xb8;
	[tilespmem:$0x1D000] =	vst v63  }
0x7a: {  	_ =	swait.ge [sflag:s15], $0x4000  }
0x7b: {  	[sflag:s15] =	ssyncset.done $0x0  }
0x7c: {  	[sflag:s15] =	ssyncadd.s32 $0xFFFFC000  }
0x7d: {  	[tilespmem:s14], [sflag:$0x1] =	stream.indirect.gather [hbm4b:s4+s17], $0x80, s23, s17, $0xb8;
	[tilespmem:$0x1D000] =	vst v63  }
0x7e: {  	_ =	swait.ge [sflag:s21], $0x4000  }
0x7f: {  	[sflag:s21] =	ssyncset.done $0x0  }
0x80: {  	[sflag:s21] =	ssyncadd.s32 $0xFFFFC000  }
0x81: {  	[spmem:s2] =	stream.indirect.scatter.add.f32 [tilespmem:s18], [sflag:$0x3], $0x80, s24, s17, $0xb8;
	[tilespmem:$0x1D000] =	vst v63  }
0x82: {  	_ =	swait.ge [sflag:s15], $0x4000  }
0x83: {  	[sflag:s15] =	ssyncset.done $0x0  }
0x84: {  	[sflag:s15] =	ssyncadd.s32 $0xFFFFC000  }
0x85: {  	[tilespmem:s18], [sflag:$0x2] =	stream.indirect.gather [hbm4b:s4+s17], $0x80, s25, s17, $0xb8;
	[tilespmem:$0x1D000] =	vst v63  }
0x86: {  	_ =	swait.ge [sflag:s19], $0x4000  }
0x87: {  	[sflag:s19] =	ssyncset.done $0x0  }
0x88: {  	[sflag:s19] =	ssyncadd.s32 $0xFFFFC000  }
0x89: {  	[spmem:s2] =	stream.indirect.scatter.add.f32 [tilespmem:s14], [sflag:$0x3], $0x80, s26, s17, $0xb8;
	[tilespmem:$0x1D000] =	vst v63  }
0x8a: {  	_ =	swait.ge [sflag:s15], $0x4000  }
0x8b: {  	[sflag:s15] =	ssyncset.done $0x0  }
0x8c: {  	[sflag:s15] =	ssyncadd.s32 $0xFFFFC000  }
0x8d: {  	[tilespmem:s14], [sflag:$0x1] =	stream.indirect.gather [hbm4b:s4+s17], $0x80, s28, s17, $0xb8;
	[tilespmem:$0x1D000] =	vst v63  }
0x8e: {  	_ =	swait.ge [sflag:s21], $0x4000  }
0x8f: {  	[sflag:s21] =	ssyncset.done $0x0  }
0x90: {  	[sflag:s21] =	ssyncadd.s32 $0xFFFFC000  }
0x91: {  	[spmem:s2] =	stream.indirect.scatter.add.f32 [tilespmem:s18], [sflag:$0x3], $0x80, s29, s17, $0xb8;
	[tilespmem:$0x1D000] =	vst v63  }
0x92: {  	_ =	swait.ge [sflag:s15], $0x4000  }
0x93: {  	[sflag:s15] =	ssyncset.done $0x0  }
0x94: {  	[sflag:s15] =	ssyncadd.s32 $0xFFFFC000  }
0x95: {  	[tilespmem:s18], [sflag:$0x2] =	stream.indirect.gather [hbm4b:s4+s17], $0x80, s1, s17, $0xb8;
	[tilespmem:$0x1D000] =	vst v63  }
0x96: {  	_ =	swait.ge [sflag:s19], $0x4000  }
0x97: {  	[sflag:s19] =	ssyncset.done $0x0  }
0x98: {  	[sflag:s19] =	ssyncadd.s32 $0xFFFFC000  }
0x99: {  	[spmem:s2] =	stream.indirect.scatter.add.f32 [tilespmem:s14], [sflag:$0x3], $0x80, s6, s17, $0xb8;
	[tilespmem:$0x1D000] =	vst v63  }
0x9a: {  	_ =	swait.ge [sflag:s15], $0x4000  }
0x9b: {  	[sflag:s15] =	ssyncset.done $0x0  }
0x9c: {  	[sflag:s15] =	ssyncadd.s32 $0xFFFFC000  }
0x9d: {  	[tilespmem:s14], [sflag:$0x1] =	stream.indirect.gather [hbm4b:s4+s17], $0x80, s7, s17, $0xb8;
	[tilespmem:$0x1D000] =	vst v63  }
0x9e: {  	_ =	swait.ge [sflag:s21], $0x4000  }
0x9f: {  	[sflag:s21] =	ssyncset.done $0x0  }
0xa0: {  	[sflag:s21] =	ssyncadd.s32 $0xFFFFC000  }
0xa1: {  	[spmem:s2] =	stream.indirect.scatter.add.f32 [tilespmem:s18], [sflag:$0x3], $0x80, s8, s17, $0xb8;
	[tilespmem:$0x1D000] =	vst v63  }
0xa2: {  	_ =	swait.ge [sflag:s15], $0x4000  }
0xa3: {  	[sflag:s15] =	ssyncset.done $0x0  }
0xa4: {  	[sflag:s15] =	ssyncadd.s32 $0xFFFFC000  }
0xa5: {  	[tilespmem:s18], [sflag:$0x2] =	stream.indirect.gather [hbm4b:s4+s17], $0x80, s9, s17, $0xb8;
	[tilespmem:$0x1D000] =	vst v63  }
0xa6: {  	_ =	swait.ge [sflag:s19], $0x4000  }
0xa7: {  	[sflag:s19] =	ssyncset.done $0x0  }
0xa8: {  	[sflag:s19] =	ssyncadd.s32 $0xFFFFC000  }
0xa9: {  	[spmem:s2] =	stream.indirect.scatter.add.f32 [tilespmem:s14], [sflag:$0x3], $0x80, s10, s17, $0xb8;
	[tilespmem:$0x1D000] =	vst v63  }
0xaa: {  	_ =	swait.ge [sflag:s15], $0x4000  }
0xab: {  	[sflag:s15] =	ssyncset.done $0x0  }
0xac: {  	[sflag:s15] =	ssyncadd.s32 $0xFFFFC000  }
0xad: {  	[tilespmem:s14], [sflag:$0x1] =	stream.indirect.gather [hbm4b:s4+s17], $0x80, s11, s17, $0xb8;
	[tilespmem:$0x1D000] =	vst v63  }
0xae: {  	_ =	swait.ge [sflag:s21], $0x4000  }
0xaf: {  	[sflag:s21] =	ssyncset.done $0x0  }
0xb0: {  	[sflag:s21] =	ssyncadd.s32 $0xFFFFC000  }
0xb1: {  	[spmem:s2] =	stream.indirect.scatter.add.f32 [tilespmem:s18], [sflag:$0x3], $0x80, s12, s17, $0xb8;
	[tilespmem:$0x1D000] =	vst v63  }
0xb2: {  	_ =	swait.ge [sflag:s15], $0x4000  }
0xb3: {  	[sflag:s15] =	ssyncset.done $0x0  }
0xb4: {  	[sflag:s15] =	ssyncadd.s32 $0xFFFFC000  }
0xb5: {  	[tilespmem:s18], [sflag:$0x2] =	stream.indirect.gather [hbm4b:s4+s17], $0x80, s13, s17, $0xb8;
	[tilespmem:$0x1D000] =	vst v63  }
0xb6: {  	_ =	swait.ge [sflag:s19], $0x4000  }
0xb7: {  	[sflag:s19] =	ssyncset.done $0x0  }
0xb8: {  	[sflag:s19] =	ssyncadd.s32 $0xFFFFC000  }
0xb9: {  	[spmem:s2] =	stream.indirect.scatter.add.f32 [tilespmem:s14], [sflag:$0x3], $0x80, s5, s17, $0xb8;
	[tilespmem:$0x1D000] =	vst v63  }
0xba: {  	_ =	swait.ge [sflag:s15], $0x4000  }
0xbb: {  	[sflag:s15] =	ssyncset.done $0x0  }
0xbc: {  	[sflag:s15] =	ssyncadd.s32 $0xFFFFC000  }
0xbd: {  	p1 =	slt.u32 @!p0 s0, $0x8;
	_ =	swait.ge [sflag:s21], $0x4000  }
0xbe: {  	p1 =	por p0, !p1;
	[sflag:s21] =	ssyncset.done $0x0  }
.Ltmp1:
0xbf: {  	[sflag:s21] =	ssyncadd.s32 $0xFFFFC000;
	(pc) =	sbr.rel @!p1 .LBB2_4-.Ltmp1, $4  }
0xc0: {  	[spmem:s2] =	stream.indirect.scatter.add.f32 [tilespmem:s18], [sflag:$0x3], $0x80, s20, s17, $0xb8;
	[tilespmem:$0x1D000] =	vst v63  }
0xc1: {  	_ =	swait.ge [sflag:s15], $0x4000  }
0xc2: {  	s0 =	sadd.s32 $0x1, s0;
	[sflag:s15] =	ssyncset.done $0x0  }
0xc3: {  	s30 =	sadd.s32 $0x100, s30;
	s31 =	sadd.s32 $0x100, s31;
	[sflag:s15] =	ssyncadd.s32 $0xFFFFC000  }
0xc4: {  	s0 =	stileid.u32;
	[bflag:$0x0] =	sbarrier.arrive $0xFFFF  }
0xc5: {  	s0 =	sshll.u32 s0, $0x6;
	s1 =	rddreg [dreg:$0x3]  }
0xc6: {  	s30 =	rddreg [dreg:$0x4];
	s0 =	sor.u32 $0x1C03, s0;
	s1 =	sshrl.u32 s1, $0x3  }
0xc7: {  	[hbm:s30], [sflag:s0] =	dma.local [spmem:s1], $0x2800  }
0xc8: {  	_ =	swait.ge [sflag:s15], $0x2800  }
0xc9: {  	s30 =	rddreg [dreg:$0xc]  }
0xca: {  	s31 =	rddreg [dreg:$0x5];
	s1 =	sadd.s32 $0x1, s30  }
0xcb: {  	p1 =	sne.s32 s1, s31  }
.Ltmp2:
0xcc: {  	_ = 	snop;
	(pc) =	sbr.rel @p1 .LBB2_1-.Ltmp2, $3  }
0xcd: {  	_ =	sdelay $0x1  }
0xce: {  	[sflag:s15] =	ssyncset.done $0x0  }
0xcf: {  	[sflag:s15] =	ssyncadd.s32 $0xFFFFD800  }
0xd0: {  	_ =	sfence.sel $0x180000  }
0xd1: {  	[bflag:$0x0] =	sbarrier.arrive $0xFFFF  }
0xd2: {  	_ =	strace $0x9000004A  }
0xd3: {  	s0 =	stileid.u32;
	[bflag:$0x2] =	sbarrier.arrive $0xFFFF  }
0xd4: {  	p0 =	sne.s32 s0, $0x0;
	s0 =	rddreg [dreg:$0x2]  }
0xd5: {  	s0 =	sadd.s32 @!p0 $0x100000, s0  }
0xd6: {  	[sflag:s0] =	ssyncadd.tile.s32 @!p0 $0x1;
	_ =	shalt  }
.Lfunc_end2:
_tile_overlayer_lowered:
.L_overlay_start_2:
0xd7: {  	(tag) =	ssettag $0x2  }
0xd8: {  	s0 =	rddreg [dreg:$0x0];
	s2 =	stileid.u32  }
0xd9: {  	s1 =	rddreg [dreg:$0x1];
	p0 =	sne.s32 s2, $0x0  }
0xda: {  	s3 =	rddreg [dreg:$0x2];
	[bflag:$0x3] =	sbarrier.arrive $0xFFFF;
	s2 =	simm.s32 @!p0 $0x1C03  }
0xdb: {  	[timem:s3], [sflag:s2] =	dma.local @!p0 [hbm:s0], s1  }
0xdc: {  	s0 =	simm.s32 @!p0 $0x3  }
0xdd: {  	_ =	swait.ge @!p0 [sflag:s0], s1  }
0xde: {  	s1 =	ssub.s32 @!p0 $0x0, s1;
	[sflag:s0] =	ssyncset.done @!p0 $0x0  }
0xdf: {  	[sflag:s0] =	ssyncadd.s32 @!p0 s1  }
0xe0: {  	[bflag:$0x3] =	sbarrier.arrive $0xFFFF  }
0xe1: {  	_ =	shalt  }

// kernel: kernel.15.cloned.1.call-start
scs
__scs_entry_jumppad:
0x0: {  	(pc) =	sbr.rel $0x88, $3  }
0x1: {  	(tag) =	ssettag $0x0;
	lr =	simm.s32 $0x1  }
0x2: {  	[smem:$0x3F95] =	sst lr;
	_ =	strace $0xD0000000  }
0x3: {  	_ = 	snop  }
0x4: {  	_ = 	snop  }
0x5: {  	_ = 	snop  }
0x6: {  	_ = 	snop  }
0x7: {  	_ = 	snop  }
__scs_overlays_trampoline_lowered:
0x8: {  	[smem:$0x3FA4] =	sst s0  }
0x9: {  	[smem:$0x3FA5] =	sst s1  }
0xa: {  	[smem:$0x3FA6] =	sst s2  }
0xb: {  	[smem:$0x3FA7] =	sst s3  }
0xc: {  	[smem:$0x3FA8] =	sst s4  }
0xd: {  	[smem:$0x3FA9] =	sst s5  }
0xe: {  	[smem:$0x3FAA] =	sst s6  }
0xf: {  	[smem:$0x3FAB] =	sst s7  }
0x10: {  	[smem:$0x3FAC] =	sst s8  }
0x11: {  	[smem:$0x3FAD] =	sst s9;
	s0 =	simm.s32 @!p0 $0x0  }
0x12: {  	s1 =	sld [smem:$0x3F93];
	s0 =	simm.s32 @p0 $0x1  }
0x13: {  	[smem:$0x3FAE] =	sst s0;
	s0 =	simm.s32 @!p1 $0x0  }
0x14: {  	s2 =	sld [smem:$0x3F92];
	s0 =	simm.s32 @p1 $0x1  }
0x15: {  	[smem:$0x3FAF] =	sst s0;
	s0 =	simm.s32 @!p2 $0x0  }
0x16: {  	s3 =	sld [smem:$0x3FDB];
	s0 =	simm.s32 @p2 $0x1  }
0x17: {  	s4 =	simm.s32 $0x1BF5;
	[smem:$0x3FB1] =	sst s0  }
0x18: {  	s0 =	sld [smem:$0x3F94];
	_ =	swait.ge [sflag:s4], $0x0  }
0x19: {  	s7 =	sld [smem:$0x3F95]  }
0x1a: {  	s8 =	sadd.s32 $0xFFFFE003, lr  }
0x1b: {  	s9 =	sadd.s32 $0xFFFFFEF7, lr;
	s5 =	simm.s32 $0xFFFFFFFF;
	p2 =	slt.u32 s8, $0xFFFFF086  }
0x1c: {  	p1 =	slt.u32 s9, $0xF7A;
	s5 =	simm.s32 @!p2 $0x0  }
0x1d: {  	s5 =	simm.s32 @p1 $0x1;
	p0 =	seq.s32 s7, s2  }
0x1e: {  	s7 =	smul.u32 @!p0 $0xF7A, s2;
	p2 =	seq.s32 @!p0 s5, $0x0  }
0x1f: {  	s9 =	smul.u32 $0xF7A, s1;
	s8 =	simm.s32 @!p0 $0x1BF5;
	p2 =	por !p2, p0  }
0x20: {  	[sflag:s8] =	ssyncset.s32 @!p0 $0xFFFFF086;
	s6 =	sadd.s32 @!p0 s3, s7;
	s7 =	simm.s32 @!p0 $0x108  }
0x21: {  	s3 =	sadd.s32 s3, s9;
	s6 =	sadd.s32 @!p0 $0x88, s6;
	s7 =	simm.s32 @p2 $0x1082  }
0x22: {  	[simem:s7], [sflag:s8] =	dma.local @!p0 [hbm:s6], $0xF7A  }
0x23: {  	s9 =	sor.u32 $0xD0000000, s2;
	s6 =	simm.s32 $0x108;
	_ =	swait.ge @!p0 [sflag:s8], $0x0  }
0x24: {  	s3 =	sadd.s32 $0x88, s3;
	s6 =	simm.s32 @!p1 $0x1082;
	[sflag:s4] =	ssyncset.s32 $0xFFFFF086  }
0x25: {  	[simem:s6], [sflag:s4] =	dma.local [hbm:s3], $0xF7A  }
0x26: {  	[smem:$0x3F95] =	sst s1;
	(tag) =	ssettag s2;
	_ =	strace s9  }
0x27: {  	s1 =	sld [smem:$0x3FA5]  }
0x28: {  	s2 =	sld [smem:$0x3FA6]  }
0x29: {  	s4 =	sld [smem:$0x3FA8]  }
0x2a: {  	p0 =	seq.s32 s5, $0x0;
	s5 =	sld [smem:$0x3FA9]  }
0x2b: {  	s6 =	sld [smem:$0x3FAA]  }
0x2c: {  	s7 =	sld [smem:$0x3FAB]  }
0x2d: {  	s3 =	simm.s32 $0x108;
	s8 =	sld [smem:$0x3FAC]  }
0x2e: {  	s3 =	simm.s32 @!p0 $0x1082;
	s9 =	sld [smem:$0x3FAD]  }
0x2f: {  	lr =	sadd.s32 s0, s3;
	s0 =	sld [smem:$0x3FA4]  }
0x30: {  	s3 =	sld [smem:$0x3FA7]  }
0x31: {  	[smem:$0x3FB0] =	sst s10  }
0x32: {  	s10 =	sld [smem:$0x3FAE];
	_ =	sdelay $0x3  }
0x33: {  	p0 =	seq.s32 s10, $0x1;
	s10 =	sld [smem:$0x3FB0];
	_ =	sdelay $0x3  }
0x34: {  	[smem:$0x3FB0] =	sst s10  }
0x35: {  	s10 =	sld [smem:$0x3FAF];
	_ =	sdelay $0x3  }
0x36: {  	p1 =	seq.s32 s10, $0x1;
	s10 =	sld [smem:$0x3FB0];
	_ =	sdelay $0x3  }
0x37: {  	[smem:$0x3FB0] =	sst s10  }
0x38: {  	s10 =	sld [smem:$0x3FB1]  }
0x39: {  	_ = 	snop;
	(pc) =	sbr.ind lr, $3  }
0x3a: {  	_ = 	snop  }
0x3b: {  	_ = 	snop  }
0x3c: {  	p2 =	seq.s32 s10, $0x1;
	s10 =	sld [smem:$0x3FB0]  }
0x3d: {  	_ =	shalt  }
0x3e: {  	_ =	shalt  }
0x3f: {  	_ =	shalt  }
0x40: {  	_ =	shalt  }
0x41: {  	_ =	shalt  }
0x42: {  	_ =	shalt  }
0x43: {  	_ =	shalt  }
0x44: {  	_ =	shalt  }
0x45: {  	_ =	shalt  }
0x46: {  	_ =	shalt  }
0x47: {  	_ =	shalt  }
0x48: {  	_ =	shalt  }
0x49: {  	_ =	shalt  }
0x4a: {  	_ =	shalt  }
0x4b: {  	_ =	shalt  }
0x4c: {  	_ =	shalt  }
0x4d: {  	_ =	shalt  }
0x4e: {  	_ =	shalt  }
0x4f: {  	_ =	shalt  }
0x50: {  	_ =	shalt  }
0x51: {  	_ =	shalt  }
0x52: {  	_ =	shalt  }
0x53: {  	_ =	shalt  }
0x54: {  	_ =	shalt  }
0x55: {  	_ =	shalt  }
0x56: {  	_ =	shalt  }
0x57: {  	_ =	shalt  }
0x58: {  	_ =	shalt  }
0x59: {  	_ =	shalt  }
0x5a: {  	_ =	shalt  }
0x5b: {  	_ =	shalt  }
0x5c: {  	_ =	shalt  }
0x5d: {  	_ =	shalt  }
0x5e: {  	_ =	shalt  }
0x5f: {  	_ =	shalt  }
0x60: {  	_ =	shalt  }
0x61: {  	_ =	shalt  }
0x62: {  	_ =	shalt  }
0x63: {  	_ =	shalt  }
0x64: {  	_ =	shalt  }
0x65: {  	_ =	shalt  }
0x66: {  	_ =	shalt  }
0x67: {  	_ =	shalt  }
0x68: {  	_ =	shalt  }
0x69: {  	_ =	shalt  }
0x6a: {  	_ =	shalt  }
0x6b: {  	_ =	shalt  }
0x6c: {  	_ =	shalt  }
0x6d: {  	_ =	shalt  }
0x6e: {  	_ =	shalt  }
0x6f: {  	_ =	shalt  }
0x70: {  	_ =	shalt  }
0x71: {  	_ =	shalt  }
0x72: {  	_ =	shalt  }
0x73: {  	_ =	shalt  }
0x74: {  	_ =	shalt  }
0x75: {  	_ =	shalt  }
0x76: {  	_ =	shalt  }
0x77: {  	_ =	shalt  }
0x78: {  	_ =	shalt  }
0x79: {  	_ =	shalt  }
0x7a: {  	_ =	shalt  }
0x7b: {  	_ =	shalt  }
0x7c: {  	_ =	shalt  }
0x7d: {  	_ =	shalt  }
0x7e: {  	_ =	shalt  }
0x7f: {  	_ =	shalt  }
0x80: {  	_ =	shalt  }
0x81: {  	_ =	shalt  }
0x82: {  	_ =	shalt  }
0x83: {  	_ =	shalt  }
0x84: {  	_ =	shalt  }
0x85: {  	_ =	shalt  }
0x86: {  	_ =	shalt  }
0x87: {  	_ =	shalt  }
.Lfunc_end0:
.L_simem_size_0:
called_computation.2_lowered:
.L_overlay_start_0:
0x88: {  	s2 =	sld [smem:$0x3FD9]  }
0x89: {  	s3 =	sld [smem:$0x3FFE];
	_ =	sdelay $0x1  }
0x8a: {  	s1 =	srdreg.scid  }
0x8b: {  	s0 =	sand.u32 $0x1, s1  }
0x8c: {  	s16 =	sshll.u32 s0, $0xA;
	s2 =	sadd.s32 s3, s2  }
0x8d: {  	s2 =	sadd.s32 s2, s16  }
0x8e: {  	[smem:$0x3FBC] =	sst s2  }
0x8f: {  	_ = 	snop  }
0x90: {  	(tm) =	ssettm $0x1  }
0x91: {  	s17 =	sld [smem:$0x3FFB];
	_ =	sdelay $0x3  }
0x92: {  	_ =	strace s17  }
0x93: {  	s2 =	sld [smem:$0x3FFC];
	_ =	sdelay $0x3  }
0x94: {  	_ =	strace s2  }
0x95: {  	s2 =	sld [smem:$0x3FFD];
	_ =	sdelay $0x3  }
0x96: {  	_ =	strace s2  }
0x97: {  	_ =	strace $0x8FFFFFFF  }
0x98: {  	s18 =	sld [smem:$0x3FDB];
	_ =	sdelay $0x1  }
0x99: {  	s19 =	simm.s32 $_scs_section_size  }
0x9a: {  	s4 =	simm.s32 $_size__tile_overlayer_lowered;
	s5 =	simm.s32 $_tile_overlayer_lowered  }
0x9b: {  	s22 =	simm.s32 $0x1BFF;
	s21 =	sshll.u32 s5, $0x1;
	s2 =	sadd.s32 s19, s18  }
0x9c: {  	s6 =	simm.s32 $0x0;
	s20 =	sshll.u32 s4, $0x1;
	s4 =	sadd.s32 s21, s2  }
0x9d: {  	[timem:s6], [sflag:s22] =	dma.local [hbm:s4], s20  }
0x9e: {  	_ =	swait.ge [sflag:s22], s20  }
0x9f: {  	s3 =	ssub.s32 $0x0, s20;
	[sflag:s22] =	ssyncset.done $0x0  }
0xa0: {  	[sflag:s22] =	ssyncadd.s32 s3;
	_ =	sdelay $0x1  }
0xa1: {  	s23 =	simm.s32 $0x1B8B  }
0xa2: {  	_ =	swait.ge [sflag:s23], $0x1  }
0xa3: {  	[sflag:s23] =	ssyncset.done $0x0  }
0xa4: {  	s25 =	simm.s32 $0x1B8E;
	s24 =	sld [smem:$0x3FFE];
	[sflag:s23] =	ssyncadd.s32 $0xFFFFFFFF  }
0xa5: {  	s26 =	simm.s32 $execute0_lowered;
	[smem:$0x3FD2] =	sst s25  }
0xa6: {  	s4 =	sshll.u32 s26, $0x1;
	_ =	strace $0x8000004C;
	[dreg:$0x1] =	wrdreg $0xFFFFFFFF  }
0xa7: {  	s28 =	simm.s32 $_size_execute0_lowered;
	s2 =	sadd.s32 s2, s4;
	[dreg:$0x0] =	wrdreg $0x0  }
0xa8: {  	s4 =	sshll.u32 s28, $0x1;
	[dreg:$0x2] =	wrdreg s2  }
0xa9: {  	[dreg:$0x3] =	wrdreg s4  }
0xaa: {  	[dreg:$0x4] =	wrdreg $0xC0  }
0xab: {  	_ =	task [dreg:s6], $0x5FFFF  }
0xac: {  	[dreg:$0x1] =	wrdreg $0xFFFFFFFF  }
0xad: {  	[dreg:$0x0] =	wrdreg $0x60  }
0xae: {  	[dreg:$0x2] =	wrdreg s24  }
0xaf: {  	[dreg:$0x3] =	wrdreg $0x90000  }
0xb0: {  	[dreg:$0x4] =	wrdreg $0x9  }
0xb1: {  	_ =	task.clear_ibuf [dreg:s6], $0x5FFFF;
	_ =	strace $0x9000004C  }
0xb2: {  	s29 =	simm.s32 $0x9;
	_ =	strace $0x8000004E  }
0xb3: {  	_ =	swait.ge [sflag:s29], $0x1  }
0xb4: {  	[sflag:s29] =	ssyncadd.s32 $0xFFFFFFFF  }
0xb5: {  	_ =	strace $0x9000004E  }
0xb6: {  	_ =	sfence  }
0xb7: {  	s30 =	sld [smem:$0x0];
	_ =	sdelay $0x2  }
0xb8: {  	s31 =	sshll.u32 s1, $0xD;
	s1 =	sshrl.u32 s1, $0x2  }
0xb9: {  	s3 =	sand.u32 $0x4000, s31;
	s1 =	sadd.s32 s1, s30  }
0xba: {  	s0 =	sor.u32 s3, s0;
	s1 =	sshll.u32 s1, $0x11  }
0xbb: {  	s0 =	sor.u32 s1, s0  }
0xbc: {  	s0 =	sadd.s32 $0x8F2B, s0  }
0xbd: {  	[sflag:s0] =	ssyncadd.remote.s32 $0x1  }
0xbe: {  	_ =	sfence.sel $0xFFFF  }
0xbf: {  	[dreg:$0x0] =	wrdreg $0xFFFFFFFF;
	(pc) =	sbr.abs _section_cstart, $3  }
0xc0: {  	[dreg:$0x1] =	wrdreg $0xFFFFFFFF  }
0xc1: {  	_ =	task.clear_ibuf [dreg:s6], $0x2FFFF;
	_ =	strace $0x9FFFFFFF  }
0xc2: {  	(tm) =	ssettm $0x7FFFFFFF  }
0xc3: {  	_ =	shalt  }
tec
execute0_lowered:
.L_overlay_start_1:
0x0: {  	(tag) =	ssettag $0x1  }
0x1: {  	s0 =	rddreg [dreg:$0x0]  }
0x2: {  	s2 =	rddreg [dreg:$0x1];
	s1 =	srdreg.scid  }
0x3: {  	s9 =	stileid.u32;
	s3 =	simm.s32 $0x0;
	s14 =	simm.s32 $0x1000  }
0x4: {  	s15 =	simm.s32 $0x3;
	s16 =	simm.s32 $0x800;
	s17 =	simm.s32 $0x80  }
0x5: {  	s18 =	simm.s32 $0x5000;
	s28 =	simm.s32 $0x500;
	s29 =	simm.s32 $0xC80  }
0x6: {  	s10 =	simm.s32 $0xE00;
	s11 =	simm.s32 $0x700;
	s5 =	smul.u32 $0x90, s9  }
0x7: {  	s12 =	simm.s32 $0xE80;
	s13 =	simm.s32 $0x780;
	s8 =	smul.u32 $0x14000, s9  }
0x8: {  	s1 =	sand.u32 $0x1, s1;
	[smem:$0x7FF] =	sst s3;
	s19 =	smul.u32 $0x50000, s9  }
0x9: {  	s4 =	sshll.u32 s9, $0x4;
	s9 =	simm.s32 $0x680;
	s6 =	smul.u32 $0x140000, s1  }
0xa: {  	p0 =	seq.s32 s1, $0x0;
	s7 =	sor.u32 $0x900, s4;
	_ =	strace $0x8000004D  }
0xb: {  	s4 =	sadd.s32 $0x17000, s0;
	s20 =	ssub.s32 $0x2, s1;
	s7 =	smov.u32 @p0 s5  }
0xc: {  	s21 =	sshrl.u32 s20, $0x1;
	p0 =	sne.s32 s1, $0x0;
	s1 =	simm.s32 $0x0  }
0xd: {  	s5 =	sshll.u32 s7, $0x4;
	s6 =	sadd.s32 s8, s6;
	s7 =	sshrl.u32 s19, $0x2  }
0xe: {  	s19 =	simm.s32 $0x1;
	s8 =	simm.s32 $0xD80;
	s6 =	sshrl.u32 s6, $0x3  }
0xf: {  	s5 =	sadd.s32 s5, s0;
	s7 =	sadd.s32 s7, s2;
	s0 =	sadd.s32 s6, s0  }
0x10: {  	s6 =	ssub.s32 s20, s21;
	s23 =	sadd.s32 $0x4000, s7;
	[dreg:$0x3] =	wrdreg s7  }
0x11: {  	s24 =	sadd.s32 $0x8000, s7;
	s25 =	sadd.s32 $0xC000, s7;
	[dreg:$0x6] =	wrdreg s23  }
0x12: {  	s26 =	sadd.s32 $0x10000, s7;
	s30 =	sadd.s32 $0x3000, s5;
	[dreg:$0x7] =	wrdreg s24  }
0x13: {  	s31 =	sadd.s32 $0xD000, s5;
	s21 =	simm.s32 $0x2;
	[dreg:$0x8] =	wrdreg s25  }
0x14: {  	s7 =	simm.s32 $0x600;
	s5 =	simm.s32 $0xF00;
	[dreg:$0x9] =	wrdreg s26  }
0x15: {  	s20 =	simm.s32 $0xF80;
	s0 =	sadd.s32 $0x3E200, s0;
	[dreg:$0xa] =	wrdreg s30  }
0x16: {  	s22 =	smax.u32 s6, $0x1;
	[dreg:$0xb] =	wrdreg s31;
	s23 =	simm.s32 $0x400  }
0x17: {  	s24 =	simm.s32 $0xB80;
	s25 =	simm.s32 $0x480;
	[dreg:$0x4] =	wrdreg s0  }
0x18: {  	v0 =	vimm.f32 $0.0e+00;
	s26 =	simm.s32 $0xC00;
	s6 =	simm.s32 $0xD00;
	[dreg:$0x5] =	wrdreg s22  }
.LBB2_1:
0x19: {  	s0 =	sand.u32 $0xFE00, s3  }
0x1a: {  	[dreg:$0xc] =	wrdreg s1;
	s30 =	sand.u32 $0x70, s3;
	s31 =	sshrl.u32 s0, $0x2  }
0x1b: {  	s0 =	simm.s32 $0x40;
	s31 =	sor.u32 s30, s31;
	s30 =	simm.s32 $0x0  }
.LBB2_2:
0x1c: {  	p1 =	sne.s32 s0, $0xFFC0  }
0x1d: {  	[tilespmem:s31+$0x1000] =	vst v0;
	s30 =	sadd.s32 $0x10, s30;
	s31 =	smov.u32 s0;
	s0 =	sadd.s32 $0x40, s0  }
.Ltmp0:
0x1e: {  	(pc) =	sbr.rel @p1 .LBB2_2-.Ltmp0, $4  }
0x1f: {  	_ = 	snop  }
0x20: {  	s31 =	sand.u32 $0xFE00, s31  }
0x21: {  	s1 =	sand.u32 $0x70, s30;
	s31 =	sshrl.u32 s31, $0x2  }
0x22: {  	s31 =	sor.u32 s1, s31  }
0x23: {  	[tilespmem:s31+$0x1000] =	vst v0;
	s0 =	rddreg [dreg:$0x3]  }
0x24: {  	[spmem:s0] =	stream.linear.scatter [tilespmem:s14], [sflag:$0x3], $0x4000, $0x38;
	[tilespmem:$0x1D000] =	vst v63  }
0x25: {  	_ =	swait.ge [sflag:s15], $0x4000  }
0x26: {  	[sflag:s15] =	ssyncset.done $0x0  }
0x27: {  	s1 =	rddreg [dreg:$0x6];
	[sflag:s15] =	ssyncadd.s32 $0xFFFFC000  }
0x28: {  	[spmem:s1] =	stream.linear.scatter [tilespmem:s14], [sflag:$0x3], $0x4000, $0x38;
	[tilespmem:$0x1D000] =	vst v63  }
0x29: {  	_ =	swait.ge [sflag:s15], $0x4000  }
0x2a: {  	[sflag:s15] =	ssyncset.done $0x0  }
0x2b: {  	s22 =	rddreg [dreg:$0x7];
	[sflag:s15] =	ssyncadd.s32 $0xFFFFC000  }
0x2c: {  	[spmem:s22] =	stream.linear.scatter [tilespmem:s14], [sflag:$0x3], $0x4000, $0x38;
	[tilespmem:$0x1D000] =	vst v63  }
0x2d: {  	_ =	swait.ge [sflag:s15], $0x4000  }
0x2e: {  	[sflag:s15] =	ssyncset.done $0x0  }
0x2f: {  	s1 =	rddreg [dreg:$0x8];
	[sflag:s15] =	ssyncadd.s32 $0xFFFFC000  }
0x30: {  	[spmem:s1] =	stream.linear.scatter [tilespmem:s14], [sflag:$0x3], $0x4000, $0x38;
	[tilespmem:$0x1D000] =	vst v63  }
0x31: {  	_ =	swait.ge [sflag:s15], $0x4000  }
0x32: {  	[sflag:s15] =	ssyncset.done $0x0  }
0x33: {  	s22 =	rddreg [dreg:$0x9];
	[sflag:s15] =	ssyncadd.s32 $0xFFFFC000  }
0x34: {  	[spmem:s22] =	stream.linear.scatter [tilespmem:s14], [sflag:$0x3], $0x4000, $0x38;
	[tilespmem:$0x1D000] =	vst v63  }
0x35: {  	_ =	swait.ge [sflag:s15], $0x4000  }
0x36: {  	[sflag:s15] =	ssyncset.done $0x0  }
0x37: {  	[sflag:s15] =	ssyncadd.s32 $0xFFFFC000  }
0x38: {  	[bflag:$0x0] =	sbarrier.arrive $0xFFFF  }
0x39: {  	s30 =	rddreg [dreg:$0xb]  }
0x3a: {  	s0 =	simm.s32 $0x0;
	s1 =	simm.s32 $0x580;
	s31 =	rddreg [dreg:$0xa]  }
.LBB2_4:
0x3b: {  	[tilespmem:s3], [sflag:$0x3] =	stream.linear.gather [hbm4b:s30+s3], $0x800, $0x38;
	[tilespmem:$0x1D000] =	vst v63  }
0x3c: {  	_ =	swait.ge [sflag:s15], $0x800  }
0x3d: {  	[sflag:s15] =	ssyncset.done $0x0  }
0x3e: {  	[sflag:s15] =	ssyncadd.s32 $0xFFFFF800  }
0x3f: {  	[tilespmem:s16], [sflag:$0x3] =	stream.linear.gather [hbm4b:s31+s3], $0x800, $0x38;
	[tilespmem:$0x1D000] =	vst v63  }
0x40: {  	_ =	swait.ge [sflag:s15], $0x800  }
0x41: {  	[sflag:s15] =	ssyncset.done $0x0  }
0x42: {  	[sflag:s15] =	ssyncadd.s32 $0xFFFFF800  }
0x43: {  	[tilespmem:s14], [sflag:$0x1] =	stream.indirect.gather [hbm4b:s4+s17], $0x80, s3, s17, $0xb8;
	[tilespmem:$0x1D000] =	vst v63  }
0x44: {  	_ = 	snop  }
0x45: {  	[tilespmem:s18], [sflag:$0x2] =	stream.indirect.gather [hbm4b:s4+s17], $0x80, s17, s17, $0xb8;
	[tilespmem:$0x1D000] =	vst v63  }
0x46: {  	_ =	swait.ge [sflag:s19], $0x4000  }
0x47: {  	[sflag:s19] =	ssyncset.done $0x0  }
0x48: {  	[sflag:s19] =	ssyncadd.s32 $0xFFFFC000  }
0x49: {  	[spmem:s2] =	stream.indirect.scatter.add.f32 [tilespmem:s14], [sflag:$0x3], $0x80, s16, s17, $0xb8;
	[tilespmem:$0x1D000] =	vst v63  }
0x4a: {  	_ =	swait.ge [sflag:s15], $0x4000  }
0x4b: {  	[sflag:s15] =	ssyncset.done $0x0  }
0x4c: {  	s22 =	simm.s32 $0x100;
	[sflag:s15] =	ssyncadd.s32 $0xFFFFC000  }
0x4d: {  	[tilespmem:s14], [sflag:$0x1] =	stream.indirect.gather [hbm4b:s4+s17], $0x80, s22, s17, $0xb8;
	[tilespmem:$0x1D000] =	vst v63  }
0x4e: {  	_ =	swait.ge [sflag:s21], $0x4000  }
0x4f: {  	[sflag:s21] =	ssyncset.done $0x0  }
0x50: {  	s22 =	simm.s32 $0x880;
	[sflag:s21] =	ssyncadd.s32 $0xFFFFC000  }
0x51: {  	[spmem:s2] =	stream.indirect.scatter.add.f32 [tilespmem:s18], [sflag:$0x3], $0x80, s22, s17, $0xb8;
	[tilespmem:$0x1D000] =	vst v63  }
0x52: {  	_ =	swait.ge [sflag:s15], $0x4000  }
0x53: {  	[sflag:s15] =	ssyncset.done $0x0  }
0x54: {  	s22 =	simm.s32 $0x180;
	[sflag:s15] =	ssyncadd.s32 $0xFFFFC000  }
0x55: {  	[tilespmem:s18], [sflag:$0x2] =	stream.indirect.gather [hbm4b:s4+s17], $0x80, s22, s17, $0xb8;
	[tilespmem:$0x1D000] =	vst v63  }
0x56: {  	_ =	swait.ge [sflag:s19], $0x4000  }
0x57: {  	[sflag:s19] =	ssyncset.done $0x0  }
0x58: {  	s22 =	simm.s32 $0x900;
	[sflag:s19] =	ssyncadd.s32 $0xFFFFC000  }
0x59: {  	[spmem:s2] =	stream.indirect.scatter.add.f32 [tilespmem:s14], [sflag:$0x3], $0x80, s22, s17, $0xb8;
	[tilespmem:$0x1D000] =	vst v63  }
0x5a: {  	_ =	swait.ge [sflag:s15], $0x4000  }
0x5b: {  	[sflag:s15] =	ssyncset.done $0x0  }
0x5c: {  	s22 =	simm.s32 $0x200;
	[sflag:s15] =	ssyncadd.s32 $0xFFFFC000  }
0x5d: {  	[tilespmem:s14], [sflag:$0x1] =	stream.indirect.gather [hbm4b:s4+s17], $0x80, s22, s17, $0xb8;
	[tilespmem:$0x1D000] =	vst v63  }
0x5e: {  	_ =	swait.ge [sflag:s21], $0x4000  }
0x5f: {  	[sflag:s21] =	ssyncset.done $0x0  }
0x60: {  	s22 =	simm.s32 $0x980;
	[sflag:s21] =	ssyncadd.s32 $0xFFFFC000  }
0x61: {  	[spmem:s2] =	stream.indirect.scatter.add.f32 [tilespmem:s18], [sflag:$0x3], $0x80, s22, s17, $0xb8;
	[tilespmem:$0x1D000] =	vst v63  }
0x62: {  	_ =	swait.ge [sflag:s15], $0x4000  }
0x63: {  	[sflag:s15] =	ssyncset.done $0x0  }
0x64: {  	s22 =	simm.s32 $0x280;
	[sflag:s15] =	ssyncadd.s32 $0xFFFFC000  }
0x65: {  	[tilespmem:s18], [sflag:$0x2] =	stream.indirect.gather [hbm4b:s4+s17], $0x80, s22, s17, $0xb8;
	[tilespmem:$0x1D000] =	vst v63  }
0x66: {  	_ =	swait.ge [sflag:s19], $0x4000  }
0x67: {  	[sflag:s19] =	ssyncset.done $0x0  }
0x68: {  	s22 =	simm.s32 $0xA00;
	[sflag:s19] =	ssyncadd.s32 $0xFFFFC000  }
0x69: {  	[spmem:s2] =	stream.indirect.scatter.add.f32 [tilespmem:s14], [sflag:$0x3], $0x80, s22, s17, $0xb8;
	[tilespmem:$0x1D000] =	vst v63  }
0x6a: {  	_ =	swait.ge [sflag:s15], $0x4000  }
0x6b: {  	[sflag:s15] =	ssyncset.done $0x0  }
0x6c: {  	s22 =	simm.s32 $0x300;
	[sflag:s15] =	ssyncadd.s32 $0xFFFFC000  }
0x6d: {  	[tilespmem:s14], [sflag:$0x1] =	stream.indirect.gather [hbm4b:s4+s17], $0x80, s22, s17, $0xb8;
	[tilespmem:$0x1D000] =	vst v63  }
0x6e: {  	_ =	swait.ge [sflag:s21], $0x4000  }
0x6f: {  	[sflag:s21] =	ssyncset.done $0x0  }
0x70: {  	s22 =	simm.s32 $0xA80;
	[sflag:s21] =	ssyncadd.s32 $0xFFFFC000  }
0x71: {  	[spmem:s2] =	stream.indirect.scatter.add.f32 [tilespmem:s18], [sflag:$0x3], $0x80, s22, s17, $0xb8;
	[tilespmem:$0x1D000] =	vst v63  }
0x72: {  	_ =	swait.ge [sflag:s15], $0x4000  }
0x73: {  	[sflag:s15] =	ssyncset.done $0x0  }
0x74: {  	s22 =	simm.s32 $0x380;
	[sflag:s15] =	ssyncadd.s32 $0xFFFFC000  }
0x75: {  	[tilespmem:s18], [sflag:$0x2] =	stream.indirect.gather [hbm4b:s4+s17], $0x80, s22, s17, $0xb8;
	[tilespmem:$0x1D000] =	vst v63  }
0x76: {  	_ =	swait.ge [sflag:s19], $0x4000  }
0x77: {  	[sflag:s19] =	ssyncset.done $0x0  }
0x78: {  	s22 =	simm.s32 $0xB00;
	[sflag:s19] =	ssyncadd.s32 $0xFFFFC000  }
0x79: {  	[spmem:s2] =	stream.indirect.scatter.add.f32 [tilespmem:s14], [sflag:$0x3], $0x80, s22, s17, $0xb8;
	[tilespmem:$0x1D000] =	vst v63  }
0x7a: {  	_ =	swait.ge [sflag:s15], $0x4000  }
0x7b: {  	[sflag:s15] =	ssyncset.done $0x0  }
0x7c: {  	[sflag:s15] =	ssyncadd.s32 $0xFFFFC000  }
0x7d: {  	[tilespmem:s14], [sflag:$0x1] =	stream.indirect.gather [hbm4b:s4+s17], $0x80, s23, s17, $0xb8;
	[tilespmem:$0x1D000] =	vst v63  }
0x7e: {  	_ =	swait.ge [sflag:s21], $0x4000  }
0x7f: {  	[sflag:s21] =	ssyncset.done $0x0  }
0x80: {  	[sflag:s21] =	ssyncadd.s32 $0xFFFFC000  }
0x81: {  	[spmem:s2] =	stream.indirect.scatter.add.f32 [tilespmem:s18], [sflag:$0x3], $0x80, s24, s17, $0xb8;
	[tilespmem:$0x1D000] =	vst v63  }
0x82: {  	_ =	swait.ge [sflag:s15], $0x4000  }
0x83: {  	[sflag:s15] =	ssyncset.done $0x0  }
0x84: {  	[sflag:s15] =	ssyncadd.s32 $0xFFFFC000  }
0x85: {  	[tilespmem:s18], [sflag:$0x2] =	stream.indirect.gather [hbm4b:s4+s17], $0x80, s25, s17, $0xb8;
	[tilespmem:$0x1D000] =	vst v63  }
0x86: {  	_ =	swait.ge [sflag:s19], $0x4000  }
0x87: {  	[sflag:s19] =	ssyncset.done $0x0  }
0x88: {  	[sflag:s19] =	ssyncadd.s32 $0xFFFFC000  }
0x89: {  	[spmem:s2] =	stream.indirect.scatter.add.f32 [tilespmem:s14], [sflag:$0x3], $0x80, s26, s17, $0xb8;
	[tilespmem:$0x1D000] =	vst v63  }
0x8a: {  	_ =	swait.ge [sflag:s15], $0x4000  }
0x8b: {  	[sflag:s15] =	ssyncset.done $0x0  }
0x8c: {  	[sflag:s15] =	ssyncadd.s32 $0xFFFFC000  }
0x8d: {  	[tilespmem:s14], [sflag:$0x1] =	stream.indirect.gather [hbm4b:s4+s17], $0x80, s28, s17, $0xb8;
	[tilespmem:$0x1D000] =	vst v63  }
0x8e: {  	_ =	swait.ge [sflag:s21], $0x4000  }
0x8f: {  	[sflag:s21] =	ssyncset.done $0x0  }
0x90: {  	[sflag:s21] =	ssyncadd.s32 $0xFFFFC000  }
0x91: {  	[spmem:s2] =	stream.indirect.scatter.add.f32 [tilespmem:s18], [sflag:$0x3], $0x80, s29, s17, $0xb8;
	[tilespmem:$0x1D000] =	vst v63  }
0x92: {  	_ =	swait.ge [sflag:s15], $0x4000  }
0x93: {  	[sflag:s15] =	ssyncset.done $0x0  }
0x94: {  	[sflag:s15] =	ssyncadd.s32 $0xFFFFC000  }
0x95: {  	[tilespmem:s18], [sflag:$0x2] =	stream.indirect.gather [hbm4b:s4+s17], $0x80, s1, s17, $0xb8;
	[tilespmem:$0x1D000] =	vst v63  }
0x96: {  	_ =	swait.ge [sflag:s19], $0x4000  }
0x97: {  	[sflag:s19] =	ssyncset.done $0x0  }
0x98: {  	[sflag:s19] =	ssyncadd.s32 $0xFFFFC000  }
0x99: {  	[spmem:s2] =	stream.indirect.scatter.add.f32 [tilespmem:s14], [sflag:$0x3], $0x80, s6, s17, $0xb8;
	[tilespmem:$0x1D000] =	vst v63  }
0x9a: {  	_ =	swait.ge [sflag:s15], $0x4000  }
0x9b: {  	[sflag:s15] =	ssyncset.done $0x0  }
0x9c: {  	[sflag:s15] =	ssyncadd.s32 $0xFFFFC000  }
0x9d: {  	[tilespmem:s14], [sflag:$0x1] =	stream.indirect.gather [hbm4b:s4+s17], $0x80, s7, s17, $0xb8;
	[tilespmem:$0x1D000] =	vst v63  }
0x9e: {  	_ =	swait.ge [sflag:s21], $0x4000  }
0x9f: {  	[sflag:s21] =	ssyncset.done $0x0  }
0xa0: {  	[sflag:s21] =	ssyncadd.s32 $0xFFFFC000  }
0xa1: {  	[spmem:s2] =	stream.indirect.scatter.add.f32 [tilespmem:s18], [sflag:$0x3], $0x80, s8, s17, $0xb8;
	[tilespmem:$0x1D000] =	vst v63  }
0xa2: {  	_ =	swait.ge [sflag:s15], $0x4000  }
0xa3: {  	[sflag:s15] =	ssyncset.done $0x0  }
0xa4: {  	[sflag:s15] =	ssyncadd.s32 $0xFFFFC000  }
0xa5: {  	[tilespmem:s18], [sflag:$0x2] =	stream.indirect.gather [hbm4b:s4+s17], $0x80, s9, s17, $0xb8;
	[tilespmem:$0x1D000] =	vst v63  }
0xa6: {  	_ =	swait.ge [sflag:s19], $0x4000  }
0xa7: {  	[sflag:s19] =	ssyncset.done $0x0  }
0xa8: {  	[sflag:s19] =	ssyncadd.s32 $0xFFFFC000  }
0xa9: {  	[spmem:s2] =	stream.indirect.scatter.add.f32 [tilespmem:s14], [sflag:$0x3], $0x80, s10, s17, $0xb8;
	[tilespmem:$0x1D000] =	vst v63  }
0xaa: {  	_ =	swait.ge [sflag:s15], $0x4000  }
0xab: {  	[sflag:s15] =	ssyncset.done $0x0  }
0xac: {  	[sflag:s15] =	ssyncadd.s32 $0xFFFFC000  }
0xad: {  	[tilespmem:s14], [sflag:$0x1] =	stream.indirect.gather [hbm4b:s4+s17], $0x80, s11, s17, $0xb8;
	[tilespmem:$0x1D000] =	vst v63  }
0xae: {  	_ =	swait.ge [sflag:s21], $0x4000  }
0xaf: {  	[sflag:s21] =	ssyncset.done $0x0  }
0xb0: {  	[sflag:s21] =	ssyncadd.s32 $0xFFFFC000  }
0xb1: {  	[spmem:s2] =	stream.indirect.scatter.add.f32 [tilespmem:s18], [sflag:$0x3], $0x80, s12, s17, $0xb8;
	[tilespmem:$0x1D000] =	vst v63  }
0xb2: {  	_ =	swait.ge [sflag:s15], $0x4000  }
0xb3: {  	[sflag:s15] =	ssyncset.done $0x0  }
0xb4: {  	[sflag:s15] =	ssyncadd.s32 $0xFFFFC000  }
0xb5: {  	[tilespmem:s18], [sflag:$0x2] =	stream.indirect.gather [hbm4b:s4+s17], $0x80, s13, s17, $0xb8;
	[tilespmem:$0x1D000] =	vst v63  }
0xb6: {  	_ =	swait.ge [sflag:s19], $0x4000  }
0xb7: {  	[sflag:s19] =	ssyncset.done $0x0  }
0xb8: {  	[sflag:s19] =	ssyncadd.s32 $0xFFFFC000  }
0xb9: {  	[spmem:s2] =	stream.indirect.scatter.add.f32 [tilespmem:s14], [sflag:$0x3], $0x80, s5, s17, $0xb8;
	[tilespmem:$0x1D000] =	vst v63  }
0xba: {  	_ =	swait.ge [sflag:s15], $0x4000  }
0xbb: {  	[sflag:s15] =	ssyncset.done $0x0  }
0xbc: {  	[sflag:s15] =	ssyncadd.s32 $0xFFFFC000  }
0xbd: {  	p1 =	slt.u32 @!p0 s0, $0x8;
	_ =	swait.ge [sflag:s21], $0x4000  }
0xbe: {  	p1 =	por p0, !p1;
	[sflag:s21] =	ssyncset.done $0x0  }
.Ltmp1:
0xbf: {  	[sflag:s21] =	ssyncadd.s32 $0xFFFFC000;
	(pc) =	sbr.rel @!p1 .LBB2_4-.Ltmp1, $4  }
0xc0: {  	[spmem:s2] =	stream.indirect.scatter.add.f32 [tilespmem:s18], [sflag:$0x3], $0x80, s20, s17, $0xb8;
	[tilespmem:$0x1D000] =	vst v63  }
0xc1: {  	_ =	swait.ge [sflag:s15], $0x4000  }
0xc2: {  	s0 =	sadd.s32 $0x1, s0;
	[sflag:s15] =	ssyncset.done $0x0  }
0xc3: {  	s30 =	sadd.s32 $0x100, s30;
	s31 =	sadd.s32 $0x100, s31;
	[sflag:s15] =	ssyncadd.s32 $0xFFFFC000  }
0xc4: {  	s0 =	stileid.u32;
	[bflag:$0x0] =	sbarrier.arrive $0xFFFF  }
0xc5: {  	s0 =	sshll.u32 s0, $0x6;
	s1 =	rddreg [dreg:$0x3]  }
0xc6: {  	s30 =	rddreg [dreg:$0x4];
	s0 =	sor.u32 $0x1C03, s0;
	s1 =	sshrl.u32 s1, $0x3  }
0xc7: {  	[hbm:s30], [sflag:s0] =	dma.local [spmem:s1], $0x2800  }
0xc8: {  	_ =	swait.ge [sflag:s15], $0x2800  }
0xc9: {  	s30 =	rddreg [dreg:$0xc]  }
0xca: {  	s31 =	rddreg [dreg:$0x5];
	s1 =	sadd.s32 $0x1, s30  }
0xcb: {  	p1 =	sne.s32 s1, s31  }
.Ltmp2:
0xcc: {  	_ = 	snop;
	(pc) =	sbr.rel @p1 .LBB2_1-.Ltmp2, $3  }
0xcd: {  	_ =	sdelay $0x1  }
0xce: {  	[sflag:s15] =	ssyncset.done $0x0  }
0xcf: {  	[sflag:s15] =	ssyncadd.s32 $0xFFFFD800  }
0xd0: {  	_ =	sfence.sel $0x180000  }
0xd1: {  	[bflag:$0x0] =	sbarrier.arrive $0xFFFF  }
0xd2: {  	_ =	strace $0x9000004D  }
0xd3: {  	s0 =	stileid.u32;
	[bflag:$0x2] =	sbarrier.arrive $0xFFFF  }
0xd4: {  	p0 =	sne.s32 s0, $0x0;
	s0 =	rddreg [dreg:$0x2]  }
0xd5: {  	s0 =	sadd.s32 @!p0 $0x100000, s0  }
0xd6: {  	[sflag:s0] =	ssyncadd.tile.s32 @!p0 $0x1;
	_ =	shalt  }
.Lfunc_end2:
_tile_overlayer_lowered:
.L_overlay_start_2:
0xd7: {  	(tag) =	ssettag $0x2  }
0xd8: {  	s0 =	rddreg [dreg:$0x0];
	s2 =	stileid.u32  }
0xd9: {  	s1 =	rddreg [dreg:$0x1];
	p0 =	sne.s32 s2, $0x0  }
0xda: {  	s3 =	rddreg [dreg:$0x2];
	[bflag:$0x3] =	sbarrier.arrive $0xFFFF;
	s2 =	simm.s32 @!p0 $0x1C03  }
0xdb: {  	[timem:s3], [sflag:s2] =	dma.local @!p0 [hbm:s0], s1  }
0xdc: {  	s0 =	simm.s32 @!p0 $0x3  }
0xdd: {  	_ =	swait.ge @!p0 [sflag:s0], s1  }
0xde: {  	s1 =	ssub.s32 @!p0 $0x0, s1;
	[sflag:s0] =	ssyncset.done @!p0 $0x0  }
0xdf: {  	[sflag:s0] =	ssyncadd.s32 @!p0 s1  }
0xe0: {  	[bflag:$0x3] =	sbarrier.arrive $0xFFFF  }
0xe1: {  	_ =	shalt  }

// kernel: kernel.9.cloned.1.call-start
scs
__scs_entry_jumppad:
0x0: {  	(pc) =	sbr.rel $0x88, $3  }
0x1: {  	(tag) =	ssettag $0x0;
	lr =	simm.s32 $0x1  }
0x2: {  	[smem:$0x3F95] =	sst lr;
	_ =	strace $0xD0000000  }
0x3: {  	_ = 	snop  }
0x4: {  	_ = 	snop  }
0x5: {  	_ = 	snop  }
0x6: {  	_ = 	snop  }
0x7: {  	_ = 	snop  }
__scs_overlays_trampoline_lowered:
0x8: {  	[smem:$0x3FA4] =	sst s0  }
0x9: {  	[smem:$0x3FA5] =	sst s1  }
0xa: {  	[smem:$0x3FA6] =	sst s2  }
0xb: {  	[smem:$0x3FA7] =	sst s3  }
0xc: {  	[smem:$0x3FA8] =	sst s4  }
0xd: {  	[smem:$0x3FA9] =	sst s5  }
0xe: {  	[smem:$0x3FAA] =	sst s6  }
0xf: {  	[smem:$0x3FAB] =	sst s7  }
0x10: {  	[smem:$0x3FAC] =	sst s8  }
0x11: {  	[smem:$0x3FAD] =	sst s9;
	s0 =	simm.s32 @!p0 $0x0  }
0x12: {  	s1 =	sld [smem:$0x3F93];
	s0 =	simm.s32 @p0 $0x1  }
0x13: {  	[smem:$0x3FAE] =	sst s0;
	s0 =	simm.s32 @!p1 $0x0  }
0x14: {  	s2 =	sld [smem:$0x3F92];
	s0 =	simm.s32 @p1 $0x1  }
0x15: {  	[smem:$0x3FAF] =	sst s0;
	s0 =	simm.s32 @!p2 $0x0  }
0x16: {  	s3 =	sld [smem:$0x3FDB];
	s0 =	simm.s32 @p2 $0x1  }
0x17: {  	s4 =	simm.s32 $0x1BF5;
	[smem:$0x3FB1] =	sst s0  }
0x18: {  	s0 =	sld [smem:$0x3F94];
	_ =	swait.ge [sflag:s4], $0x0  }
0x19: {  	s7 =	sld [smem:$0x3F95]  }
0x1a: {  	s8 =	sadd.s32 $0xFFFFE003, lr  }
0x1b: {  	s9 =	sadd.s32 $0xFFFFFEF7, lr;
	s5 =	simm.s32 $0xFFFFFFFF;
	p2 =	slt.u32 s8, $0xFFFFF086  }
0x1c: {  	p1 =	slt.u32 s9, $0xF7A;
	s5 =	simm.s32 @!p2 $0x0  }
0x1d: {  	s5 =	simm.s32 @p1 $0x1;
	p0 =	seq.s32 s7, s2  }
0x1e: {  	s7 =	smul.u32 @!p0 $0xF7A, s2;
	p2 =	seq.s32 @!p0 s5, $0x0  }
0x1f: {  	s9 =	smul.u32 $0xF7A, s1;
	s8 =	simm.s32 @!p0 $0x1BF5;
	p2 =	por !p2, p0  }
0x20: {  	[sflag:s8] =	ssyncset.s32 @!p0 $0xFFFFF086;
	s6 =	sadd.s32 @!p0 s3, s7;
	s7 =	simm.s32 @!p0 $0x108  }
0x21: {  	s3 =	sadd.s32 s3, s9;
	s6 =	sadd.s32 @!p0 $0x88, s6;
	s7 =	simm.s32 @p2 $0x1082  }
0x22: {  	[simem:s7], [sflag:s8] =	dma.local @!p0 [hbm:s6], $0xF7A  }
0x23: {  	s9 =	sor.u32 $0xD0000000, s2;
	s6 =	simm.s32 $0x108;
	_ =	swait.ge @!p0 [sflag:s8], $0x0  }
0x24: {  	s3 =	sadd.s32 $0x88, s3;
	s6 =	simm.s32 @!p1 $0x1082;
	[sflag:s4] =	ssyncset.s32 $0xFFFFF086  }
0x25: {  	[simem:s6], [sflag:s4] =	dma.local [hbm:s3], $0xF7A  }
0x26: {  	[smem:$0x3F95] =	sst s1;
	(tag) =	ssettag s2;
	_ =	strace s9  }
0x27: {  	s1 =	sld [smem:$0x3FA5]  }
0x28: {  	s2 =	sld [smem:$0x3FA6]  }
0x29: {  	s4 =	sld [smem:$0x3FA8]  }
0x2a: {  	p0 =	seq.s32 s5, $0x0;
	s5 =	sld [smem:$0x3FA9]  }
0x2b: {  	s6 =	sld [smem:$0x3FAA]  }
0x2c: {  	s7 =	sld [smem:$0x3FAB]  }
0x2d: {  	s3 =	simm.s32 $0x108;
	s8 =	sld [smem:$0x3FAC]  }
0x2e: {  	s3 =	simm.s32 @!p0 $0x1082;
	s9 =	sld [smem:$0x3FAD]  }
0x2f: {  	lr =	sadd.s32 s0, s3;
	s0 =	sld [smem:$0x3FA4]  }
0x30: {  	s3 =	sld [smem:$0x3FA7]  }
0x31: {  	[smem:$0x3FB0] =	sst s10  }
0x32: {  	s10 =	sld [smem:$0x3FAE];
	_ =	sdelay $0x3  }
0x33: {  	p0 =	seq.s32 s10, $0x1;
	s10 =	sld [smem:$0x3FB0];
	_ =	sdelay $0x3  }
0x34: {  	[smem:$0x3FB0] =	sst s10  }
0x35: {  	s10 =	sld [smem:$0x3FAF];
	_ =	sdelay $0x3  }
0x36: {  	p1 =	seq.s32 s10, $0x1;
	s10 =	sld [smem:$0x3FB0];
	_ =	sdelay $0x3  }
0x37: {  	[smem:$0x3FB0] =	sst s10  }
0x38: {  	s10 =	sld [smem:$0x3FB1]  }
0x39: {  	_ = 	snop;
	(pc) =	sbr.ind lr, $3  }
0x3a: {  	_ = 	snop  }
0x3b: {  	_ = 	snop  }
0x3c: {  	p2 =	seq.s32 s10, $0x1;
	s10 =	sld [smem:$0x3FB0]  }
0x3d: {  	_ =	shalt  }
0x3e: {  	_ =	shalt  }
0x3f: {  	_ =	shalt  }
0x40: {  	_ =	shalt  }
0x41: {  	_ =	shalt  }
0x42: {  	_ =	shalt  }
0x43: {  	_ =	shalt  }
0x44: {  	_ =	shalt  }
0x45: {  	_ =	shalt  }
0x46: {  	_ =	shalt  }
0x47: {  	_ =	shalt  }
0x48: {  	_ =	shalt  }
0x49: {  	_ =	shalt  }
0x4a: {  	_ =	shalt  }
0x4b: {  	_ =	shalt  }
0x4c: {  	_ =	shalt  }
0x4d: {  	_ =	shalt  }
0x4e: {  	_ =	shalt  }
0x4f: {  	_ =	shalt  }
0x50: {  	_ =	shalt  }
0x51: {  	_ =	shalt  }
0x52: {  	_ =	shalt  }
0x53: {  	_ =	shalt  }
0x54: {  	_ =	shalt  }
0x55: {  	_ =	shalt  }
0x56: {  	_ =	shalt  }
0x57: {  	_ =	shalt  }
0x58: {  	_ =	shalt  }
0x59: {  	_ =	shalt  }
0x5a: {  	_ =	shalt  }
0x5b: {  	_ =	shalt  }
0x5c: {  	_ =	shalt  }
0x5d: {  	_ =	shalt  }
0x5e: {  	_ =	shalt  }
0x5f: {  	_ =	shalt  }
0x60: {  	_ =	shalt  }
0x61: {  	_ =	shalt  }
0x62: {  	_ =	shalt  }
0x63: {  	_ =	shalt  }
0x64: {  	_ =	shalt  }
0x65: {  	_ =	shalt  }
0x66: {  	_ =	shalt  }
0x67: {  	_ =	shalt  }
0x68: {  	_ =	shalt  }
0x69: {  	_ =	shalt  }
0x6a: {  	_ =	shalt  }
0x6b: {  	_ =	shalt  }
0x6c: {  	_ =	shalt  }
0x6d: {  	_ =	shalt  }
0x6e: {  	_ =	shalt  }
0x6f: {  	_ =	shalt  }
0x70: {  	_ =	shalt  }
0x71: {  	_ =	shalt  }
0x72: {  	_ =	shalt  }
0x73: {  	_ =	shalt  }
0x74: {  	_ =	shalt  }
0x75: {  	_ =	shalt  }
0x76: {  	_ =	shalt  }
0x77: {  	_ =	shalt  }
0x78: {  	_ =	shalt  }
0x79: {  	_ =	shalt  }
0x7a: {  	_ =	shalt  }
0x7b: {  	_ =	shalt  }
0x7c: {  	_ =	shalt  }
0x7d: {  	_ =	shalt  }
0x7e: {  	_ =	shalt  }
0x7f: {  	_ =	shalt  }
0x80: {  	_ =	shalt  }
0x81: {  	_ =	shalt  }
0x82: {  	_ =	shalt  }
0x83: {  	_ =	shalt  }
0x84: {  	_ =	shalt  }
0x85: {  	_ =	shalt  }
0x86: {  	_ =	shalt  }
0x87: {  	_ =	shalt  }
.Lfunc_end0:
.L_simem_size_0:
called_computation_lowered:
.L_overlay_start_0:
0x88: {  	s2 =	sld [smem:$0x3FD9]  }
0x89: {  	s3 =	sld [smem:$0x3FFE];
	_ =	sdelay $0x1  }
0x8a: {  	s1 =	srdreg.scid  }
0x8b: {  	s0 =	sand.u32 $0x1, s1  }
0x8c: {  	s16 =	sshll.u32 s0, $0xA;
	s2 =	sadd.s32 s3, s2  }
0x8d: {  	s2 =	sadd.s32 s2, s16  }
0x8e: {  	[smem:$0x3FBC] =	sst s2  }
0x8f: {  	_ = 	snop  }
0x90: {  	(tm) =	ssettm $0x1  }
0x91: {  	s17 =	sld [smem:$0x3FFB];
	_ =	sdelay $0x3  }
0x92: {  	_ =	strace s17  }
0x93: {  	s2 =	sld [smem:$0x3FFC];
	_ =	sdelay $0x3  }
0x94: {  	_ =	strace s2  }
0x95: {  	s2 =	sld [smem:$0x3FFD];
	_ =	sdelay $0x3  }
0x96: {  	_ =	strace s2  }
0x97: {  	_ =	strace $0x8FFFFFFF  }
0x98: {  	s18 =	sld [smem:$0x3FDB];
	_ =	sdelay $0x1  }
0x99: {  	s19 =	simm.s32 $_scs_section_size  }
0x9a: {  	s4 =	simm.s32 $_size__tile_overlayer_lowered;
	s5 =	simm.s32 $_tile_overlayer_lowered  }
0x9b: {  	s22 =	simm.s32 $0x1BFF;
	s21 =	sshll.u32 s5, $0x1;
	s2 =	sadd.s32 s19, s18  }
0x9c: {  	s6 =	simm.s32 $0x0;
	s20 =	sshll.u32 s4, $0x1;
	s4 =	sadd.s32 s21, s2  }
0x9d: {  	[timem:s6], [sflag:s22] =	dma.local [hbm:s4], s20  }
0x9e: {  	_ =	swait.ge [sflag:s22], s20  }
0x9f: {  	s3 =	ssub.s32 $0x0, s20;
	[sflag:s22] =	ssyncset.done $0x0  }
0xa0: {  	[sflag:s22] =	ssyncadd.s32 s3;
	_ =	sdelay $0x1  }
0xa1: {  	s23 =	simm.s32 $0x1B8B  }
0xa2: {  	_ =	swait.ge [sflag:s23], $0x1  }
0xa3: {  	[sflag:s23] =	ssyncset.done $0x0  }
0xa4: {  	s25 =	simm.s32 $0x1B8E;
	s24 =	sld [smem:$0x3FFE];
	[sflag:s23] =	ssyncadd.s32 $0xFFFFFFFF  }
0xa5: {  	s26 =	simm.s32 $execute0_lowered;
	[smem:$0x3FD2] =	sst s25  }
0xa6: {  	s4 =	sshll.u32 s26, $0x1;
	_ =	strace $0x80000046;
	[dreg:$0x1] =	wrdreg $0xFFFFFFFF  }
0xa7: {  	s28 =	simm.s32 $_size_execute0_lowered;
	s2 =	sadd.s32 s2, s4;
	[dreg:$0x0] =	wrdreg $0x0  }
0xa8: {  	s4 =	sshll.u32 s28, $0x1;
	[dreg:$0x2] =	wrdreg s2  }
0xa9: {  	[dreg:$0x3] =	wrdreg s4  }
0xaa: {  	[dreg:$0x4] =	wrdreg $0xC0  }
0xab: {  	_ =	task [dreg:s6], $0x5FFFF  }
0xac: {  	[dreg:$0x1] =	wrdreg $0xFFFFFFFF  }
0xad: {  	[dreg:$0x0] =	wrdreg $0x60  }
0xae: {  	[dreg:$0x2] =	wrdreg s24  }
0xaf: {  	[dreg:$0x3] =	wrdreg $0x90000  }
0xb0: {  	[dreg:$0x4] =	wrdreg $0x9  }
0xb1: {  	_ =	task.clear_ibuf [dreg:s6], $0x5FFFF;
	_ =	strace $0x90000046  }
0xb2: {  	s29 =	simm.s32 $0x9;
	_ =	strace $0x80000048  }
0xb3: {  	_ =	swait.ge [sflag:s29], $0x1  }
0xb4: {  	[sflag:s29] =	ssyncadd.s32 $0xFFFFFFFF  }
0xb5: {  	_ =	strace $0x90000048  }
0xb6: {  	_ =	sfence  }
0xb7: {  	s30 =	sld [smem:$0x0];
	_ =	sdelay $0x2  }
0xb8: {  	s31 =	sshll.u32 s1, $0xD;
	s1 =	sshrl.u32 s1, $0x2  }
0xb9: {  	s3 =	sand.u32 $0x4000, s31;
	s1 =	sadd.s32 s1, s30  }
0xba: {  	s0 =	sor.u32 s3, s0;
	s1 =	sshll.u32 s1, $0x11  }
0xbb: {  	s0 =	sor.u32 s1, s0  }
0xbc: {  	s0 =	sadd.s32 $0x8F2B, s0  }
0xbd: {  	[sflag:s0] =	ssyncadd.remote.s32 $0x1  }
0xbe: {  	_ =	sfence.sel $0xFFFF  }
0xbf: {  	[dreg:$0x0] =	wrdreg $0xFFFFFFFF;
	(pc) =	sbr.abs _section_cstart, $3  }
0xc0: {  	[dreg:$0x1] =	wrdreg $0xFFFFFFFF  }
0xc1: {  	_ =	task.clear_ibuf [dreg:s6], $0x2FFFF;
	_ =	strace $0x9FFFFFFF  }
0xc2: {  	(tm) =	ssettm $0x7FFFFFFF  }
0xc3: {  	_ =	shalt  }
tec
execute0_lowered:
.L_overlay_start_1:
0x0: {  	(tag) =	ssettag $0x1  }
0x1: {  	s0 =	rddreg [dreg:$0x0]  }
0x2: {  	s2 =	rddreg [dreg:$0x1];
	s1 =	srdreg.scid  }
0x3: {  	s9 =	stileid.u32;
	s3 =	simm.s32 $0x0;
	s14 =	simm.s32 $0x1000  }
0x4: {  	s15 =	simm.s32 $0x3;
	s16 =	simm.s32 $0x800;
	s17 =	simm.s32 $0x80  }
0x5: {  	s18 =	simm.s32 $0x5000;
	s28 =	simm.s32 $0x500;
	s29 =	simm.s32 $0xC80  }
0x6: {  	s10 =	simm.s32 $0xE00;
	s11 =	simm.s32 $0x700;
	s5 =	smul.u32 $0x90, s9  }
0x7: {  	s12 =	simm.s32 $0xE80;
	s13 =	simm.s32 $0x780;
	s8 =	smul.u32 $0x14000, s9  }
0x8: {  	s1 =	sand.u32 $0x1, s1;
	[smem:$0x7FF] =	sst s3;
	s19 =	smul.u32 $0x50000, s9  }
0x9: {  	s4 =	sshll.u32 s9, $0x4;
	s9 =	simm.s32 $0x680;
	s6 =	smul.u32 $0x140000, s1  }
0xa: {  	p0 =	seq.s32 s1, $0x0;
	s7 =	sor.u32 $0x900, s4;
	_ =	strace $0x80000047  }
0xb: {  	s4 =	sadd.s32 $0x8C400, s0;
	s20 =	ssub.s32 $0x2, s1;
	s7 =	smov.u32 @p0 s5  }
0xc: {  	s21 =	sshrl.u32 s20, $0x1;
	p0 =	sne.s32 s1, $0x0;
	s1 =	simm.s32 $0x0  }
0xd: {  	s5 =	sshll.u32 s7, $0x4;
	s6 =	sadd.s32 s8, s6;
	s7 =	sshrl.u32 s19, $0x2  }
0xe: {  	s19 =	simm.s32 $0x1;
	s8 =	simm.s32 $0xD80;
	s6 =	sshrl.u32 s6, $0x3  }
0xf: {  	s5 =	sadd.s32 s5, s0;
	s7 =	sadd.s32 s7, s2;
	s0 =	sadd.s32 s6, s0  }
0x10: {  	s6 =	ssub.s32 s20, s21;
	s23 =	sadd.s32 $0x4000, s7;
	[dreg:$0x3] =	wrdreg s7  }
0x11: {  	s24 =	sadd.s32 $0x8000, s7;
	s25 =	sadd.s32 $0xC000, s7;
	[dreg:$0x6] =	wrdreg s23  }
0x12: {  	s26 =	sadd.s32 $0x10000, s7;
	s30 =	sadd.s32 $0x3000, s5;
	[dreg:$0x7] =	wrdreg s24  }
0x13: {  	s31 =	sadd.s32 $0xD000, s5;
	s21 =	simm.s32 $0x2;
	[dreg:$0x8] =	wrdreg s25  }
0x14: {  	s7 =	simm.s32 $0x600;
	s5 =	simm.s32 $0xF00;
	[dreg:$0x9] =	wrdreg s26  }
0x15: {  	s20 =	simm.s32 $0xF80;
	s0 =	sadd.s32 $0xB3600, s0;
	[dreg:$0xa] =	wrdreg s30  }
0x16: {  	s22 =	smax.u32 s6, $0x1;
	[dreg:$0xb] =	wrdreg s31;
	s23 =	simm.s32 $0x400  }
0x17: {  	s24 =	simm.s32 $0xB80;
	s25 =	simm.s32 $0x480;
	[dreg:$0x4] =	wrdreg s0  }
0x18: {  	v0 =	vimm.f32 $0.0e+00;
	s26 =	simm.s32 $0xC00;
	s6 =	simm.s32 $0xD00;
	[dreg:$0x5] =	wrdreg s22  }
.LBB2_1:
0x19: {  	s0 =	sand.u32 $0xFE00, s3  }
0x1a: {  	[dreg:$0xc] =	wrdreg s1;
	s30 =	sand.u32 $0x70, s3;
	s31 =	sshrl.u32 s0, $0x2  }
0x1b: {  	s0 =	simm.s32 $0x40;
	s31 =	sor.u32 s30, s31;
	s30 =	simm.s32 $0x0  }
.LBB2_2:
0x1c: {  	p1 =	sne.s32 s0, $0xFFC0  }
0x1d: {  	[tilespmem:s31+$0x1000] =	vst v0;
	s30 =	sadd.s32 $0x10, s30;
	s31 =	smov.u32 s0;
	s0 =	sadd.s32 $0x40, s0  }
.Ltmp0:
0x1e: {  	(pc) =	sbr.rel @p1 .LBB2_2-.Ltmp0, $4  }
0x1f: {  	_ = 	snop  }
0x20: {  	s31 =	sand.u32 $0xFE00, s31  }
0x21: {  	s1 =	sand.u32 $0x70, s30;
	s31 =	sshrl.u32 s31, $0x2  }
0x22: {  	s31 =	sor.u32 s1, s31  }
0x23: {  	[tilespmem:s31+$0x1000] =	vst v0;
	s0 =	rddreg [dreg:$0x3]  }
0x24: {  	[spmem:s0] =	stream.linear.scatter [tilespmem:s14], [sflag:$0x3], $0x4000, $0x38;
	[tilespmem:$0x1D000] =	vst v63  }
0x25: {  	_ =	swait.ge [sflag:s15], $0x4000  }
0x26: {  	[sflag:s15] =	ssyncset.done $0x0  }
0x27: {  	s1 =	rddreg [dreg:$0x6];
	[sflag:s15] =	ssyncadd.s32 $0xFFFFC000  }
0x28: {  	[spmem:s1] =	stream.linear.scatter [tilespmem:s14], [sflag:$0x3], $0x4000, $0x38;
	[tilespmem:$0x1D000] =	vst v63  }
0x29: {  	_ =	swait.ge [sflag:s15], $0x4000  }
0x2a: {  	[sflag:s15] =	ssyncset.done $0x0  }
0x2b: {  	s22 =	rddreg [dreg:$0x7];
	[sflag:s15] =	ssyncadd.s32 $0xFFFFC000  }
0x2c: {  	[spmem:s22] =	stream.linear.scatter [tilespmem:s14], [sflag:$0x3], $0x4000, $0x38;
	[tilespmem:$0x1D000] =	vst v63  }
0x2d: {  	_ =	swait.ge [sflag:s15], $0x4000  }
0x2e: {  	[sflag:s15] =	ssyncset.done $0x0  }
0x2f: {  	s1 =	rddreg [dreg:$0x8];
	[sflag:s15] =	ssyncadd.s32 $0xFFFFC000  }
0x30: {  	[spmem:s1] =	stream.linear.scatter [tilespmem:s14], [sflag:$0x3], $0x4000, $0x38;
	[tilespmem:$0x1D000] =	vst v63  }
0x31: {  	_ =	swait.ge [sflag:s15], $0x4000  }
0x32: {  	[sflag:s15] =	ssyncset.done $0x0  }
0x33: {  	s22 =	rddreg [dreg:$0x9];
	[sflag:s15] =	ssyncadd.s32 $0xFFFFC000  }
0x34: {  	[spmem:s22] =	stream.linear.scatter [tilespmem:s14], [sflag:$0x3], $0x4000, $0x38;
	[tilespmem:$0x1D000] =	vst v63  }
0x35: {  	_ =	swait.ge [sflag:s15], $0x4000  }
0x36: {  	[sflag:s15] =	ssyncset.done $0x0  }
0x37: {  	[sflag:s15] =	ssyncadd.s32 $0xFFFFC000  }
0x38: {  	[bflag:$0x0] =	sbarrier.arrive $0xFFFF  }
0x39: {  	s30 =	rddreg [dreg:$0xb]  }
0x3a: {  	s0 =	simm.s32 $0x0;
	s1 =	simm.s32 $0x580;
	s31 =	rddreg [dreg:$0xa]  }
.LBB2_4:
0x3b: {  	[tilespmem:s3], [sflag:$0x3] =	stream.linear.gather [hbm4b:s30+s3], $0x800, $0x38;
	[tilespmem:$0x1D000] =	vst v63  }
0x3c: {  	_ =	swait.ge [sflag:s15], $0x800  }
0x3d: {  	[sflag:s15] =	ssyncset.done $0x0  }
0x3e: {  	[sflag:s15] =	ssyncadd.s32 $0xFFFFF800  }
0x3f: {  	[tilespmem:s16], [sflag:$0x3] =	stream.linear.gather [hbm4b:s31+s3], $0x800, $0x38;
	[tilespmem:$0x1D000] =	vst v63  }
0x40: {  	_ =	swait.ge [sflag:s15], $0x800  }
0x41: {  	[sflag:s15] =	ssyncset.done $0x0  }
0x42: {  	[sflag:s15] =	ssyncadd.s32 $0xFFFFF800  }
0x43: {  	[tilespmem:s14], [sflag:$0x1] =	stream.indirect.gather [hbm4b:s4+s17], $0x80, s3, s17, $0xb8;
	[tilespmem:$0x1D000] =	vst v63  }
0x44: {  	_ = 	snop  }
0x45: {  	[tilespmem:s18], [sflag:$0x2] =	stream.indirect.gather [hbm4b:s4+s17], $0x80, s17, s17, $0xb8;
	[tilespmem:$0x1D000] =	vst v63  }
0x46: {  	_ =	swait.ge [sflag:s19], $0x4000  }
0x47: {  	[sflag:s19] =	ssyncset.done $0x0  }
0x48: {  	[sflag:s19] =	ssyncadd.s32 $0xFFFFC000  }
0x49: {  	[spmem:s2] =	stream.indirect.scatter.add.f32 [tilespmem:s14], [sflag:$0x3], $0x80, s16, s17, $0xb8;
	[tilespmem:$0x1D000] =	vst v63  }
0x4a: {  	_ =	swait.ge [sflag:s15], $0x4000  }
0x4b: {  	[sflag:s15] =	ssyncset.done $0x0  }
0x4c: {  	s22 =	simm.s32 $0x100;
	[sflag:s15] =	ssyncadd.s32 $0xFFFFC000  }
0x4d: {  	[tilespmem:s14], [sflag:$0x1] =	stream.indirect.gather [hbm4b:s4+s17], $0x80, s22, s17, $0xb8;
	[tilespmem:$0x1D000] =	vst v63  }
0x4e: {  	_ =	swait.ge [sflag:s21], $0x4000  }
0x4f: {  	[sflag:s21] =	ssyncset.done $0x0  }
0x50: {  	s22 =	simm.s32 $0x880;
	[sflag:s21] =	ssyncadd.s32 $0xFFFFC000  }
0x51: {  	[spmem:s2] =	stream.indirect.scatter.add.f32 [tilespmem:s18], [sflag:$0x3], $0x80, s22, s17, $0xb8;
	[tilespmem:$0x1D000] =	vst v63  }
0x52: {  	_ =	swait.ge [sflag:s15], $0x4000  }
0x53: {  	[sflag:s15] =	ssyncset.done $0x0  }
0x54: {  	s22 =	simm.s32 $0x180;
	[sflag:s15] =	ssyncadd.s32 $0xFFFFC000  }
0x55: {  	[tilespmem:s18], [sflag:$0x2] =	stream.indirect.gather [hbm4b:s4+s17], $0x80, s22, s17, $0xb8;
	[tilespmem:$0x1D000] =	vst v63  }
0x56: {  	_ =	swait.ge [sflag:s19], $0x4000  }
0x57: {  	[sflag:s19] =	ssyncset.done $0x0  }
0x58: {  	s22 =	simm.s32 $0x900;
	[sflag:s19] =	ssyncadd.s32 $0xFFFFC000  }
0x59: {  	[spmem:s2] =	stream.indirect.scatter.add.f32 [tilespmem:s14], [sflag:$0x3], $0x80, s22, s17, $0xb8;
	[tilespmem:$0x1D000] =	vst v63  }
0x5a: {  	_ =	swait.ge [sflag:s15], $0x4000  }
0x5b: {  	[sflag:s15] =	ssyncset.done $0x0  }
0x5c: {  	s22 =	simm.s32 $0x200;
	[sflag:s15] =	ssyncadd.s32 $0xFFFFC000  }
0x5d: {  	[tilespmem:s14], [sflag:$0x1] =	stream.indirect.gather [hbm4b:s4+s17], $0x80, s22, s17, $0xb8;
	[tilespmem:$0x1D000] =	vst v63  }
0x5e: {  	_ =	swait.ge [sflag:s21], $0x4000  }
0x5f: {  	[sflag:s21] =	ssyncset.done $0x0  }
0x60: {  	s22 =	simm.s32 $0x980;
	[sflag:s21] =	ssyncadd.s32 $0xFFFFC000  }
0x61: {  	[spmem:s2] =	stream.indirect.scatter.add.f32 [tilespmem:s18], [sflag:$0x3], $0x80, s22, s17, $0xb8;
	[tilespmem:$0x1D000] =	vst v63  }
0x62: {  	_ =	swait.ge [sflag:s15], $0x4000  }
0x63: {  	[sflag:s15] =	ssyncset.done $0x0  }
0x64: {  	s22 =	simm.s32 $0x280;
	[sflag:s15] =	ssyncadd.s32 $0xFFFFC000  }
0x65: {  	[tilespmem:s18], [sflag:$0x2] =	stream.indirect.gather [hbm4b:s4+s17], $0x80, s22, s17, $0xb8;
	[tilespmem:$0x1D000] =	vst v63  }
0x66: {  	_ =	swait.ge [sflag:s19], $0x4000  }
0x67: {  	[sflag:s19] =	ssyncset.done $0x0  }
0x68: {  	s22 =	simm.s32 $0xA00;
	[sflag:s19] =	ssyncadd.s32 $0xFFFFC000  }
0x69: {  	[spmem:s2] =	stream.indirect.scatter.add.f32 [tilespmem:s14], [sflag:$0x3], $0x80, s22, s17, $0xb8;
	[tilespmem:$0x1D000] =	vst v63  }
0x6a: {  	_ =	swait.ge [sflag:s15], $0x4000  }
0x6b: {  	[sflag:s15] =	ssyncset.done $0x0  }
0x6c: {  	s22 =	simm.s32 $0x300;
	[sflag:s15] =	ssyncadd.s32 $0xFFFFC000  }
0x6d: {  	[tilespmem:s14], [sflag:$0x1] =	stream.indirect.gather [hbm4b:s4+s17], $0x80, s22, s17, $0xb8;
	[tilespmem:$0x1D000] =	vst v63  }
0x6e: {  	_ =	swait.ge [sflag:s21], $0x4000  }
0x6f: {  	[sflag:s21] =	ssyncset.done $0x0  }
0x70: {  	s22 =	simm.s32 $0xA80;
	[sflag:s21] =	ssyncadd.s32 $0xFFFFC000  }
0x71: {  	[spmem:s2] =	stream.indirect.scatter.add.f32 [tilespmem:s18], [sflag:$0x3], $0x80, s22, s17, $0xb8;
	[tilespmem:$0x1D000] =	vst v63  }
0x72: {  	_ =	swait.ge [sflag:s15], $0x4000  }
0x73: {  	[sflag:s15] =	ssyncset.done $0x0  }
0x74: {  	s22 =	simm.s32 $0x380;
	[sflag:s15] =	ssyncadd.s32 $0xFFFFC000  }
0x75: {  	[tilespmem:s18], [sflag:$0x2] =	stream.indirect.gather [hbm4b:s4+s17], $0x80, s22, s17, $0xb8;
	[tilespmem:$0x1D000] =	vst v63  }
0x76: {  	_ =	swait.ge [sflag:s19], $0x4000  }
0x77: {  	[sflag:s19] =	ssyncset.done $0x0  }
0x78: {  	s22 =	simm.s32 $0xB00;
	[sflag:s19] =	ssyncadd.s32 $0xFFFFC000  }
0x79: {  	[spmem:s2] =	stream.indirect.scatter.add.f32 [tilespmem:s14], [sflag:$0x3], $0x80, s22, s17, $0xb8;
	[tilespmem:$0x1D000] =	vst v63  }
0x7a: {  	_ =	swait.ge [sflag:s15], $0x4000  }
0x7b: {  	[sflag:s15] =	ssyncset.done $0x0  }
0x7c: {  	[sflag:s15] =	ssyncadd.s32 $0xFFFFC000  }
0x7d: {  	[tilespmem:s14], [sflag:$0x1] =	stream.indirect.gather [hbm4b:s4+s17], $0x80, s23, s17, $0xb8;
	[tilespmem:$0x1D000] =	vst v63  }
0x7e: {  	_ =	swait.ge [sflag:s21], $0x4000  }
0x7f: {  	[sflag:s21] =	ssyncset.done $0x0  }
0x80: {  	[sflag:s21] =	ssyncadd.s32 $0xFFFFC000  }
0x81: {  	[spmem:s2] =	stream.indirect.scatter.add.f32 [tilespmem:s18], [sflag:$0x3], $0x80, s24, s17, $0xb8;
	[tilespmem:$0x1D000] =	vst v63  }
0x82: {  	_ =	swait.ge [sflag:s15], $0x4000  }
0x83: {  	[sflag:s15] =	ssyncset.done $0x0  }
0x84: {  	[sflag:s15] =	ssyncadd.s32 $0xFFFFC000  }
0x85: {  	[tilespmem:s18], [sflag:$0x2] =	stream.indirect.gather [hbm4b:s4+s17], $0x80, s25, s17, $0xb8;
	[tilespmem:$0x1D000] =	vst v63  }
0x86: {  	_ =	swait.ge [sflag:s19], $0x4000  }
0x87: {  	[sflag:s19] =	ssyncset.done $0x0  }
0x88: {  	[sflag:s19] =	ssyncadd.s32 $0xFFFFC000  }
0x89: {  	[spmem:s2] =	stream.indirect.scatter.add.f32 [tilespmem:s14], [sflag:$0x3], $0x80, s26, s17, $0xb8;
	[tilespmem:$0x1D000] =	vst v63  }
0x8a: {  	_ =	swait.ge [sflag:s15], $0x4000  }
0x8b: {  	[sflag:s15] =	ssyncset.done $0x0  }
0x8c: {  	[sflag:s15] =	ssyncadd.s32 $0xFFFFC000  }
0x8d: {  	[tilespmem:s14], [sflag:$0x1] =	stream.indirect.gather [hbm4b:s4+s17], $0x80, s28, s17, $0xb8;
	[tilespmem:$0x1D000] =	vst v63  }
0x8e: {  	_ =	swait.ge [sflag:s21], $0x4000  }
0x8f: {  	[sflag:s21] =	ssyncset.done $0x0  }
0x90: {  	[sflag:s21] =	ssyncadd.s32 $0xFFFFC000  }
0x91: {  	[spmem:s2] =	stream.indirect.scatter.add.f32 [tilespmem:s18], [sflag:$0x3], $0x80, s29, s17, $0xb8;
	[tilespmem:$0x1D000] =	vst v63  }
0x92: {  	_ =	swait.ge [sflag:s15], $0x4000  }
0x93: {  	[sflag:s15] =	ssyncset.done $0x0  }
0x94: {  	[sflag:s15] =	ssyncadd.s32 $0xFFFFC000  }
0x95: {  	[tilespmem:s18], [sflag:$0x2] =	stream.indirect.gather [hbm4b:s4+s17], $0x80, s1, s17, $0xb8;
	[tilespmem:$0x1D000] =	vst v63  }
0x96: {  	_ =	swait.ge [sflag:s19], $0x4000  }
0x97: {  	[sflag:s19] =	ssyncset.done $0x0  }
0x98: {  	[sflag:s19] =	ssyncadd.s32 $0xFFFFC000  }
0x99: {  	[spmem:s2] =	stream.indirect.scatter.add.f32 [tilespmem:s14], [sflag:$0x3], $0x80, s6, s17, $0xb8;
	[tilespmem:$0x1D000] =	vst v63  }
0x9a: {  	_ =	swait.ge [sflag:s15], $0x4000  }
0x9b: {  	[sflag:s15] =	ssyncset.done $0x0  }
0x9c: {  	[sflag:s15] =	ssyncadd.s32 $0xFFFFC000  }
0x9d: {  	[tilespmem:s14], [sflag:$0x1] =	stream.indirect.gather [hbm4b:s4+s17], $0x80, s7, s17, $0xb8;
	[tilespmem:$0x1D000] =	vst v63  }
0x9e: {  	_ =	swait.ge [sflag:s21], $0x4000  }
0x9f: {  	[sflag:s21] =	ssyncset.done $0x0  }
0xa0: {  	[sflag:s21] =	ssyncadd.s32 $0xFFFFC000  }
0xa1: {  	[spmem:s2] =	stream.indirect.scatter.add.f32 [tilespmem:s18], [sflag:$0x3], $0x80, s8, s17, $0xb8;
	[tilespmem:$0x1D000] =	vst v63  }
0xa2: {  	_ =	swait.ge [sflag:s15], $0x4000  }
0xa3: {  	[sflag:s15] =	ssyncset.done $0x0  }
0xa4: {  	[sflag:s15] =	ssyncadd.s32 $0xFFFFC000  }
0xa5: {  	[tilespmem:s18], [sflag:$0x2] =	stream.indirect.gather [hbm4b:s4+s17], $0x80, s9, s17, $0xb8;
	[tilespmem:$0x1D000] =	vst v63  }
0xa6: {  	_ =	swait.ge [sflag:s19], $0x4000  }
0xa7: {  	[sflag:s19] =	ssyncset.done $0x0  }
0xa8: {  	[sflag:s19] =	ssyncadd.s32 $0xFFFFC000  }
0xa9: {  	[spmem:s2] =	stream.indirect.scatter.add.f32 [tilespmem:s14], [sflag:$0x3], $0x80, s10, s17, $0xb8;
	[tilespmem:$0x1D000] =	vst v63  }
0xaa: {  	_ =	swait.ge [sflag:s15], $0x4000  }
0xab: {  	[sflag:s15] =	ssyncset.done $0x0  }
0xac: {  	[sflag:s15] =	ssyncadd.s32 $0xFFFFC000  }
0xad: {  	[tilespmem:s14], [sflag:$0x1] =	stream.indirect.gather [hbm4b:s4+s17], $0x80, s11, s17, $0xb8;
	[tilespmem:$0x1D000] =	vst v63  }
0xae: {  	_ =	swait.ge [sflag:s21], $0x4000  }
0xaf: {  	[sflag:s21] =	ssyncset.done $0x0  }
0xb0: {  	[sflag:s21] =	ssyncadd.s32 $0xFFFFC000  }
0xb1: {  	[spmem:s2] =	stream.indirect.scatter.add.f32 [tilespmem:s18], [sflag:$0x3], $0x80, s12, s17, $0xb8;
	[tilespmem:$0x1D000] =	vst v63  }
0xb2: {  	_ =	swait.ge [sflag:s15], $0x4000  }
0xb3: {  	[sflag:s15] =	ssyncset.done $0x0  }
0xb4: {  	[sflag:s15] =	ssyncadd.s32 $0xFFFFC000  }
0xb5: {  	[tilespmem:s18], [sflag:$0x2] =	stream.indirect.gather [hbm4b:s4+s17], $0x80, s13, s17, $0xb8;
	[tilespmem:$0x1D000] =	vst v63  }
0xb6: {  	_ =	swait.ge [sflag:s19], $0x4000  }
0xb7: {  	[sflag:s19] =	ssyncset.done $0x0  }
0xb8: {  	[sflag:s19] =	ssyncadd.s32 $0xFFFFC000  }
0xb9: {  	[spmem:s2] =	stream.indirect.scatter.add.f32 [tilespmem:s14], [sflag:$0x3], $0x80, s5, s17, $0xb8;
	[tilespmem:$0x1D000] =	vst v63  }
0xba: {  	_ =	swait.ge [sflag:s15], $0x4000  }
0xbb: {  	[sflag:s15] =	ssyncset.done $0x0  }
0xbc: {  	[sflag:s15] =	ssyncadd.s32 $0xFFFFC000  }
0xbd: {  	p1 =	slt.u32 @!p0 s0, $0x8;
	_ =	swait.ge [sflag:s21], $0x4000  }
0xbe: {  	p1 =	por p0, !p1;
	[sflag:s21] =	ssyncset.done $0x0  }
.Ltmp1:
0xbf: {  	[sflag:s21] =	ssyncadd.s32 $0xFFFFC000;
	(pc) =	sbr.rel @!p1 .LBB2_4-.Ltmp1, $4  }
0xc0: {  	[spmem:s2] =	stream.indirect.scatter.add.f32 [tilespmem:s18], [sflag:$0x3], $0x80, s20, s17, $0xb8;
	[tilespmem:$0x1D000] =	vst v63  }
0xc1: {  	_ =	swait.ge [sflag:s15], $0x4000  }
0xc2: {  	s0 =	sadd.s32 $0x1, s0;
	[sflag:s15] =	ssyncset.done $0x0  }
0xc3: {  	s30 =	sadd.s32 $0x100, s30;
	s31 =	sadd.s32 $0x100, s31;
	[sflag:s15] =	ssyncadd.s32 $0xFFFFC000  }
0xc4: {  	s0 =	stileid.u32;
	[bflag:$0x0] =	sbarrier.arrive $0xFFFF  }
0xc5: {  	s0 =	sshll.u32 s0, $0x6;
	s1 =	rddreg [dreg:$0x3]  }
0xc6: {  	s30 =	rddreg [dreg:$0x4];
	s0 =	sor.u32 $0x1C03, s0;
	s1 =	sshrl.u32 s1, $0x3  }
0xc7: {  	[hbm:s30], [sflag:s0] =	dma.local [spmem:s1], $0x2800  }
0xc8: {  	_ =	swait.ge [sflag:s15], $0x2800  }
0xc9: {  	s30 =	rddreg [dreg:$0xc]  }
0xca: {  	s31 =	rddreg [dreg:$0x5];
	s1 =	sadd.s32 $0x1, s30  }
0xcb: {  	p1 =	sne.s32 s1, s31  }
.Ltmp2:
0xcc: {  	_ = 	snop;
	(pc) =	sbr.rel @p1 .LBB2_1-.Ltmp2, $3  }
0xcd: {  	_ =	sdelay $0x1  }
0xce: {  	[sflag:s15] =	ssyncset.done $0x0  }
0xcf: {  	[sflag:s15] =	ssyncadd.s32 $0xFFFFD800  }
0xd0: {  	_ =	sfence.sel $0x180000  }
0xd1: {  	[bflag:$0x0] =	sbarrier.arrive $0xFFFF  }
0xd2: {  	_ =	strace $0x90000047  }
0xd3: {  	s0 =	stileid.u32;
	[bflag:$0x2] =	sbarrier.arrive $0xFFFF  }
0xd4: {  	p0 =	sne.s32 s0, $0x0;
	s0 =	rddreg [dreg:$0x2]  }
0xd5: {  	s0 =	sadd.s32 @!p0 $0x100000, s0  }
0xd6: {  	[sflag:s0] =	ssyncadd.tile.s32 @!p0 $0x1;
	_ =	shalt  }
.Lfunc_end2:
_tile_overlayer_lowered:
.L_overlay_start_2:
0xd7: {  	(tag) =	ssettag $0x2  }
0xd8: {  	s0 =	rddreg [dreg:$0x0];
	s2 =	stileid.u32  }
0xd9: {  	s1 =	rddreg [dreg:$0x1];
	p0 =	sne.s32 s2, $0x0  }
0xda: {  	s3 =	rddreg [dreg:$0x2];
	[bflag:$0x3] =	sbarrier.arrive $0xFFFF;
	s2 =	simm.s32 @!p0 $0x1C03  }
0xdb: {  	[timem:s3], [sflag:s2] =	dma.local @!p0 [hbm:s0], s1  }
0xdc: {  	s0 =	simm.s32 @!p0 $0x3  }
0xdd: {  	_ =	swait.ge @!p0 [sflag:s0], s1  }
0xde: {  	s1 =	ssub.s32 @!p0 $0x0, s1;
	[sflag:s0] =	ssyncset.done @!p0 $0x0  }
0xdf: {  	[sflag:s0] =	ssyncadd.s32 @!p0 s1  }
0xe0: {  	[bflag:$0x3] =	sbarrier.arrive $0xFFFF  }
0xe1: {  	_ =	shalt  }

</sc_bundles>
